<compile_context>
chip_gen: v7x
topology: tpu7x:2x2x1
jax: 0.10.2.dev20260603
libtpu: 0.0.44.dev20260713+nightly
codegen_flags: <defaults>
</compile_context>

<pallas_src>
import functools

import jax
import jax.numpy as jnp
from jax import lax
from jax.experimental import pallas as pl
from jax.experimental.pallas import tpu as pltpu
from jax.experimental.pallas import tpu_sc as plsc

_NC, _NS, _LANES = 2, 16, 16


def _sc_chain_gather(inputs, prevs, positions, emb, B, T, D):
    mesh = plsc.VectorSubcoreMesh(
        core_axis_name="c", subcore_axis_name="s", num_cores=_NC, num_subcores=_NS
    )

    @functools.partial(
        pl.kernel,
        out_type=(
            jax.ShapeDtypeStruct((T * B, D), jnp.float32),
            jax.ShapeDtypeStruct((B, _LANES), jnp.int32),
        ),
        mesh=mesh,
        compiler_params=pltpu.CompilerParams(needs_layout_passes=False),
        scratch_types=[
            pltpu.VMEM((T,), jnp.int32),
            pltpu.VMEM((T,), jnp.int32),
            pltpu.VMEM((2 * B + _LANES,), jnp.int32),
            pltpu.VMEM((T,), jnp.int32),
            pltpu.VMEM((T,), jnp.int32),
            pltpu.VMEM((T,), jnp.int32),
            pltpu.VMEM((T,), jnp.int32),
            pltpu.VMEM((T // _LANES, _LANES), jnp.int32),
            pltpu.VMEM((T, D), jnp.float32),
            pltpu.VMEM((_LANES,), jnp.int32),
            pltpu.SemaphoreType.DMA,
        ],
    )
    def body(inputs_hbm, prevs_hbm, pos_hbm, emb_hbm, x_hbm, k_hbm,
             prevs_v, inputs_v, pos_v, fa_v, fb_v, tm_v, idx_v, didx_v,
             rows_v, kv_v, sem):
        c = lax.axis_index("c")
        s = lax.axis_index("s")
        b = s * _NC + c
        NCH = T // _LANES

        c1 = pltpu.async_copy(prevs_hbm.at[b], prevs_v, sem)
        c2 = pltpu.async_copy(inputs_hbm.at[b], inputs_v, sem)
        c3 = pltpu.async_copy(pos_hbm, pos_v.at[pl.ds(0, 2 * B)], sem)
        c1.wait()
        c2.wait()
        c3.wait()

        p = pos_v[pl.ds(2 * b + 1, _LANES)][0] - 1

        for ch in range(NCH):
            tm_v[pl.ds(ch * _LANES, _LANES)] = jnp.full((_LANES,), p, jnp.int32)

        fcur, fnxt = prevs_v, fa_v
        nbits = max(1, (T - 1).bit_length())
        for bit in range(nbits):
            for ch in range(NCH):
                m_ids = lax.iota(jnp.int32, _LANES) + ch * _LANES
                take = (m_ids & (1 << bit)) != 0
                v = tm_v[pl.ds(ch * _LANES, _LANES)]
                g = plsc.load_gather(fcur, [v])
                tm_v[pl.ds(ch * _LANES, _LANES)] = jnp.where(take, g, v)
            if bit + 1 < nbits:
                for ch in range(NCH):
                    v = fcur[pl.ds(ch * _LANES, _LANES)]
                    fnxt[pl.ds(ch * _LANES, _LANES)] = plsc.load_gather(fcur, [v])
                fcur, fnxt = fnxt, (fb_v if fnxt is fa_v else fa_v)

        nz = jnp.zeros((_LANES,), jnp.int32)
        for ch in range(NCH):
            v = tm_v[pl.ds(ch * _LANES, _LANES)]
            tokc = plsc.load_gather(inputs_v, [v])
            idx_v[pl.ds((NCH - 1 - ch) * _LANES, _LANES)] = lax.rev(tokc, (0,))
            nz = nz + jnp.where(v > 0, 1, 0)
        k = jnp.sum(nz) + 1

        for ch in range(NCH):
            didx_v[ch, :] = (
                lax.iota(jnp.int32, _LANES) + ch * _LANES
            ) * B + b

        kv_v[...] = jnp.full((_LANES,), k, jnp.int32)
        ck = pltpu.async_copy(kv_v, k_hbm.at[b], sem)

        for ch in range(NCH):
            @pl.when((ch + 1) * _LANES > T - k)
            def _():
                pltpu.async_copy(
                    emb_hbm.at[idx_v.at[pl.ds(ch * _LANES, _LANES)]],
                    rows_v.at[pl.ds(ch * _LANES, _LANES)],
                    sem,
                )

        for ch in range(NCH):
            @pl.when((ch + 1) * _LANES > T - k)
            def _():
                pltpu.make_async_copy(
                    emb_hbm.at[idx_v.at[pl.ds(ch * _LANES, _LANES)]],
                    rows_v.at[pl.ds(ch * _LANES, _LANES)],
                    sem,
                ).wait()

        for ch in range(NCH):
            @pl.when((ch + 1) * _LANES > T - k)
            def _():
                pltpu.async_copy(
                    rows_v.at[pl.ds(ch * _LANES, _LANES)],
                    x_hbm.at[didx_v.at[ch]],
                    sem,
                )

        for ch in range(NCH):
            @pl.when((ch + 1) * _LANES > T - k)
            def _():
                pltpu.make_async_copy(
                    rows_v.at[pl.ds(ch * _LANES, _LANES)],
                    x_hbm.at[didx_v.at[ch]],
                    sem,
                ).wait()

        ck.wait()

    return body(inputs, prevs, positions.reshape(-1), emb)


def _tc_lstm(x2d, kmat, wih_b, whh_b, bias2, wlin_b, blin2, B, T, D, H, L):
    XCH = 256

    def body(x_ref, k_ref, wih_ref, whh_ref, bias_ref, wlin_ref, blin_ref,
             out_ref, xg_ref):
        kvec = k_ref[...][:, 0:1]
        kmax = jnp.max(k_ref[...])
        svec = T - kvec

        wih = wih_ref[...]
        bias = bias_ref[...]
        spc = XCH // B
        for tc in range(T * B // XCH):
            @pl.when((tc + 1) * spc > T - kmax)
            def _():
                rb = x_ref[pl.ds(tc * XCH, XCH), :].astype(jnp.bfloat16)
                xg = jnp.dot(rb, wih, preferred_element_type=jnp.float32) + bias
                xg_ref[pl.ds(tc * spc, spc)] = xg.reshape(spc, B, 4 * H)

        whh = whh_ref[...]

        def step(j, hc):
            h, c = hc
            gates = xg_ref[j] + jnp.dot(
                h.astype(jnp.bfloat16), whh, preferred_element_type=jnp.float32
            )
            i_g = jax.nn.sigmoid(gates[:, 0:H])
            f_g = jax.nn.sigmoid(gates[:, H:2 * H])
            g_g = jnp.tanh(gates[:, 2 * H:3 * H])
            o_g = jax.nn.sigmoid(gates[:, 3 * H:4 * H])
            c_new = f_g * c + i_g * g_g
            h_new = o_g * jnp.tanh(c_new)
            valid = j >= svec
            return (
                jnp.where(valid, h_new, 0.0),
                jnp.where(valid, c_new, 0.0),
            )

        h0 = jnp.zeros((B, H), jnp.float32)
        h, _ = lax.fori_loop(T - kmax, T, step, (h0, h0))
        out_ref[...] = (
            jnp.dot(h.astype(jnp.bfloat16), wlin_ref[...],
                    preferred_element_type=jnp.float32)
            + blin_ref[...]
        )

    return pl.pallas_call(
        body,
        out_shape=jax.ShapeDtypeStruct((B, L), jnp.float32),
        scratch_shapes=[pltpu.VMEM((T, B, 4 * H), jnp.float32)],
    )(x2d, kmat, wih_b, whh_b, bias2, wlin_b, blin2)


def kernel(emb, W_ih, W_hh, b_ih, b_hh, W_lin, b_lin, inputs, positions, prevs):
    V, D = emb.shape
    B, T = inputs.shape
    H = W_hh.shape[1]
    L = W_lin.shape[0]

    x2d, kmat = _sc_chain_gather(inputs, prevs, positions, emb, B, T, D)

    wih_b = W_ih.T.astype(jnp.bfloat16)
    whh_b = W_hh.T.astype(jnp.bfloat16)
    bias2 = (b_ih + b_hh).reshape(1, 4 * H)
    wlin_b = W_lin.T.astype(jnp.bfloat16)
    blin2 = b_lin.reshape(1, L)

    return _tc_lstm(x2d, kmat, wih_b, whh_b, bias2, wlin_b, blin2, B, T, D, H, L)

# --- scband reference (transcript-rebuilt; emitter-appended) ---
"""Pipeline reference for scband-slulattice-rnn-31121333027061 (READ-ONLY COPY).

The authoritative reference and input builder live on the scoring server;
editing this copy changes nothing except your own understanding.
"""

import jax, jax.numpy as jnp
import numpy as np

B, T, V, D, H, L = 32, 128, 100000, 128, 128, 64

def setup_inputs(seed: int = 0):
    key = jax.random.key(seed)
    ks = jax.random.split(key, 12)
    inputs = jax.random.randint(ks[0], (B, T), 0, V)
    pos = jnp.sort(jax.random.randint(ks[1], (B, 2), 0, T), axis=1)
    positions = pos.at[:, 1].set(jnp.maximum(pos[:, 1], 1))
    r = jax.random.randint(ks[2], (B, T), 0, T)
    prevs = jnp.minimum(r, jnp.maximum(jnp.arange(T) - 1, 0)[None, :])
    s = 1.0 / np.sqrt(H)
    emb = jax.random.normal(ks[3], (V, D), dtype=jnp.float32) * 0.1
    W_ih = jax.random.uniform(ks[4], (4 * H, D), minval=-s, maxval=s, dtype=jnp.float32)
    W_hh = jax.random.uniform(ks[5], (4 * H, H), minval=-s, maxval=s, dtype=jnp.float32)
    b_ih = jax.random.uniform(ks[6], (4 * H,), minval=-s, maxval=s, dtype=jnp.float32)
    b_hh = jax.random.uniform(ks[7], (4 * H,), minval=-s, maxval=s, dtype=jnp.float32)
    W_lin = jax.random.uniform(ks[8], (L, H), minval=-s, maxval=s, dtype=jnp.float32)
    b_lin = jax.random.uniform(ks[9], (L,), minval=-s, maxval=s, dtype=jnp.float32)
    return {"emb": emb, "W_ih": W_ih, "W_hh": W_hh, "b_ih": b_ih, "b_hh": b_hh,
            "W_lin": W_lin, "b_lin": b_lin, "inputs": inputs, "positions": positions, "prevs": prevs}

def _lattice_lstm(x, prevs, W_ih, W_hh, b_ih, b_hh):
    Bb, Tt, _ = x.shape
    Hh = W_hh.shape[1]
    h = jnp.zeros((Bb, Hh), dtype=x.dtype)
    c = jnp.zeros((Bb, Hh), dtype=x.dtype)
    hs = jnp.zeros((Tt, Bb, Hh), dtype=x.dtype)
    cs = jnp.zeros((Tt, Bb, Hh), dtype=x.dtype)
    barange = jnp.arange(Bb)
    for t in range(Tt):
        if t > 0:
            # single-predecessor lattice: pooled state is a pure gather of a prior step's state
            idx = prevs[:, t]
            h = hs[idx, barange]
            c = cs[idx, barange]
        gates = x[:, t] @ W_ih.T + h @ W_hh.T + b_ih + b_hh
        i, f, g, o = jnp.split(gates, 4, axis=1)
        i = jax.nn.sigmoid(i)
        f = jax.nn.sigmoid(f)
        g = jnp.tanh(g)
        o = jax.nn.sigmoid(o)
        c = f * c + i * g
        h = o * jnp.tanh(c)
        hs = hs.at[t].set(h)
        cs = cs.at[t].set(c)
    return jnp.transpose(hs, (1, 0, 2))

def reference(emb, W_ih, W_hh, b_ih, b_hh, W_lin, b_lin, inputs, positions, prevs):
    # embedding lookup (gather)
    x = jnp.take(emb, inputs, axis=0)
    # single-layer unidirectional LatticeRNN
    output = _lattice_lstm(x, prevs, W_ih, W_hh, b_ih, b_hh)
    # pooling == 'last': gather output at positions[:, -1] - 1
    pooled = output[jnp.arange(output.shape[0]), positions[:, 1] - 1]
    logits = pooled @ W_lin.T + b_lin
    return logits

if False:  # reference __main__ guard neutralized (emitter)
    out = reference(**setup_inputs())
    print(out.shape)

if __name__ == "__main__":
    import jax
    _d = setup_inputs()
    print(jax.jit(kernel)(*tuple(_d.values())))

</pallas_src>

<mosaic_0001>
#map = affine_map<(d0, d1) -> (0, 0)>
#map1 = affine_map<(d0, d1) -> (0)>
module attributes {stable_mosaic.version = 14 : i64} {
  func.func @body(%arg0: i32, %arg1: i32, %arg2: memref<32x128xi32, #tpu.memory_space<hbm>>, %arg3: memref<32x128xi32, #tpu.memory_space<hbm>>, %arg4: memref<64xi32, #tpu.memory_space<hbm>>, %arg5: memref<100000x128xf32, #tpu.memory_space<hbm>>, %arg6: memref<4096x128xf32, #tpu.memory_space<hbm>>, %arg7: memref<32x16xi32, #tpu.memory_space<hbm>>, %arg8: memref<128xi32, #tpu.memory_space<vmem>>, %arg9: memref<128xi32, #tpu.memory_space<vmem>>, %arg10: memref<80xi32, #tpu.memory_space<vmem>>, %arg11: memref<128xi32, #tpu.memory_space<vmem>>, %arg12: memref<128xi32, #tpu.memory_space<vmem>>, %arg13: memref<128xi32, #tpu.memory_space<vmem>>, %arg14: memref<128xi32, #tpu.memory_space<vmem>>, %arg15: memref<8x16xi32, #tpu.memory_space<vmem>>, %arg16: memref<128x128xf32, #tpu.memory_space<vmem>>, %arg17: memref<16xi32, #tpu.memory_space<vmem>>, %arg18: memref<!tpu.dma_semaphore, #tpu.memory_space<semaphore_mem>>) attributes {dimension_semantics = [#tpu.dimension_semantics<core_parallel>, #tpu.dimension_semantics<subcore_parallel>], iteration_bounds = array<i64: 2, 16>, scalar_prefetch = 0 : i64, scratch_operands = 11 : i64, tpu.core_type = #tpu.core_type<sc_vector_subcore>, window_params = [{transform_indices = #map}, {transform_indices = #map}, {transform_indices = #map1}, {transform_indices = #map}, {transform_indices = #map}, {transform_indices = #map}]} {
    %mul3A = arith.constant 2 : i32
    %mul3A_0 = arith.muli %arg1, %mul3A : i32
    %add3A = arith.addi %mul3A_0, %arg0 : i32
    %dma_start3A = arith.constant 0 : i32
    %dma_start3A_1 = tpu.memref_slice %arg3[%add3A, %dma_start3A] : memref<32x128xi32, #tpu.memory_space<hbm>> -> memref<1x128xi32, #tpu.memory_space<hbm>>
    %dma_start3A_2 = tpu.memref_squeeze %dma_start3A_1 : memref<1x128xi32, #tpu.memory_space<hbm>> -> memref<128xi32, #tpu.memory_space<hbm>>
    %dma_start3A_3 = arith.constant 0 : i32
    %dma_start3A_4 = tpu.memref_slice %arg3[%add3A, %dma_start3A_3] : memref<32x128xi32, #tpu.memory_space<hbm>> -> memref<1x128xi32, #tpu.memory_space<hbm>>
    %dma_start3A_5 = tpu.memref_squeeze %dma_start3A_4 : memref<1x128xi32, #tpu.memory_space<hbm>> -> memref<128xi32, #tpu.memory_space<hbm>>
    tpu.enqueue_dma source(%dma_start3A_5 : memref<128xi32, #tpu.memory_space<hbm>>) target(%arg8 : memref<128xi32, #tpu.memory_space<vmem>>) target_semaphore(%arg18 : memref<!tpu.dma_semaphore, #tpu.memory_space<semaphore_mem>>)
    %dma_start3A_6 = arith.constant 0 : i32
    %dma_start3A_7 = tpu.memref_slice %arg2[%add3A, %dma_start3A_6] : memref<32x128xi32, #tpu.memory_space<hbm>> -> memref<1x128xi32, #tpu.memory_space<hbm>>
    %dma_start3A_8 = tpu.memref_squeeze %dma_start3A_7 : memref<1x128xi32, #tpu.memory_space<hbm>> -> memref<128xi32, #tpu.memory_space<hbm>>
    %dma_start3A_9 = arith.constant 0 : i32
    %dma_start3A_10 = tpu.memref_slice %arg2[%add3A, %dma_start3A_9] : memref<32x128xi32, #tpu.memory_space<hbm>> -> memref<1x128xi32, #tpu.memory_space<hbm>>
    %dma_start3A_11 = tpu.memref_squeeze %dma_start3A_10 : memref<1x128xi32, #tpu.memory_space<hbm>> -> memref<128xi32, #tpu.memory_space<hbm>>
    tpu.enqueue_dma source(%dma_start3A_11 : memref<128xi32, #tpu.memory_space<hbm>>) target(%arg9 : memref<128xi32, #tpu.memory_space<vmem>>) target_semaphore(%arg18 : memref<!tpu.dma_semaphore, #tpu.memory_space<semaphore_mem>>)
    %dma_start3A_12 = arith.constant 0 : i32
    %dma_start3A_13 = tpu.memref_slice %arg10[%dma_start3A_12] : memref<80xi32, #tpu.memory_space<vmem>> -> memref<64xi32, #tpu.memory_space<vmem>>
    %dma_start3A_14 = arith.constant 0 : i32
    %dma_start3A_15 = tpu.memref_slice %arg10[%dma_start3A_14] : memref<80xi32, #tpu.memory_space<vmem>> -> memref<64xi32, #tpu.memory_space<vmem>>
    tpu.enqueue_dma source(%arg4 : memref<64xi32, #tpu.memory_space<hbm>>) target(%dma_start3A_15 : memref<64xi32, #tpu.memory_space<vmem>>) target_semaphore(%arg18 : memref<!tpu.dma_semaphore, #tpu.memory_space<semaphore_mem>>)
    %dma_wait3A = arith.constant 0 : i32
    %dma_wait3A_16 = tpu.memref_slice %arg3[%add3A, %dma_wait3A] : memref<32x128xi32, #tpu.memory_space<hbm>> -> memref<1x128xi32, #tpu.memory_space<hbm>>
    %dma_wait3A_17 = tpu.memref_squeeze %dma_wait3A_16 : memref<1x128xi32, #tpu.memory_space<hbm>> -> memref<128xi32, #tpu.memory_space<hbm>>
    %dma_wait3A_18 = arith.constant 0 : i32
    %dma_wait3A_19 = tpu.memref_slice %arg3[%add3A, %dma_wait3A_18] : memref<32x128xi32, #tpu.memory_space<hbm>> -> memref<1x128xi32, #tpu.memory_space<hbm>>
    %dma_wait3A_20 = tpu.memref_squeeze %dma_wait3A_19 : memref<1x128xi32, #tpu.memory_space<hbm>> -> memref<128xi32, #tpu.memory_space<hbm>>
    tpu.wait_dma2 semaphore(%arg18 : memref<!tpu.dma_semaphore, #tpu.memory_space<semaphore_mem>>) src(%dma_wait3A_20 : memref<128xi32, #tpu.memory_space<hbm>>) dst(%arg8 : memref<128xi32, #tpu.memory_space<vmem>>)
    %dma_wait3A_21 = arith.constant 0 : i32
    %dma_wait3A_22 = tpu.memref_slice %arg2[%add3A, %dma_wait3A_21] : memref<32x128xi32, #tpu.memory_space<hbm>> -> memref<1x128xi32, #tpu.memory_space<hbm>>
    %dma_wait3A_23 = tpu.memref_squeeze %dma_wait3A_22 : memref<1x128xi32, #tpu.memory_space<hbm>> -> memref<128xi32, #tpu.memory_space<hbm>>
    %dma_wait3A_24 = arith.constant 0 : i32
    %dma_wait3A_25 = tpu.memref_slice %arg2[%add3A, %dma_wait3A_24] : memref<32x128xi32, #tpu.memory_space<hbm>> -> memref<1x128xi32, #tpu.memory_space<hbm>>
    %dma_wait3A_26 = tpu.memref_squeeze %dma_wait3A_25 : memref<1x128xi32, #tpu.memory_space<hbm>> -> memref<128xi32, #tpu.memory_space<hbm>>
    tpu.wait_dma2 semaphore(%arg18 : memref<!tpu.dma_semaphore, #tpu.memory_space<semaphore_mem>>) src(%dma_wait3A_26 : memref<128xi32, #tpu.memory_space<hbm>>) dst(%arg9 : memref<128xi32, #tpu.memory_space<vmem>>)
    %dma_wait3A_27 = arith.constant 0 : i32
    %dma_wait3A_28 = tpu.memref_slice %arg10[%dma_wait3A_27] : memref<80xi32, #tpu.memory_space<vmem>> -> memref<64xi32, #tpu.memory_space<vmem>>
    %dma_wait3A_29 = arith.constant 0 : i32
    %dma_wait3A_30 = tpu.memref_slice %arg10[%dma_wait3A_29] : memref<80xi32, #tpu.memory_space<vmem>> -> memref<64xi32, #tpu.memory_space<vmem>>
    tpu.wait_dma2 semaphore(%arg18 : memref<!tpu.dma_semaphore, #tpu.memory_space<semaphore_mem>>) src(%arg4 : memref<64xi32, #tpu.memory_space<hbm>>) dst(%dma_wait3A_30 : memref<64xi32, #tpu.memory_space<vmem>>)
    %mul3A_31 = arith.constant 2 : i32
    %mul3A_32 = arith.muli %mul3A_31, %add3A : i32
    %add3A_33 = arith.constant 1 : i32
    %add3A_34 = arith.addi %mul3A_32, %add3A_33 : i32
    %get3A = arith.index_cast %add3A_34 : i32 to index
    %get3A_35 = tpu.vector_load %arg10[%get3A] {strides = array<i32>} : memref<80xi32, #tpu.memory_space<vmem>>, vector<16xi32>,
    %slice3A = vector.extract_strided_slice %get3A_35 {offsets = [0], sizes = [1], strides = [1]} : vector<16xi32> to vector<1xi32>
    %squeeze3A = vector.extract %slice3A[0] : i32 from vector<1xi32>
    %sub3A = arith.constant 1 : i32
    %sub3A_36 = arith.subi %squeeze3A, %sub3A : i32
    %broadcast_in_dim3A = vector.broadcast %sub3A_36 : i32 to vector<16xi32>
    %swap3A = arith.constant 0 : index
    %swap3A_37 = tpu.vector_load %arg13[%swap3A] {strides = array<i32>} : memref<128xi32, #tpu.memory_space<vmem>>, vector<16xi32>,
    tpu.vector_store %arg13[%swap3A], %broadcast_in_dim3A {strides = array<i32>} : memref<128xi32, #tpu.memory_space<vmem>>, vector<16xi32>,
    %broadcast_in_dim3A_38 = vector.broadcast %sub3A_36 : i32 to vector<16xi32>
    %swap3A_39 = arith.constant 16 : index
    %swap3A_40 = tpu.vector_load %arg13[%swap3A_39] {strides = array<i32>} : memref<128xi32, #tpu.memory_space<vmem>>, vector<16xi32>,
    tpu.vector_store %arg13[%swap3A_39], %broadcast_in_dim3A_38 {strides = array<i32>} : memref<128xi32, #tpu.memory_space<vmem>>, vector<16xi32>,
    %broadcast_in_dim3A_41 = vector.broadcast %sub3A_36 : i32 to vector<16xi32>
    %swap3A_42 = arith.constant 32 : index
    %swap3A_43 = tpu.vector_load %arg13[%swap3A_42] {strides = array<i32>} : memref<128xi32, #tpu.memory_space<vmem>>, vector<16xi32>,
    tpu.vector_store %arg13[%swap3A_42], %broadcast_in_dim3A_41 {strides = array<i32>} : memref<128xi32, #tpu.memory_space<vmem>>, vector<16xi32>,
    %broadcast_in_dim3A_44 = vector.broadcast %sub3A_36 : i32 to vector<16xi32>
    %swap3A_45 = arith.constant 48 : index
    %swap3A_46 = tpu.vector_load %arg13[%swap3A_45] {strides = array<i32>} : memref<128xi32, #tpu.memory_space<vmem>>, vector<16xi32>,
    tpu.vector_store %arg13[%swap3A_45], %broadcast_in_dim3A_44 {strides = array<i32>} : memref<128xi32, #tpu.memory_space<vmem>>, vector<16xi32>,
    %broadcast_in_dim3A_47 = vector.broadcast %sub3A_36 : i32 to vector<16xi32>
    %swap3A_48 = arith.constant 64 : index
    %swap3A_49 = tpu.vector_load %arg13[%swap3A_48] {strides = array<i32>} : memref<128xi32, #tpu.memory_space<vmem>>, vector<16xi32>,
    tpu.vector_store %arg13[%swap3A_48], %broadcast_in_dim3A_47 {strides = array<i32>} : memref<128xi32, #tpu.memory_space<vmem>>, vector<16xi32>,
    %broadcast_in_dim3A_50 = vector.broadcast %sub3A_36 : i32 to vector<16xi32>
    %swap3A_51 = arith.constant 80 : index
    %swap3A_52 = tpu.vector_load %arg13[%swap3A_51] {strides = array<i32>} : memref<128xi32, #tpu.memory_space<vmem>>, vector<16xi32>,
    tpu.vector_store %arg13[%swap3A_51], %broadcast_in_dim3A_50 {strides = array<i32>} : memref<128xi32, #tpu.memory_space<vmem>>, vector<16xi32>,
    %broadcast_in_dim3A_53 = vector.broadcast %sub3A_36 : i32 to vector<16xi32>
    %swap3A_54 = arith.constant 96 : index
    %swap3A_55 = tpu.vector_load %arg13[%swap3A_54] {strides = array<i32>} : memref<128xi32, #tpu.memory_space<vmem>>, vector<16xi32>,
    tpu.vector_store %arg13[%swap3A_54], %broadcast_in_dim3A_53 {strides = array<i32>} : memref<128xi32, #tpu.memory_space<vmem>>, vector<16xi32>,
    %broadcast_in_dim3A_56 = vector.broadcast %sub3A_36 : i32 to vector<16xi32>
    %swap3A_57 = arith.constant 112 : index
    %swap3A_58 = tpu.vector_load %arg13[%swap3A_57] {strides = array<i32>} : memref<128xi32, #tpu.memory_space<vmem>>, vector<16xi32>,
    tpu.vector_store %arg13[%swap3A_57], %broadcast_in_dim3A_56 {strides = array<i32>} : memref<128xi32, #tpu.memory_space<vmem>>, vector<16xi32>,
    %iota3A = tpu.iota {dimensions = array<i32: 0>} : vector<16xi32>
    %add3A_59 = arith.constant 0 : i32
    %add3A_60 = vector.broadcast %add3A_59 : i32 to vector<16xi32>
    %add3A_61 = arith.addi %iota3A, %add3A_60 : vector<16xi32>
    %and3A = arith.constant 1 : i32
    %and3A_62 = vector.broadcast %and3A : i32 to vector<16xi32>
    %and3A_63 = arith.andi %add3A_61, %and3A_62 : vector<16xi32>
    %ne3A = arith.constant 0 : i32
    %ne3A_64 = vector.broadcast %ne3A : i32 to vector<16xi32>
    %ne3A_65 = arith.cmpi ne, %and3A_63, %ne3A_64 : vector<16xi32>
    %get3A_66 = arith.constant 0 : index
    %get3A_67 = tpu.vector_load %arg13[%get3A_66] {strides = array<i32>} : memref<128xi32, #tpu.memory_space<vmem>>, vector<16xi32>,
    %gather3A = tpu.vector_load_idx %arg8[%get3A_67] : memref<128xi32, #tpu.memory_space<vmem>>[vector<16xi32>], vector<16xi32>,
    %select_n3A = arith.select %ne3A_65, %gather3A, %get3A_67 : vector<16xi1>, vector<16xi32>
    %swap3A_68 = arith.constant 0 : index
    %swap3A_69 = tpu.vector_load %arg13[%swap3A_68] {strides = array<i32>} : memref<128xi32, #tpu.memory_space<vmem>>, vector<16xi32>,
    tpu.vector_store %arg13[%swap3A_68], %select_n3A {strides = array<i32>} : memref<128xi32, #tpu.memory_space<vmem>>, vector<16xi32>,
    %iota3A_70 = tpu.iota {dimensions = array<i32: 0>} : vector<16xi32>
    %add3A_71 = arith.constant 16 : i32
    %add3A_72 = vector.broadcast %add3A_71 : i32 to vector<16xi32>
    %add3A_73 = arith.addi %iota3A_70, %add3A_72 : vector<16xi32>
    %and3A_74 = arith.constant 1 : i32
    %and3A_75 = vector.broadcast %and3A_74 : i32 to vector<16xi32>
    %and3A_76 = arith.andi %add3A_73, %and3A_75 : vector<16xi32>
    %ne3A_77 = arith.constant 0 : i32
    %ne3A_78 = vector.broadcast %ne3A_77 : i32 to vector<16xi32>
    %ne3A_79 = arith.cmpi ne, %and3A_76, %ne3A_78 : vector<16xi32>
    %get3A_80 = arith.constant 16 : index
    %get3A_81 = tpu.vector_load %arg13[%get3A_80] {strides = array<i32>} : memref<128xi32, #tpu.memory_space<vmem>>, vector<16xi32>,
    %gather3A_82 = tpu.vector_load_idx %arg8[%get3A_81] : memref<128xi32, #tpu.memory_space<vmem>>[vector<16xi32>], vector<16xi32>,
    %select_n3A_83 = arith.select %ne3A_79, %gather3A_82, %get3A_81 : vector<16xi1>, vector<16xi32>
    %swap3A_84 = arith.constant 16 : index
    %swap3A_85 = tpu.vector_load %arg13[%swap3A_84] {strides = array<i32>} : memref<128xi32, #tpu.memory_space<vmem>>, vector<16xi32>,
    tpu.vector_store %arg13[%swap3A_84], %select_n3A_83 {strides = array<i32>} : memref<128xi32, #tpu.memory_space<vmem>>, vector<16xi32>,
    %iota3A_86 = tpu.iota {dimensions = array<i32: 0>} : vector<16xi32>
    %add3A_87 = arith.constant 32 : i32
    %add3A_88 = vector.broadcast %add3A_87 : i32 to vector<16xi32>
    %add3A_89 = arith.addi %iota3A_86, %add3A_88 : vector<16xi32>
    %and3A_90 = arith.constant 1 : i32
    %and3A_91 = vector.broadcast %and3A_90 : i32 to vector<16xi32>
    %and3A_92 = arith.andi %add3A_89, %and3A_91 : vector<16xi32>
    %ne3A_93 = arith.constant 0 : i32
    %ne3A_94 = vector.broadcast %ne3A_93 : i32 to vector<16xi32>
    %ne3A_95 = arith.cmpi ne, %and3A_92, %ne3A_94 : vector<16xi32>
    %get3A_96 = arith.constant 32 : index
    %get3A_97 = tpu.vector_load %arg13[%get3A_96] {strides = array<i32>} : memref<128xi32, #tpu.memory_space<vmem>>, vector<16xi32>,
    %gather3A_98 = tpu.vector_load_idx %arg8[%get3A_97] : memref<128xi32, #tpu.memory_space<vmem>>[vector<16xi32>], vector<16xi32>,
    %select_n3A_99 = arith.select %ne3A_95, %gather3A_98, %get3A_97 : vector<16xi1>, vector<16xi32>
    %swap3A_100 = arith.constant 32 : index
    %swap3A_101 = tpu.vector_load %arg13[%swap3A_100] {strides = array<i32>} : memref<128xi32, #tpu.memory_space<vmem>>, vector<16xi32>,
    tpu.vector_store %arg13[%swap3A_100], %select_n3A_99 {strides = array<i32>} : memref<128xi32, #tpu.memory_space<vmem>>, vector<16xi32>,
    %iota3A_102 = tpu.iota {dimensions = array<i32: 0>} : vector<16xi32>
    %add3A_103 = arith.constant 48 : i32
    %add3A_104 = vector.broadcast %add3A_103 : i32 to vector<16xi32>
    %add3A_105 = arith.addi %iota3A_102, %add3A_104 : vector<16xi32>
    %and3A_106 = arith.constant 1 : i32
    %and3A_107 = vector.broadcast %and3A_106 : i32 to vector<16xi32>
    %and3A_108 = arith.andi %add3A_105, %and3A_107 : vector<16xi32>
    %ne3A_109 = arith.constant 0 : i32
    %ne3A_110 = vector.broadcast %ne3A_109 : i32 to vector<16xi32>
    %ne3A_111 = arith.cmpi ne, %and3A_108, %ne3A_110 : vector<16xi32>
    %get3A_112 = arith.constant 48 : index
    %get3A_113 = tpu.vector_load %arg13[%get3A_112] {strides = array<i32>} : memref<128xi32, #tpu.memory_space<vmem>>, vector<16xi32>,
    %gather3A_114 = tpu.vector_load_idx %arg8[%get3A_113] : memref<128xi32, #tpu.memory_space<vmem>>[vector<16xi32>], vector<16xi32>,
    %select_n3A_115 = arith.select %ne3A_111, %gather3A_114, %get3A_113 : vector<16xi1>, vector<16xi32>
    %swap3A_116 = arith.constant 48 : index
    %swap3A_117 = tpu.vector_load %arg13[%swap3A_116] {strides = array<i32>} : memref<128xi32, #tpu.memory_space<vmem>>, vector<16xi32>,
    tpu.vector_store %arg13[%swap3A_116], %select_n3A_115 {strides = array<i32>} : memref<128xi32, #tpu.memory_space<vmem>>, vector<16xi32>,
    %iota3A_118 = tpu.iota {dimensions = array<i32: 0>} : vector<16xi32>
    %add3A_119 = arith.constant 64 : i32
    %add3A_120 = vector.broadcast %add3A_119 : i32 to vector<16xi32>
    %add3A_121 = arith.addi %iota3A_118, %add3A_120 : vector<16xi32>
    %and3A_122 = arith.constant 1 : i32
    %and3A_123 = vector.broadcast %and3A_122 : i32 to vector<16xi32>
    %and3A_124 = arith.andi %add3A_121, %and3A_123 : vector<16xi32>
    %ne3A_125 = arith.constant 0 : i32
    %ne3A_126 = vector.broadcast %ne3A_125 : i32 to vector<16xi32>
    %ne3A_127 = arith.cmpi ne, %and3A_124, %ne3A_126 : vector<16xi32>
    %get3A_128 = arith.constant 64 : index
    %get3A_129 = tpu.vector_load %arg13[%get3A_128] {strides = array<i32>} : memref<128xi32, #tpu.memory_space<vmem>>, vector<16xi32>,
    %gather3A_130 = tpu.vector_load_idx %arg8[%get3A_129] : memref<128xi32, #tpu.memory_space<vmem>>[vector<16xi32>], vector<16xi32>,
    %select_n3A_131 = arith.select %ne3A_127, %gather3A_130, %get3A_129 : vector<16xi1>, vector<16xi32>
    %swap3A_132 = arith.constant 64 : index
    %swap3A_133 = tpu.vector_load %arg13[%swap3A_132] {strides = array<i32>} : memref<128xi32, #tpu.memory_space<vmem>>, vector<16xi32>,
    tpu.vector_store %arg13[%swap3A_132], %select_n3A_131 {strides = array<i32>} : memref<128xi32, #tpu.memory_space<vmem>>, vector<16xi32>,
    %iota3A_134 = tpu.iota {dimensions = array<i32: 0>} : vector<16xi32>
    %add3A_135 = arith.constant 80 : i32
    %add3A_136 = vector.broadcast %add3A_135 : i32 to vector<16xi32>
    %add3A_137 = arith.addi %iota3A_134, %add3A_136 : vector<16xi32>
    %and3A_138 = arith.constant 1 : i32
    %and3A_139 = vector.broadcast %and3A_138 : i32 to vector<16xi32>
    %and3A_140 = arith.andi %add3A_137, %and3A_139 : vector<16xi32>
    %ne3A_141 = arith.constant 0 : i32
    %ne3A_142 = vector.broadcast %ne3A_141 : i32 to vector<16xi32>
    %ne3A_143 = arith.cmpi ne, %and3A_140, %ne3A_142 : vector<16xi32>
    %get3A_144 = arith.constant 80 : index
    %get3A_145 = tpu.vector_load %arg13[%get3A_144] {strides = array<i32>} : memref<128xi32, #tpu.memory_space<vmem>>, vector<16xi32>,
    %gather3A_146 = tpu.vector_load_idx %arg8[%get3A_145] : memref<128xi32, #tpu.memory_space<vmem>>[vector<16xi32>], vector<16xi32>,
    %select_n3A_147 = arith.select %ne3A_143, %gather3A_146, %get3A_145 : vector<16xi1>, vector<16xi32>
    %swap3A_148 = arith.constant 80 : index
    %swap3A_149 = tpu.vector_load %arg13[%swap3A_148] {strides = array<i32>} : memref<128xi32, #tpu.memory_space<vmem>>, vector<16xi32>,
    tpu.vector_store %arg13[%swap3A_148], %select_n3A_147 {strides = array<i32>} : memref<128xi32, #tpu.memory_space<vmem>>, vector<16xi32>,
    %iota3A_150 = tpu.iota {dimensions = array<i32: 0>} : vector<16xi32>
    %add3A_151 = arith.constant 96 : i32
    %add3A_152 = vector.broadcast %add3A_151 : i32 to vector<16xi32>
    %add3A_153 = arith.addi %iota3A_150, %add3A_152 : vector<16xi32>
    %and3A_154 = arith.constant 1 : i32
    %and3A_155 = vector.broadcast %and3A_154 : i32 to vector<16xi32>
    %and3A_156 = arith.andi %add3A_153, %and3A_155 : vector<16xi32>
    %ne3A_157 = arith.constant 0 : i32
    %ne3A_158 = vector.broadcast %ne3A_157 : i32 to vector<16xi32>
    %ne3A_159 = arith.cmpi ne, %and3A_156, %ne3A_158 : vector<16xi32>
    %get3A_160 = arith.constant 96 : index
    %get3A_161 = tpu.vector_load %arg13[%get3A_160] {strides = array<i32>} : memref<128xi32, #tpu.memory_space<vmem>>, vector<16xi32>,
    %gather3A_162 = tpu.vector_load_idx %arg8[%get3A_161] : memref<128xi32, #tpu.memory_space<vmem>>[vector<16xi32>], vector<16xi32>,
    %select_n3A_163 = arith.select %ne3A_159, %gather3A_162, %get3A_161 : vector<16xi1>, vector<16xi32>
    %swap3A_164 = arith.constant 96 : index
    %swap3A_165 = tpu.vector_load %arg13[%swap3A_164] {strides = array<i32>} : memref<128xi32, #tpu.memory_space<vmem>>, vector<16xi32>,
    tpu.vector_store %arg13[%swap3A_164], %select_n3A_163 {strides = array<i32>} : memref<128xi32, #tpu.memory_space<vmem>>, vector<16xi32>,
    %iota3A_166 = tpu.iota {dimensions = array<i32: 0>} : vector<16xi32>
    %add3A_167 = arith.constant 112 : i32
    %add3A_168 = vector.broadcast %add3A_167 : i32 to vector<16xi32>
    %add3A_169 = arith.addi %iota3A_166, %add3A_168 : vector<16xi32>
    %and3A_170 = arith.constant 1 : i32
    %and3A_171 = vector.broadcast %and3A_170 : i32 to vector<16xi32>
    %and3A_172 = arith.andi %add3A_169, %and3A_171 : vector<16xi32>
    %ne3A_173 = arith.constant 0 : i32
    %ne3A_174 = vector.broadcast %ne3A_173 : i32 to vector<16xi32>
    %ne3A_175 = arith.cmpi ne, %and3A_172, %ne3A_174 : vector<16xi32>
    %get3A_176 = arith.constant 112 : index
    %get3A_177 = tpu.vector_load %arg13[%get3A_176] {strides = array<i32>} : memref<128xi32, #tpu.memory_space<vmem>>, vector<16xi32>,
    %gather3A_178 = tpu.vector_load_idx %arg8[%get3A_177] : memref<128xi32, #tpu.memory_space<vmem>>[vector<16xi32>], vector<16xi32>,
    %select_n3A_179 = arith.select %ne3A_175, %gather3A_178, %get3A_177 : vector<16xi1>, vector<16xi32>
    %swap3A_180 = arith.constant 112 : index
    %swap3A_181 = tpu.vector_load %arg13[%swap3A_180] {strides = array<i32>} : memref<128xi32, #tpu.memory_space<vmem>>, vector<16xi32>,
    tpu.vector_store %arg13[%swap3A_180], %select_n3A_179 {strides = array<i32>} : memref<128xi32, #tpu.memory_space<vmem>>, vector<16xi32>,
    %get3A_182 = arith.constant 0 : index
    %get3A_183 = tpu.vector_load %arg8[%get3A_182] {strides = array<i32>} : memref<128xi32, #tpu.memory_space<vmem>>, vector<16xi32>,
    %gather3A_184 = tpu.vector_load_idx %arg8[%get3A_183] : memref<128xi32, #tpu.memory_space<vmem>>[vector<16xi32>], vector<16xi32>,
    %swap3A_185 = arith.constant 0 : index
    %swap3A_186 = tpu.vector_load %arg11[%swap3A_185] {strides = array<i32>} : memref<128xi32, #tpu.memory_space<vmem>>, vector<16xi32>,
    tpu.vector_store %arg11[%swap3A_185], %gather3A_184 {strides = array<i32>} : memref<128xi32, #tpu.memory_space<vmem>>, vector<16xi32>,
    %get3A_187 = arith.constant 16 : index
    %get3A_188 = tpu.vector_load %arg8[%get3A_187] {strides = array<i32>} : memref<128xi32, #tpu.memory_space<vmem>>, vector<16xi32>,
    %gather3A_189 = tpu.vector_load_idx %arg8[%get3A_188] : memref<128xi32, #tpu.memory_space<vmem>>[vector<16xi32>], vector<16xi32>,
    %swap3A_190 = arith.constant 16 : index
    %swap3A_191 = tpu.vector_load %arg11[%swap3A_190] {strides = array<i32>} : memref<128xi32, #tpu.memory_space<vmem>>, vector<16xi32>,
    tpu.vector_store %arg11[%swap3A_190], %gather3A_189 {strides = array<i32>} : memref<128xi32, #tpu.memory_space<vmem>>, vector<16xi32>,
    %get3A_192 = arith.constant 32 : index
    %get3A_193 = tpu.vector_load %arg8[%get3A_192] {strides = array<i32>} : memref<128xi32, #tpu.memory_space<vmem>>, vector<16xi32>,
    %gather3A_194 = tpu.vector_load_idx %arg8[%get3A_193] : memref<128xi32, #tpu.memory_space<vmem>>[vector<16xi32>], vector<16xi32>,
    %swap3A_195 = arith.constant 32 : index
    %swap3A_196 = tpu.vector_load %arg11[%swap3A_195] {strides = array<i32>} : memref<128xi32, #tpu.memory_space<vmem>>, vector<16xi32>,
    tpu.vector_store %arg11[%swap3A_195], %gather3A_194 {strides = array<i32>} : memref<128xi32, #tpu.memory_space<vmem>>, vector<16xi32>,
    %get3A_197 = arith.constant 48 : index
    %get3A_198 = tpu.vector_load %arg8[%get3A_197] {strides = array<i32>} : memref<128xi32, #tpu.memory_space<vmem>>, vector<16xi32>,
    %gather3A_199 = tpu.vector_load_idx %arg8[%get3A_198] : memref<128xi32, #tpu.memory_space<vmem>>[vector<16xi32>], vector<16xi32>,
    %swap3A_200 = arith.constant 48 : index
    %swap3A_201 = tpu.vector_load %arg11[%swap3A_200] {strides = array<i32>} : memref<128xi32, #tpu.memory_space<vmem>>, vector<16xi32>,
    tpu.vector_store %arg11[%swap3A_200], %gather3A_199 {strides = array<i32>} : memref<128xi32, #tpu.memory_space<vmem>>, vector<16xi32>,
    %get3A_202 = arith.constant 64 : index
    %get3A_203 = tpu.vector_load %arg8[%get3A_202] {strides = array<i32>} : memref<128xi32, #tpu.memory_space<vmem>>, vector<16xi32>,
    %gather3A_204 = tpu.vector_load_idx %arg8[%get3A_203] : memref<128xi32, #tpu.memory_space<vmem>>[vector<16xi32>], vector<16xi32>,
    %swap3A_205 = arith.constant 64 : index
    %swap3A_206 = tpu.vector_load %arg11[%swap3A_205] {strides = array<i32>} : memref<128xi32, #tpu.memory_space<vmem>>, vector<16xi32>,
    tpu.vector_store %arg11[%swap3A_205], %gather3A_204 {strides = array<i32>} : memref<128xi32, #tpu.memory_space<vmem>>, vector<16xi32>,
    %get3A_207 = arith.constant 80 : index
    %get3A_208 = tpu.vector_load %arg8[%get3A_207] {strides = array<i32>} : memref<128xi32, #tpu.memory_space<vmem>>, vector<16xi32>,
    %gather3A_209 = tpu.vector_load_idx %arg8[%get3A_208] : memref<128xi32, #tpu.memory_space<vmem>>[vector<16xi32>], vector<16xi32>,
    %swap3A_210 = arith.constant 80 : index
    %swap3A_211 = tpu.vector_load %arg11[%swap3A_210] {strides = array<i32>} : memref<128xi32, #tpu.memory_space<vmem>>, vector<16xi32>,
    tpu.vector_store %arg11[%swap3A_210], %gather3A_209 {strides = array<i32>} : memref<128xi32, #tpu.memory_space<vmem>>, vector<16xi32>,
    %get3A_212 = arith.constant 96 : index
    %get3A_213 = tpu.vector_load %arg8[%get3A_212] {strides = array<i32>} : memref<128xi32, #tpu.memory_space<vmem>>, vector<16xi32>,
    %gather3A_214 = tpu.vector_load_idx %arg8[%get3A_213] : memref<128xi32, #tpu.memory_space<vmem>>[vector<16xi32>], vector<16xi32>,
    %swap3A_215 = arith.constant 96 : index
    %swap3A_216 = tpu.vector_load %arg11[%swap3A_215] {strides = array<i32>} : memref<128xi32, #tpu.memory_space<vmem>>, vector<16xi32>,
    tpu.vector_store %arg11[%swap3A_215], %gather3A_214 {strides = array<i32>} : memref<128xi32, #tpu.memory_space<vmem>>, vector<16xi32>,
    %get3A_217 = arith.constant 112 : index
    %get3A_218 = tpu.vector_load %arg8[%get3A_217] {strides = array<i32>} : memref<128xi32, #tpu.memory_space<vmem>>, vector<16xi32>,
    %gather3A_219 = tpu.vector_load_idx %arg8[%get3A_218] : memref<128xi32, #tpu.memory_space<vmem>>[vector<16xi32>], vector<16xi32>,
    %swap3A_220 = arith.constant 112 : index
    %swap3A_221 = tpu.vector_load %arg11[%swap3A_220] {strides = array<i32>} : memref<128xi32, #tpu.memory_space<vmem>>, vector<16xi32>,
    tpu.vector_store %arg11[%swap3A_220], %gather3A_219 {strides = array<i32>} : memref<128xi32, #tpu.memory_space<vmem>>, vector<16xi32>,
    %iota3A_222 = tpu.iota {dimensions = array<i32: 0>} : vector<16xi32>
    %add3A_223 = arith.constant 0 : i32
    %add3A_224 = vector.broadcast %add3A_223 : i32 to vector<16xi32>
    %add3A_225 = arith.addi %iota3A_222, %add3A_224 : vector<16xi32>
    %and3A_226 = arith.constant 2 : i32
    %and3A_227 = vector.broadcast %and3A_226 : i32 to vector<16xi32>
    %and3A_228 = arith.andi %add3A_225, %and3A_227 : vector<16xi32>
    %ne3A_229 = arith.constant 0 : i32
    %ne3A_230 = vector.broadcast %ne3A_229 : i32 to vector<16xi32>
    %ne3A_231 = arith.cmpi ne, %and3A_228, %ne3A_230 : vector<16xi32>
    %get3A_232 = arith.constant 0 : index
    %get3A_233 = tpu.vector_load %arg13[%get3A_232] {strides = array<i32>} : memref<128xi32, #tpu.memory_space<vmem>>, vector<16xi32>,
    %gather3A_234 = tpu.vector_load_idx %arg11[%get3A_233] : memref<128xi32, #tpu.memory_space<vmem>>[vector<16xi32>], vector<16xi32>,
    %select_n3A_235 = arith.select %ne3A_231, %gather3A_234, %get3A_233 : vector<16xi1>, vector<16xi32>
    %swap3A_236 = arith.constant 0 : index
    %swap3A_237 = tpu.vector_load %arg13[%swap3A_236] {strides = array<i32>} : memref<128xi32, #tpu.memory_space<vmem>>, vector<16xi32>,
    tpu.vector_store %arg13[%swap3A_236], %select_n3A_235 {strides = array<i32>} : memref<128xi32, #tpu.memory_space<vmem>>, vector<16xi32>,
    %iota3A_238 = tpu.iota {dimensions = array<i32: 0>} : vector<16xi32>
    %add3A_239 = arith.constant 16 : i32
    %add3A_240 = vector.broadcast %add3A_239 : i32 to vector<16xi32>
    %add3A_241 = arith.addi %iota3A_238, %add3A_240 : vector<16xi32>
    %and3A_242 = arith.constant 2 : i32
    %and3A_243 = vector.broadcast %and3A_242 : i32 to vector<16xi32>
    %and3A_244 = arith.andi %add3A_241, %and3A_243 : vector<16xi32>
    %ne3A_245 = arith.constant 0 : i32
    %ne3A_246 = vector.broadcast %ne3A_245 : i32 to vector<16xi32>
    %ne3A_247 = arith.cmpi ne, %and3A_244, %ne3A_246 : vector<16xi32>
    %get3A_248 = arith.constant 16 : index
    %get3A_249 = tpu.vector_load %arg13[%get3A_248] {strides = array<i32>} : memref<128xi32, #tpu.memory_space<vmem>>, vector<16xi32>,
    %gather3A_250 = tpu.vector_load_idx %arg11[%get3A_249] : memref<128xi32, #tpu.memory_space<vmem>>[vector<16xi32>], vector<16xi32>,
    %select_n3A_251 = arith.select %ne3A_247, %gather3A_250, %get3A_249 : vector<16xi1>, vector<16xi32>
    %swap3A_252 = arith.constant 16 : index
    %swap3A_253 = tpu.vector_load %arg13[%swap3A_252] {strides = array<i32>} : memref<128xi32, #tpu.memory_space<vmem>>, vector<16xi32>,
    tpu.vector_store %arg13[%swap3A_252], %select_n3A_251 {strides = array<i32>} : memref<128xi32, #tpu.memory_space<vmem>>, vector<16xi32>,
    %iota3A_254 = tpu.iota {dimensions = array<i32: 0>} : vector<16xi32>
    %add3A_255 = arith.constant 32 : i32
    %add3A_256 = vector.broadcast %add3A_255 : i32 to vector<16xi32>
    %add3A_257 = arith.addi %iota3A_254, %add3A_256 : vector<16xi32>
    %and3A_258 = arith.constant 2 : i32
    %and3A_259 = vector.broadcast %and3A_258 : i32 to vector<16xi32>
    %and3A_260 = arith.andi %add3A_257, %and3A_259 : vector<16xi32>
    %ne3A_261 = arith.constant 0 : i32
    %ne3A_262 = vector.broadcast %ne3A_261 : i32 to vector<16xi32>
    %ne3A_263 = arith.cmpi ne, %and3A_260, %ne3A_262 : vector<16xi32>
    %get3A_264 = arith.constant 32 : index
    %get3A_265 = tpu.vector_load %arg13[%get3A_264] {strides = array<i32>} : memref<128xi32, #tpu.memory_space<vmem>>, vector<16xi32>,
    %gather3A_266 = tpu.vector_load_idx %arg11[%get3A_265] : memref<128xi32, #tpu.memory_space<vmem>>[vector<16xi32>], vector<16xi32>,
    %select_n3A_267 = arith.select %ne3A_263, %gather3A_266, %get3A_265 : vector<16xi1>, vector<16xi32>
    %swap3A_268 = arith.constant 32 : index
    %swap3A_269 = tpu.vector_load %arg13[%swap3A_268] {strides = array<i32>} : memref<128xi32, #tpu.memory_space<vmem>>, vector<16xi32>,
    tpu.vector_store %arg13[%swap3A_268], %select_n3A_267 {strides = array<i32>} : memref<128xi32, #tpu.memory_space<vmem>>, vector<16xi32>,
    %iota3A_270 = tpu.iota {dimensions = array<i32: 0>} : vector<16xi32>
    %add3A_271 = arith.constant 48 : i32
    %add3A_272 = vector.broadcast %add3A_271 : i32 to vector<16xi32>
    %add3A_273 = arith.addi %iota3A_270, %add3A_272 : vector<16xi32>
    %and3A_274 = arith.constant 2 : i32
    %and3A_275 = vector.broadcast %and3A_274 : i32 to vector<16xi32>
    %and3A_276 = arith.andi %add3A_273, %and3A_275 : vector<16xi32>
    %ne3A_277 = arith.constant 0 : i32
    %ne3A_278 = vector.broadcast %ne3A_277 : i32 to vector<16xi32>
    %ne3A_279 = arith.cmpi ne, %and3A_276, %ne3A_278 : vector<16xi32>
    %get3A_280 = arith.constant 48 : index
    %get3A_281 = tpu.vector_load %arg13[%get3A_280] {strides = array<i32>} : memref<128xi32, #tpu.memory_space<vmem>>, vector<16xi32>,
    %gather3A_282 = tpu.vector_load_idx %arg11[%get3A_281] : memref<128xi32, #tpu.memory_space<vmem>>[vector<16xi32>], vector<16xi32>,
    %select_n3A_283 = arith.select %ne3A_279, %gather3A_282, %get3A_281 : vector<16xi1>, vector<16xi32>
    %swap3A_284 = arith.constant 48 : index
    %swap3A_285 = tpu.vector_load %arg13[%swap3A_284] {strides = array<i32>} : memref<128xi32, #tpu.memory_space<vmem>>, vector<16xi32>,
    tpu.vector_store %arg13[%swap3A_284], %select_n3A_283 {strides = array<i32>} : memref<128xi32, #tpu.memory_space<vmem>>, vector<16xi32>,
    %iota3A_286 = tpu.iota {dimensions = array<i32: 0>} : vector<16xi32>
    %add3A_287 = arith.constant 64 : i32
    %add3A_288 = vector.broadcast %add3A_287 : i32 to vector<16xi32>
    %add3A_289 = arith.addi %iota3A_286, %add3A_288 : vector<16xi32>
    %and3A_290 = arith.constant 2 : i32
    %and3A_291 = vector.broadcast %and3A_290 : i32 to vector<16xi32>
    %and3A_292 = arith.andi %add3A_289, %and3A_291 : vector<16xi32>
    %ne3A_293 = arith.constant 0 : i32
    %ne3A_294 = vector.broadcast %ne3A_293 : i32 to vector<16xi32>
    %ne3A_295 = arith.cmpi ne, %and3A_292, %ne3A_294 : vector<16xi32>
    %get3A_296 = arith.constant 64 : index
    %get3A_297 = tpu.vector_load %arg13[%get3A_296] {strides = array<i32>} : memref<128xi32, #tpu.memory_space<vmem>>, vector<16xi32>,
    %gather3A_298 = tpu.vector_load_idx %arg11[%get3A_297] : memref<128xi32, #tpu.memory_space<vmem>>[vector<16xi32>], vector<16xi32>,
    %select_n3A_299 = arith.select %ne3A_295, %gather3A_298, %get3A_297 : vector<16xi1>, vector<16xi32>
    %swap3A_300 = arith.constant 64 : index
    %swap3A_301 = tpu.vector_load %arg13[%swap3A_300] {strides = array<i32>} : memref<128xi32, #tpu.memory_space<vmem>>, vector<16xi32>,
    tpu.vector_store %arg13[%swap3A_300], %select_n3A_299 {strides = array<i32>} : memref<128xi32, #tpu.memory_space<vmem>>, vector<16xi32>,
    %iota3A_302 = tpu.iota {dimensions = array<i32: 0>} : vector<16xi32>
    %add3A_303 = arith.constant 80 : i32
    %add3A_304 = vector.broadcast %add3A_303 : i32 to vector<16xi32>
    %add3A_305 = arith.addi %iota3A_302, %add3A_304 : vector<16xi32>
    %and3A_306 = arith.constant 2 : i32
    %and3A_307 = vector.broadcast %and3A_306 : i32 to vector<16xi32>
    %and3A_308 = arith.andi %add3A_305, %and3A_307 : vector<16xi32>
    %ne3A_309 = arith.constant 0 : i32
    %ne3A_310 = vector.broadcast %ne3A_309 : i32 to vector<16xi32>
    %ne3A_311 = arith.cmpi ne, %and3A_308, %ne3A_310 : vector<16xi32>
    %get3A_312 = arith.constant 80 : index
    %get3A_313 = tpu.vector_load %arg13[%get3A_312] {strides = array<i32>} : memref<128xi32, #tpu.memory_space<vmem>>, vector<16xi32>,
    %gather3A_314 = tpu.vector_load_idx %arg11[%get3A_313] : memref<128xi32, #tpu.memory_space<vmem>>[vector<16xi32>], vector<16xi32>,
    %select_n3A_315 = arith.select %ne3A_311, %gather3A_314, %get3A_313 : vector<16xi1>, vector<16xi32>
    %swap3A_316 = arith.constant 80 : index
    %swap3A_317 = tpu.vector_load %arg13[%swap3A_316] {strides = array<i32>} : memref<128xi32, #tpu.memory_space<vmem>>, vector<16xi32>,
    tpu.vector_store %arg13[%swap3A_316], %select_n3A_315 {strides = array<i32>} : memref<128xi32, #tpu.memory_space<vmem>>, vector<16xi32>,
    %iota3A_318 = tpu.iota {dimensions = array<i32: 0>} : vector<16xi32>
    %add3A_319 = arith.constant 96 : i32
    %add3A_320 = vector.broadcast %add3A_319 : i32 to vector<16xi32>
    %add3A_321 = arith.addi %iota3A_318, %add3A_320 : vector<16xi32>
    %and3A_322 = arith.constant 2 : i32
    %and3A_323 = vector.broadcast %and3A_322 : i32 to vector<16xi32>
    %and3A_324 = arith.andi %add3A_321, %and3A_323 : vector<16xi32>
    %ne3A_325 = arith.constant 0 : i32
    %ne3A_326 = vector.broadcast %ne3A_325 : i32 to vector<16xi32>
    %ne3A_327 = arith.cmpi ne, %and3A_324, %ne3A_326 : vector<16xi32>
    %get3A_328 = arith.constant 96 : index
    %get3A_329 = tpu.vector_load %arg13[%get3A_328] {strides = array<i32>} : memref<128xi32, #tpu.memory_space<vmem>>, vector<16xi32>,
    %gather3A_330 = tpu.vector_load_idx %arg11[%get3A_329] : memref<128xi32, #tpu.memory_space<vmem>>[vector<16xi32>], vector<16xi32>,
    %select_n3A_331 = arith.select %ne3A_327, %gather3A_330, %get3A_329 : vector<16xi1>, vector<16xi32>
    %swap3A_332 = arith.constant 96 : index
    %swap3A_333 = tpu.vector_load %arg13[%swap3A_332] {strides = array<i32>} : memref<128xi32, #tpu.memory_space<vmem>>, vector<16xi32>,
    tpu.vector_store %arg13[%swap3A_332], %select_n3A_331 {strides = array<i32>} : memref<128xi32, #tpu.memory_space<vmem>>, vector<16xi32>,
    %iota3A_334 = tpu.iota {dimensions = array<i32: 0>} : vector<16xi32>
    %add3A_335 = arith.constant 112 : i32
    %add3A_336 = vector.broadcast %add3A_335 : i32 to vector<16xi32>
    %add3A_337 = arith.addi %iota3A_334, %add3A_336 : vector<16xi32>
    %and3A_338 = arith.constant 2 : i32
    %and3A_339 = vector.broadcast %and3A_338 : i32 to vector<16xi32>
    %and3A_340 = arith.andi %add3A_337, %and3A_339 : vector<16xi32>
    %ne3A_341 = arith.constant 0 : i32
    %ne3A_342 = vector.broadcast %ne3A_341 : i32 to vector<16xi32>
    %ne3A_343 = arith.cmpi ne, %and3A_340, %ne3A_342 : vector<16xi32>
    %get3A_344 = arith.constant 112 : index
    %get3A_345 = tpu.vector_load %arg13[%get3A_344] {strides = array<i32>} : memref<128xi32, #tpu.memory_space<vmem>>, vector<16xi32>,
    %gather3A_346 = tpu.vector_load_idx %arg11[%get3A_345] : memref<128xi32, #tpu.memory_space<vmem>>[vector<16xi32>], vector<16xi32>,
    %select_n3A_347 = arith.select %ne3A_343, %gather3A_346, %get3A_345 : vector<16xi1>, vector<16xi32>
    %swap3A_348 = arith.constant 112 : index
    %swap3A_349 = tpu.vector_load %arg13[%swap3A_348] {strides = array<i32>} : memref<128xi32, #tpu.memory_space<vmem>>, vector<16xi32>,
    tpu.vector_store %arg13[%swap3A_348], %select_n3A_347 {strides = array<i32>} : memref<128xi32, #tpu.memory_space<vmem>>, vector<16xi32>,
    %get3A_350 = arith.constant 0 : index
    %get3A_351 = tpu.vector_load %arg11[%get3A_350] {strides = array<i32>} : memref<128xi32, #tpu.memory_space<vmem>>, vector<16xi32>,
    %gather3A_352 = tpu.vector_load_idx %arg11[%get3A_351] : memref<128xi32, #tpu.memory_space<vmem>>[vector<16xi32>], vector<16xi32>,
    %swap3A_353 = arith.constant 0 : index
    %swap3A_354 = tpu.vector_load %arg12[%swap3A_353] {strides = array<i32>} : memref<128xi32, #tpu.memory_space<vmem>>, vector<16xi32>,
    tpu.vector_store %arg12[%swap3A_353], %gather3A_352 {strides = array<i32>} : memref<128xi32, #tpu.memory_space<vmem>>, vector<16xi32>,
    %get3A_355 = arith.constant 16 : index
    %get3A_356 = tpu.vector_load %arg11[%get3A_355] {strides = array<i32>} : memref<128xi32, #tpu.memory_space<vmem>>, vector<16xi32>,
    %gather3A_357 = tpu.vector_load_idx %arg11[%get3A_356] : memref<128xi32, #tpu.memory_space<vmem>>[vector<16xi32>], vector<16xi32>,
    %swap3A_358 = arith.constant 16 : index
    %swap3A_359 = tpu.vector_load %arg12[%swap3A_358] {strides = array<i32>} : memref<128xi32, #tpu.memory_space<vmem>>, vector<16xi32>,
    tpu.vector_store %arg12[%swap3A_358], %gather3A_357 {strides = array<i32>} : memref<128xi32, #tpu.memory_space<vmem>>, vector<16xi32>,
    %get3A_360 = arith.constant 32 : index
    %get3A_361 = tpu.vector_load %arg11[%get3A_360] {strides = array<i32>} : memref<128xi32, #tpu.memory_space<vmem>>, vector<16xi32>,
    %gather3A_362 = tpu.vector_load_idx %arg11[%get3A_361] : memref<128xi32, #tpu.memory_space<vmem>>[vector<16xi32>], vector<16xi32>,
    %swap3A_363 = arith.constant 32 : index
    %swap3A_364 = tpu.vector_load %arg12[%swap3A_363] {strides = array<i32>} : memref<128xi32, #tpu.memory_space<vmem>>, vector<16xi32>,
    tpu.vector_store %arg12[%swap3A_363], %gather3A_362 {strides = array<i32>} : memref<128xi32, #tpu.memory_space<vmem>>, vector<16xi32>,
    %get3A_365 = arith.constant 48 : index
    %get3A_366 = tpu.vector_load %arg11[%get3A_365] {strides = array<i32>} : memref<128xi32, #tpu.memory_space<vmem>>, vector<16xi32>,
    %gather3A_367 = tpu.vector_load_idx %arg11[%get3A_366] : memref<128xi32, #tpu.memory_space<vmem>>[vector<16xi32>], vector<16xi32>,
    %swap3A_368 = arith.constant 48 : index
    %swap3A_369 = tpu.vector_load %arg12[%swap3A_368] {strides = array<i32>} : memref<128xi32, #tpu.memory_space<vmem>>, vector<16xi32>,
    tpu.vector_store %arg12[%swap3A_368], %gather3A_367 {strides = array<i32>} : memref<128xi32, #tpu.memory_space<vmem>>, vector<16xi32>,
    %get3A_370 = arith.constant 64 : index
    %get3A_371 = tpu.vector_load %arg11[%get3A_370] {strides = array<i32>} : memref<128xi32, #tpu.memory_space<vmem>>, vector<16xi32>,
    %gather3A_372 = tpu.vector_load_idx %arg11[%get3A_371] : memref<128xi32, #tpu.memory_space<vmem>>[vector<16xi32>], vector<16xi32>,
    %swap3A_373 = arith.constant 64 : index
    %swap3A_374 = tpu.vector_load %arg12[%swap3A_373] {strides = array<i32>} : memref<128xi32, #tpu.memory_space<vmem>>, vector<16xi32>,
    tpu.vector_store %arg12[%swap3A_373], %gather3A_372 {strides = array<i32>} : memref<128xi32, #tpu.memory_space<vmem>>, vector<16xi32>,
    %get3A_375 = arith.constant 80 : index
    %get3A_376 = tpu.vector_load %arg11[%get3A_375] {strides = array<i32>} : memref<128xi32, #tpu.memory_space<vmem>>, vector<16xi32>,
    %gather3A_377 = tpu.vector_load_idx %arg11[%get3A_376] : memref<128xi32, #tpu.memory_space<vmem>>[vector<16xi32>], vector<16xi32>,
    %swap3A_378 = arith.constant 80 : index
    %swap3A_379 = tpu.vector_load %arg12[%swap3A_378] {strides = array<i32>} : memref<128xi32, #tpu.memory_space<vmem>>, vector<16xi32>,
    tpu.vector_store %arg12[%swap3A_378], %gather3A_377 {strides = array<i32>} : memref<128xi32, #tpu.memory_space<vmem>>, vector<16xi32>,
    %get3A_380 = arith.constant 96 : index
    %get3A_381 = tpu.vector_load %arg11[%get3A_380] {strides = array<i32>} : memref<128xi32, #tpu.memory_space<vmem>>, vector<16xi32>,
    %gather3A_382 = tpu.vector_load_idx %arg11[%get3A_381] : memref<128xi32, #tpu.memory_space<vmem>>[vector<16xi32>], vector<16xi32>,
    %swap3A_383 = arith.constant 96 : index
    %swap3A_384 = tpu.vector_load %arg12[%swap3A_383] {strides = array<i32>} : memref<128xi32, #tpu.memory_space<vmem>>, vector<16xi32>,
    tpu.vector_store %arg12[%swap3A_383], %gather3A_382 {strides = array<i32>} : memref<128xi32, #tpu.memory_space<vmem>>, vector<16xi32>,
    %get3A_385 = arith.constant 112 : index
    %get3A_386 = tpu.vector_load %arg11[%get3A_385] {strides = array<i32>} : memref<128xi32, #tpu.memory_space<vmem>>, vector<16xi32>,
    %gather3A_387 = tpu.vector_load_idx %arg11[%get3A_386] : memref<128xi32, #tpu.memory_space<vmem>>[vector<16xi32>], vector<16xi32>,
    %swap3A_388 = arith.constant 112 : index
    %swap3A_389 = tpu.vector_load %arg12[%swap3A_388] {strides = array<i32>} : memref<128xi32, #tpu.memory_space<vmem>>, vector<16xi32>,
    tpu.vector_store %arg12[%swap3A_388], %gather3A_387 {strides = array<i32>} : memref<128xi32, #tpu.memory_space<vmem>>, vector<16xi32>,
    %iota3A_390 = tpu.iota {dimensions = array<i32: 0>} : vector<16xi32>
    %add3A_391 = arith.constant 0 : i32
    %add3A_392 = vector.broadcast %add3A_391 : i32 to vector<16xi32>
    %add3A_393 = arith.addi %iota3A_390, %add3A_392 : vector<16xi32>
    %and3A_394 = arith.constant 4 : i32
    %and3A_395 = vector.broadcast %and3A_394 : i32 to vector<16xi32>
    %and3A_396 = arith.andi %add3A_393, %and3A_395 : vector<16xi32>
    %ne3A_397 = arith.constant 0 : i32
    %ne3A_398 = vector.broadcast %ne3A_397 : i32 to vector<16xi32>
    %ne3A_399 = arith.cmpi ne, %and3A_396, %ne3A_398 : vector<16xi32>
    %get3A_400 = arith.constant 0 : index
    %get3A_401 = tpu.vector_load %arg13[%get3A_400] {strides = array<i32>} : memref<128xi32, #tpu.memory_space<vmem>>, vector<16xi32>,
    %gather3A_402 = tpu.vector_load_idx %arg12[%get3A_401] : memref<128xi32, #tpu.memory_space<vmem>>[vector<16xi32>], vector<16xi32>,
    %select_n3A_403 = arith.select %ne3A_399, %gather3A_402, %get3A_401 : vector<16xi1>, vector<16xi32>
    %swap3A_404 = arith.constant 0 : index
    %swap3A_405 = tpu.vector_load %arg13[%swap3A_404] {strides = array<i32>} : memref<128xi32, #tpu.memory_space<vmem>>, vector<16xi32>,
    tpu.vector_store %arg13[%swap3A_404], %select_n3A_403 {strides = array<i32>} : memref<128xi32, #tpu.memory_space<vmem>>, vector<16xi32>,
    %iota3A_406 = tpu.iota {dimensions = array<i32: 0>} : vector<16xi32>
    %add3A_407 = arith.constant 16 : i32
    %add3A_408 = vector.broadcast %add3A_407 : i32 to vector<16xi32>
    %add3A_409 = arith.addi %iota3A_406, %add3A_408 : vector<16xi32>
    %and3A_410 = arith.constant 4 : i32
    %and3A_411 = vector.broadcast %and3A_410 : i32 to vector<16xi32>
    %and3A_412 = arith.andi %add3A_409, %and3A_411 : vector<16xi32>
    %ne3A_413 = arith.constant 0 : i32
    %ne3A_414 = vector.broadcast %ne3A_413 : i32 to vector<16xi32>
    %ne3A_415 = arith.cmpi ne, %and3A_412, %ne3A_414 : vector<16xi32>
    %get3A_416 = arith.constant 16 : index
    %get3A_417 = tpu.vector_load %arg13[%get3A_416] {strides = array<i32>} : memref<128xi32, #tpu.memory_space<vmem>>, vector<16xi32>,
    %gather3A_418 = tpu.vector_load_idx %arg12[%get3A_417] : memref<128xi32, #tpu.memory_space<vmem>>[vector<16xi32>], vector<16xi32>,
    %select_n3A_419 = arith.select %ne3A_415, %gather3A_418, %get3A_417 : vector<16xi1>, vector<16xi32>
    %swap3A_420 = arith.constant 16 : index
    %swap3A_421 = tpu.vector_load %arg13[%swap3A_420] {strides = array<i32>} : memref<128xi32, #tpu.memory_space<vmem>>, vector<16xi32>,
    tpu.vector_store %arg13[%swap3A_420], %select_n3A_419 {strides = array<i32>} : memref<128xi32, #tpu.memory_space<vmem>>, vector<16xi32>,
    %iota3A_422 = tpu.iota {dimensions = array<i32: 0>} : vector<16xi32>
    %add3A_423 = arith.constant 32 : i32
    %add3A_424 = vector.broadcast %add3A_423 : i32 to vector<16xi32>
    %add3A_425 = arith.addi %iota3A_422, %add3A_424 : vector<16xi32>
    %and3A_426 = arith.constant 4 : i32
    %and3A_427 = vector.broadcast %and3A_426 : i32 to vector<16xi32>
    %and3A_428 = arith.andi %add3A_425, %and3A_427 : vector<16xi32>
    %ne3A_429 = arith.constant 0 : i32
    %ne3A_430 = vector.broadcast %ne3A_429 : i32 to vector<16xi32>
    %ne3A_431 = arith.cmpi ne, %and3A_428, %ne3A_430 : vector<16xi32>
    %get3A_432 = arith.constant 32 : index
    %get3A_433 = tpu.vector_load %arg13[%get3A_432] {strides = array<i32>} : memref<128xi32, #tpu.memory_space<vmem>>, vector<16xi32>,
    %gather3A_434 = tpu.vector_load_idx %arg12[%get3A_433] : memref<128xi32, #tpu.memory_space<vmem>>[vector<16xi32>], vector<16xi32>,
    %select_n3A_435 = arith.select %ne3A_431, %gather3A_434, %get3A_433 : vector<16xi1>, vector<16xi32>
    %swap3A_436 = arith.constant 32 : index
    %swap3A_437 = tpu.vector_load %arg13[%swap3A_436] {strides = array<i32>} : memref<128xi32, #tpu.memory_space<vmem>>, vector<16xi32>,
    tpu.vector_store %arg13[%swap3A_436], %select_n3A_435 {strides = array<i32>} : memref<128xi32, #tpu.memory_space<vmem>>, vector<16xi32>,
    %iota3A_438 = tpu.iota {dimensions = array<i32: 0>} : vector<16xi32>
    %add3A_439 = arith.constant 48 : i32
    %add3A_440 = vector.broadcast %add3A_439 : i32 to vector<16xi32>
    %add3A_441 = arith.addi %iota3A_438, %add3A_440 : vector<16xi32>
    %and3A_442 = arith.constant 4 : i32
    %and3A_443 = vector.broadcast %and3A_442 : i32 to vector<16xi32>
    %and3A_444 = arith.andi %add3A_441, %and3A_443 : vector<16xi32>
    %ne3A_445 = arith.constant 0 : i32
    %ne3A_446 = vector.broadcast %ne3A_445 : i32 to vector<16xi32>
    %ne3A_447 = arith.cmpi ne, %and3A_444, %ne3A_446 : vector<16xi32>
    %get3A_448 = arith.constant 48 : index
    %get3A_449 = tpu.vector_load %arg13[%get3A_448] {strides = array<i32>} : memref<128xi32, #tpu.memory_space<vmem>>, vector<16xi32>,
    %gather3A_450 = tpu.vector_load_idx %arg12[%get3A_449] : memref<128xi32, #tpu.memory_space<vmem>>[vector<16xi32>], vector<16xi32>,
    %select_n3A_451 = arith.select %ne3A_447, %gather3A_450, %get3A_449 : vector<16xi1>, vector<16xi32>
    %swap3A_452 = arith.constant 48 : index
    %swap3A_453 = tpu.vector_load %arg13[%swap3A_452] {strides = array<i32>} : memref<128xi32, #tpu.memory_space<vmem>>, vector<16xi32>,
    tpu.vector_store %arg13[%swap3A_452], %select_n3A_451 {strides = array<i32>} : memref<128xi32, #tpu.memory_space<vmem>>, vector<16xi32>,
    %iota3A_454 = tpu.iota {dimensions = array<i32: 0>} : vector<16xi32>
    %add3A_455 = arith.constant 64 : i32
    %add3A_456 = vector.broadcast %add3A_455 : i32 to vector<16xi32>
    %add3A_457 = arith.addi %iota3A_454, %add3A_456 : vector<16xi32>
    %and3A_458 = arith.constant 4 : i32
    %and3A_459 = vector.broadcast %and3A_458 : i32 to vector<16xi32>
    %and3A_460 = arith.andi %add3A_457, %and3A_459 : vector<16xi32>
    %ne3A_461 = arith.constant 0 : i32
    %ne3A_462 = vector.broadcast %ne3A_461 : i32 to vector<16xi32>
    %ne3A_463 = arith.cmpi ne, %and3A_460, %ne3A_462 : vector<16xi32>
    %get3A_464 = arith.constant 64 : index
    %get3A_465 = tpu.vector_load %arg13[%get3A_464] {strides = array<i32>} : memref<128xi32, #tpu.memory_space<vmem>>, vector<16xi32>,
    %gather3A_466 = tpu.vector_load_idx %arg12[%get3A_465] : memref<128xi32, #tpu.memory_space<vmem>>[vector<16xi32>], vector<16xi32>,
    %select_n3A_467 = arith.select %ne3A_463, %gather3A_466, %get3A_465 : vector<16xi1>, vector<16xi32>
    %swap3A_468 = arith.constant 64 : index
    %swap3A_469 = tpu.vector_load %arg13[%swap3A_468] {strides = array<i32>} : memref<128xi32, #tpu.memory_space<vmem>>, vector<16xi32>,
    tpu.vector_store %arg13[%swap3A_468], %select_n3A_467 {strides = array<i32>} : memref<128xi32, #tpu.memory_space<vmem>>, vector<16xi32>,
    %iota3A_470 = tpu.iota {dimensions = array<i32: 0>} : vector<16xi32>
    %add3A_471 = arith.constant 80 : i32
    %add3A_472 = vector.broadcast %add3A_471 : i32 to vector<16xi32>
    %add3A_473 = arith.addi %iota3A_470, %add3A_472 : vector<16xi32>
    %and3A_474 = arith.constant 4 : i32
    %and3A_475 = vector.broadcast %and3A_474 : i32 to vector<16xi32>
    %and3A_476 = arith.andi %add3A_473, %and3A_475 : vector<16xi32>
    %ne3A_477 = arith.constant 0 : i32
    %ne3A_478 = vector.broadcast %ne3A_477 : i32 to vector<16xi32>
    %ne3A_479 = arith.cmpi ne, %and3A_476, %ne3A_478 : vector<16xi32>
    %get3A_480 = arith.constant 80 : index
    %get3A_481 = tpu.vector_load %arg13[%get3A_480] {strides = array<i32>} : memref<128xi32, #tpu.memory_space<vmem>>, vector<16xi32>,
    %gather3A_482 = tpu.vector_load_idx %arg12[%get3A_481] : memref<128xi32, #tpu.memory_space<vmem>>[vector<16xi32>], vector<16xi32>,
    %select_n3A_483 = arith.select %ne3A_479, %gather3A_482, %get3A_481 : vector<16xi1>, vector<16xi32>
    %swap3A_484 = arith.constant 80 : index
    %swap3A_485 = tpu.vector_load %arg13[%swap3A_484] {strides = array<i32>} : memref<128xi32, #tpu.memory_space<vmem>>, vector<16xi32>,
    tpu.vector_store %arg13[%swap3A_484], %select_n3A_483 {strides = array<i32>} : memref<128xi32, #tpu.memory_space<vmem>>, vector<16xi32>,
    %iota3A_486 = tpu.iota {dimensions = array<i32: 0>} : vector<16xi32>
    %add3A_487 = arith.constant 96 : i32
    %add3A_488 = vector.broadcast %add3A_487 : i32 to vector<16xi32>
    %add3A_489 = arith.addi %iota3A_486, %add3A_488 : vector<16xi32>
    %and3A_490 = arith.constant 4 : i32
    %and3A_491 = vector.broadcast %and3A_490 : i32 to vector<16xi32>
    %and3A_492 = arith.andi %add3A_489, %and3A_491 : vector<16xi32>
    %ne3A_493 = arith.constant 0 : i32
    %ne3A_494 = vector.broadcast %ne3A_493 : i32 to vector<16xi32>
    %ne3A_495 = arith.cmpi ne, %and3A_492, %ne3A_494 : vector<16xi32>
    %get3A_496 = arith.constant 96 : index
    %get3A_497 = tpu.vector_load %arg13[%get3A_496] {strides = array<i32>} : memref<128xi32, #tpu.memory_space<vmem>>, vector<16xi32>,
    %gather3A_498 = tpu.vector_load_idx %arg12[%get3A_497] : memref<128xi32, #tpu.memory_space<vmem>>[vector<16xi32>], vector<16xi32>,
    %select_n3A_499 = arith.select %ne3A_495, %gather3A_498, %get3A_497 : vector<16xi1>, vector<16xi32>
    %swap3A_500 = arith.constant 96 : index
    %swap3A_501 = tpu.vector_load %arg13[%swap3A_500] {strides = array<i32>} : memref<128xi32, #tpu.memory_space<vmem>>, vector<16xi32>,
    tpu.vector_store %arg13[%swap3A_500], %select_n3A_499 {strides = array<i32>} : memref<128xi32, #tpu.memory_space<vmem>>, vector<16xi32>,
    %iota3A_502 = tpu.iota {dimensions = array<i32: 0>} : vector<16xi32>
    %add3A_503 = arith.constant 112 : i32
    %add3A_504 = vector.broadcast %add3A_503 : i32 to vector<16xi32>
    %add3A_505 = arith.addi %iota3A_502, %add3A_504 : vector<16xi32>
    %and3A_506 = arith.constant 4 : i32
    %and3A_507 = vector.broadcast %and3A_506 : i32 to vector<16xi32>
    %and3A_508 = arith.andi %add3A_505, %and3A_507 : vector<16xi32>
    %ne3A_509 = arith.constant 0 : i32
    %ne3A_510 = vector.broadcast %ne3A_509 : i32 to vector<16xi32>
    %ne3A_511 = arith.cmpi ne, %and3A_508, %ne3A_510 : vector<16xi32>
    %get3A_512 = arith.constant 112 : index
    %get3A_513 = tpu.vector_load %arg13[%get3A_512] {strides = array<i32>} : memref<128xi32, #tpu.memory_space<vmem>>, vector<16xi32>,
    %gather3A_514 = tpu.vector_load_idx %arg12[%get3A_513] : memref<128xi32, #tpu.memory_space<vmem>>[vector<16xi32>], vector<16xi32>,
    %select_n3A_515 = arith.select %ne3A_511, %gather3A_514, %get3A_513 : vector<16xi1>, vector<16xi32>
    %swap3A_516 = arith.constant 112 : index
    %swap3A_517 = tpu.vector_load %arg13[%swap3A_516] {strides = array<i32>} : memref<128xi32, #tpu.memory_space<vmem>>, vector<16xi32>,
    tpu.vector_store %arg13[%swap3A_516], %select_n3A_515 {strides = array<i32>} : memref<128xi32, #tpu.memory_space<vmem>>, vector<16xi32>,
    %get3A_518 = arith.constant 0 : index
    %get3A_519 = tpu.vector_load %arg12[%get3A_518] {strides = array<i32>} : memref<128xi32, #tpu.memory_space<vmem>>, vector<16xi32>,
    %gather3A_520 = tpu.vector_load_idx %arg12[%get3A_519] : memref<128xi32, #tpu.memory_space<vmem>>[vector<16xi32>], vector<16xi32>,
    %swap3A_521 = arith.constant 0 : index
    %swap3A_522 = tpu.vector_load %arg11[%swap3A_521] {strides = array<i32>} : memref<128xi32, #tpu.memory_space<vmem>>, vector<16xi32>,
    tpu.vector_store %arg11[%swap3A_521], %gather3A_520 {strides = array<i32>} : memref<128xi32, #tpu.memory_space<vmem>>, vector<16xi32>,
    %get3A_523 = arith.constant 16 : index
    %get3A_524 = tpu.vector_load %arg12[%get3A_523] {strides = array<i32>} : memref<128xi32, #tpu.memory_space<vmem>>, vector<16xi32>,
    %gather3A_525 = tpu.vector_load_idx %arg12[%get3A_524] : memref<128xi32, #tpu.memory_space<vmem>>[vector<16xi32>], vector<16xi32>,
    %swap3A_526 = arith.constant 16 : index
    %swap3A_527 = tpu.vector_load %arg11[%swap3A_526] {strides = array<i32>} : memref<128xi32, #tpu.memory_space<vmem>>, vector<16xi32>,
    tpu.vector_store %arg11[%swap3A_526], %gather3A_525 {strides = array<i32>} : memref<128xi32, #tpu.memory_space<vmem>>, vector<16xi32>,
    %get3A_528 = arith.constant 32 : index
    %get3A_529 = tpu.vector_load %arg12[%get3A_528] {strides = array<i32>} : memref<128xi32, #tpu.memory_space<vmem>>, vector<16xi32>,
    %gather3A_530 = tpu.vector_load_idx %arg12[%get3A_529] : memref<128xi32, #tpu.memory_space<vmem>>[vector<16xi32>], vector<16xi32>,
    %swap3A_531 = arith.constant 32 : index
    %swap3A_532 = tpu.vector_load %arg11[%swap3A_531] {strides = array<i32>} : memref<128xi32, #tpu.memory_space<vmem>>, vector<16xi32>,
    tpu.vector_store %arg11[%swap3A_531], %gather3A_530 {strides = array<i32>} : memref<128xi32, #tpu.memory_space<vmem>>, vector<16xi32>,
    %get3A_533 = arith.constant 48 : index
    %get3A_534 = tpu.vector_load %arg12[%get3A_533] {strides = array<i32>} : memref<128xi32, #tpu.memory_space<vmem>>, vector<16xi32>,
    %gather3A_535 = tpu.vector_load_idx %arg12[%get3A_534] : memref<128xi32, #tpu.memory_space<vmem>>[vector<16xi32>], vector<16xi32>,
    %swap3A_536 = arith.constant 48 : index
    %swap3A_537 = tpu.vector_load %arg11[%swap3A_536] {strides = array<i32>} : memref<128xi32, #tpu.memory_space<vmem>>, vector<16xi32>,
    tpu.vector_store %arg11[%swap3A_536], %gather3A_535 {strides = array<i32>} : memref<128xi32, #tpu.memory_space<vmem>>, vector<16xi32>,
    %get3A_538 = arith.constant 64 : index
    %get3A_539 = tpu.vector_load %arg12[%get3A_538] {strides = array<i32>} : memref<128xi32, #tpu.memory_space<vmem>>, vector<16xi32>,
    %gather3A_540 = tpu.vector_load_idx %arg12[%get3A_539] : memref<128xi32, #tpu.memory_space<vmem>>[vector<16xi32>], vector<16xi32>,
    %swap3A_541 = arith.constant 64 : index
    %swap3A_542 = tpu.vector_load %arg11[%swap3A_541] {strides = array<i32>} : memref<128xi32, #tpu.memory_space<vmem>>, vector<16xi32>,
    tpu.vector_store %arg11[%swap3A_541], %gather3A_540 {strides = array<i32>} : memref<128xi32, #tpu.memory_space<vmem>>, vector<16xi32>,
    %get3A_543 = arith.constant 80 : index
    %get3A_544 = tpu.vector_load %arg12[%get3A_543] {strides = array<i32>} : memref<128xi32, #tpu.memory_space<vmem>>, vector<16xi32>,
    %gather3A_545 = tpu.vector_load_idx %arg12[%get3A_544] : memref<128xi32, #tpu.memory_space<vmem>>[vector<16xi32>], vector<16xi32>,
    %swap3A_546 = arith.constant 80 : index
    %swap3A_547 = tpu.vector_load %arg11[%swap3A_546] {strides = array<i32>} : memref<128xi32, #tpu.memory_space<vmem>>, vector<16xi32>,
    tpu.vector_store %arg11[%swap3A_546], %gather3A_545 {strides = array<i32>} : memref<128xi32, #tpu.memory_space<vmem>>, vector<16xi32>,
    %get3A_548 = arith.constant 96 : index
    %get3A_549 = tpu.vector_load %arg12[%get3A_548] {strides = array<i32>} : memref<128xi32, #tpu.memory_space<vmem>>, vector<16xi32>,
    %gather3A_550 = tpu.vector_load_idx %arg12[%get3A_549] : memref<128xi32, #tpu.memory_space<vmem>>[vector<16xi32>], vector<16xi32>,
    %swap3A_551 = arith.constant 96 : index
    %swap3A_552 = tpu.vector_load %arg11[%swap3A_551] {strides = array<i32>} : memref<128xi32, #tpu.memory_space<vmem>>, vector<16xi32>,
    tpu.vector_store %arg11[%swap3A_551], %gather3A_550 {strides = array<i32>} : memref<128xi32, #tpu.memory_space<vmem>>, vector<16xi32>,
    %get3A_553 = arith.constant 112 : index
    %get3A_554 = tpu.vector_load %arg12[%get3A_553] {strides = array<i32>} : memref<128xi32, #tpu.memory_space<vmem>>, vector<16xi32>,
    %gather3A_555 = tpu.vector_load_idx %arg12[%get3A_554] : memref<128xi32, #tpu.memory_space<vmem>>[vector<16xi32>], vector<16xi32>,
    %swap3A_556 = arith.constant 112 : index
    %swap3A_557 = tpu.vector_load %arg11[%swap3A_556] {strides = array<i32>} : memref<128xi32, #tpu.memory_space<vmem>>, vector<16xi32>,
    tpu.vector_store %arg11[%swap3A_556], %gather3A_555 {strides = array<i32>} : memref<128xi32, #tpu.memory_space<vmem>>, vector<16xi32>,
    %iota3A_558 = tpu.iota {dimensions = array<i32: 0>} : vector<16xi32>
    %add3A_559 = arith.constant 0 : i32
    %add3A_560 = vector.broadcast %add3A_559 : i32 to vector<16xi32>
    %add3A_561 = arith.addi %iota3A_558, %add3A_560 : vector<16xi32>
    %and3A_562 = arith.constant 8 : i32
    %and3A_563 = vector.broadcast %and3A_562 : i32 to vector<16xi32>
    %and3A_564 = arith.andi %add3A_561, %and3A_563 : vector<16xi32>
    %ne3A_565 = arith.constant 0 : i32
    %ne3A_566 = vector.broadcast %ne3A_565 : i32 to vector<16xi32>
    %ne3A_567 = arith.cmpi ne, %and3A_564, %ne3A_566 : vector<16xi32>
    %get3A_568 = arith.constant 0 : index
    %get3A_569 = tpu.vector_load %arg13[%get3A_568] {strides = array<i32>} : memref<128xi32, #tpu.memory_space<vmem>>, vector<16xi32>,
    %gather3A_570 = tpu.vector_load_idx %arg11[%get3A_569] : memref<128xi32, #tpu.memory_space<vmem>>[vector<16xi32>], vector<16xi32>,
    %select_n3A_571 = arith.select %ne3A_567, %gather3A_570, %get3A_569 : vector<16xi1>, vector<16xi32>
    %swap3A_572 = arith.constant 0 : index
    %swap3A_573 = tpu.vector_load %arg13[%swap3A_572] {strides = array<i32>} : memref<128xi32, #tpu.memory_space<vmem>>, vector<16xi32>,
    tpu.vector_store %arg13[%swap3A_572], %select_n3A_571 {strides = array<i32>} : memref<128xi32, #tpu.memory_space<vmem>>, vector<16xi32>,
    %iota3A_574 = tpu.iota {dimensions = array<i32: 0>} : vector<16xi32>
    %add3A_575 = arith.constant 16 : i32
    %add3A_576 = vector.broadcast %add3A_575 : i32 to vector<16xi32>
    %add3A_577 = arith.addi %iota3A_574, %add3A_576 : vector<16xi32>
    %and3A_578 = arith.constant 8 : i32
    %and3A_579 = vector.broadcast %and3A_578 : i32 to vector<16xi32>
    %and3A_580 = arith.andi %add3A_577, %and3A_579 : vector<16xi32>
    %ne3A_581 = arith.constant 0 : i32
    %ne3A_582 = vector.broadcast %ne3A_581 : i32 to vector<16xi32>
    %ne3A_583 = arith.cmpi ne, %and3A_580, %ne3A_582 : vector<16xi32>
    %get3A_584 = arith.constant 16 : index
    %get3A_585 = tpu.vector_load %arg13[%get3A_584] {strides = array<i32>} : memref<128xi32, #tpu.memory_space<vmem>>, vector<16xi32>,
    %gather3A_586 = tpu.vector_load_idx %arg11[%get3A_585] : memref<128xi32, #tpu.memory_space<vmem>>[vector<16xi32>], vector<16xi32>,
    %select_n3A_587 = arith.select %ne3A_583, %gather3A_586, %get3A_585 : vector<16xi1>, vector<16xi32>
    %swap3A_588 = arith.constant 16 : index
    %swap3A_589 = tpu.vector_load %arg13[%swap3A_588] {strides = array<i32>} : memref<128xi32, #tpu.memory_space<vmem>>, vector<16xi32>,
    tpu.vector_store %arg13[%swap3A_588], %select_n3A_587 {strides = array<i32>} : memref<128xi32, #tpu.memory_space<vmem>>, vector<16xi32>,
    %iota3A_590 = tpu.iota {dimensions = array<i32: 0>} : vector<16xi32>
    %add3A_591 = arith.constant 32 : i32
    %add3A_592 = vector.broadcast %add3A_591 : i32 to vector<16xi32>
    %add3A_593 = arith.addi %iota3A_590, %add3A_592 : vector<16xi32>
    %and3A_594 = arith.constant 8 : i32
    %and3A_595 = vector.broadcast %and3A_594 : i32 to vector<16xi32>
    %and3A_596 = arith.andi %add3A_593, %and3A_595 : vector<16xi32>
    %ne3A_597 = arith.constant 0 : i32
    %ne3A_598 = vector.broadcast %ne3A_597 : i32 to vector<16xi32>
    %ne3A_599 = arith.cmpi ne, %and3A_596, %ne3A_598 : vector<16xi32>
    %get3A_600 = arith.constant 32 : index
    %get3A_601 = tpu.vector_load %arg13[%get3A_600] {strides = array<i32>} : memref<128xi32, #tpu.memory_space<vmem>>, vector<16xi32>,
    %gather3A_602 = tpu.vector_load_idx %arg11[%get3A_601] : memref<128xi32, #tpu.memory_space<vmem>>[vector<16xi32>], vector<16xi32>,
    %select_n3A_603 = arith.select %ne3A_599, %gather3A_602, %get3A_601 : vector<16xi1>, vector<16xi32>
    %swap3A_604 = arith.constant 32 : index
    %swap3A_605 = tpu.vector_load %arg13[%swap3A_604] {strides = array<i32>} : memref<128xi32, #tpu.memory_space<vmem>>, vector<16xi32>,
    tpu.vector_store %arg13[%swap3A_604], %select_n3A_603 {strides = array<i32>} : memref<128xi32, #tpu.memory_space<vmem>>, vector<16xi32>,
    %iota3A_606 = tpu.iota {dimensions = array<i32: 0>} : vector<16xi32>
    %add3A_607 = arith.constant 48 : i32
    %add3A_608 = vector.broadcast %add3A_607 : i32 to vector<16xi32>
    %add3A_609 = arith.addi %iota3A_606, %add3A_608 : vector<16xi32>
    %and3A_610 = arith.constant 8 : i32
    %and3A_611 = vector.broadcast %and3A_610 : i32 to vector<16xi32>
    %and3A_612 = arith.andi %add3A_609, %and3A_611 : vector<16xi32>
    %ne3A_613 = arith.constant 0 : i32
    %ne3A_614 = vector.broadcast %ne3A_613 : i32 to vector<16xi32>
    %ne3A_615 = arith.cmpi ne, %and3A_612, %ne3A_614 : vector<16xi32>
    %get3A_616 = arith.constant 48 : index
    %get3A_617 = tpu.vector_load %arg13[%get3A_616] {strides = array<i32>} : memref<128xi32, #tpu.memory_space<vmem>>, vector<16xi32>,
    %gather3A_618 = tpu.vector_load_idx %arg11[%get3A_617] : memref<128xi32, #tpu.memory_space<vmem>>[vector<16xi32>], vector<16xi32>,
    %select_n3A_619 = arith.select %ne3A_615, %gather3A_618, %get3A_617 : vector<16xi1>, vector<16xi32>
    %swap3A_620 = arith.constant 48 : index
    %swap3A_621 = tpu.vector_load %arg13[%swap3A_620] {strides = array<i32>} : memref<128xi32, #tpu.memory_space<vmem>>, vector<16xi32>,
    tpu.vector_store %arg13[%swap3A_620], %select_n3A_619 {strides = array<i32>} : memref<128xi32, #tpu.memory_space<vmem>>, vector<16xi32>,
    %iota3A_622 = tpu.iota {dimensions = array<i32: 0>} : vector<16xi32>
    %add3A_623 = arith.constant 64 : i32
    %add3A_624 = vector.broadcast %add3A_623 : i32 to vector<16xi32>
    %add3A_625 = arith.addi %iota3A_622, %add3A_624 : vector<16xi32>
    %and3A_626 = arith.constant 8 : i32
    %and3A_627 = vector.broadcast %and3A_626 : i32 to vector<16xi32>
    %and3A_628 = arith.andi %add3A_625, %and3A_627 : vector<16xi32>
    %ne3A_629 = arith.constant 0 : i32
    %ne3A_630 = vector.broadcast %ne3A_629 : i32 to vector<16xi32>
    %ne3A_631 = arith.cmpi ne, %and3A_628, %ne3A_630 : vector<16xi32>
    %get3A_632 = arith.constant 64 : index
    %get3A_633 = tpu.vector_load %arg13[%get3A_632] {strides = array<i32>} : memref<128xi32, #tpu.memory_space<vmem>>, vector<16xi32>,
    %gather3A_634 = tpu.vector_load_idx %arg11[%get3A_633] : memref<128xi32, #tpu.memory_space<vmem>>[vector<16xi32>], vector<16xi32>,
    %select_n3A_635 = arith.select %ne3A_631, %gather3A_634, %get3A_633 : vector<16xi1>, vector<16xi32>
    %swap3A_636 = arith.constant 64 : index
    %swap3A_637 = tpu.vector_load %arg13[%swap3A_636] {strides = array<i32>} : memref<128xi32, #tpu.memory_space<vmem>>, vector<16xi32>,
    tpu.vector_store %arg13[%swap3A_636], %select_n3A_635 {strides = array<i32>} : memref<128xi32, #tpu.memory_space<vmem>>, vector<16xi32>,
    %iota3A_638 = tpu.iota {dimensions = array<i32: 0>} : vector<16xi32>
    %add3A_639 = arith.constant 80 : i32
    %add3A_640 = vector.broadcast %add3A_639 : i32 to vector<16xi32>
    %add3A_641 = arith.addi %iota3A_638, %add3A_640 : vector<16xi32>
    %and3A_642 = arith.constant 8 : i32
    %and3A_643 = vector.broadcast %and3A_642 : i32 to vector<16xi32>
    %and3A_644 = arith.andi %add3A_641, %and3A_643 : vector<16xi32>
    %ne3A_645 = arith.constant 0 : i32
    %ne3A_646 = vector.broadcast %ne3A_645 : i32 to vector<16xi32>
    %ne3A_647 = arith.cmpi ne, %and3A_644, %ne3A_646 : vector<16xi32>
    %get3A_648 = arith.constant 80 : index
    %get3A_649 = tpu.vector_load %arg13[%get3A_648] {strides = array<i32>} : memref<128xi32, #tpu.memory_space<vmem>>, vector<16xi32>,
    %gather3A_650 = tpu.vector_load_idx %arg11[%get3A_649] : memref<128xi32, #tpu.memory_space<vmem>>[vector<16xi32>], vector<16xi32>,
    %select_n3A_651 = arith.select %ne3A_647, %gather3A_650, %get3A_649 : vector<16xi1>, vector<16xi32>
    %swap3A_652 = arith.constant 80 : index
    %swap3A_653 = tpu.vector_load %arg13[%swap3A_652] {strides = array<i32>} : memref<128xi32, #tpu.memory_space<vmem>>, vector<16xi32>,
    tpu.vector_store %arg13[%swap3A_652], %select_n3A_651 {strides = array<i32>} : memref<128xi32, #tpu.memory_space<vmem>>, vector<16xi32>,
    %iota3A_654 = tpu.iota {dimensions = array<i32: 0>} : vector<16xi32>
    %add3A_655 = arith.constant 96 : i32
    %add3A_656 = vector.broadcast %add3A_655 : i32 to vector<16xi32>
    %add3A_657 = arith.addi %iota3A_654, %add3A_656 : vector<16xi32>
    %and3A_658 = arith.constant 8 : i32
    %and3A_659 = vector.broadcast %and3A_658 : i32 to vector<16xi32>
    %and3A_660 = arith.andi %add3A_657, %and3A_659 : vector<16xi32>
    %ne3A_661 = arith.constant 0 : i32
    %ne3A_662 = vector.broadcast %ne3A_661 : i32 to vector<16xi32>
    %ne3A_663 = arith.cmpi ne, %and3A_660, %ne3A_662 : vector<16xi32>
    %get3A_664 = arith.constant 96 : index
    %get3A_665 = tpu.vector_load %arg13[%get3A_664] {strides = array<i32>} : memref<128xi32, #tpu.memory_space<vmem>>, vector<16xi32>,
    %gather3A_666 = tpu.vector_load_idx %arg11[%get3A_665] : memref<128xi32, #tpu.memory_space<vmem>>[vector<16xi32>], vector<16xi32>,
    %select_n3A_667 = arith.select %ne3A_663, %gather3A_666, %get3A_665 : vector<16xi1>, vector<16xi32>
    %swap3A_668 = arith.constant 96 : index
    %swap3A_669 = tpu.vector_load %arg13[%swap3A_668] {strides = array<i32>} : memref<128xi32, #tpu.memory_space<vmem>>, vector<16xi32>,
    tpu.vector_store %arg13[%swap3A_668], %select_n3A_667 {strides = array<i32>} : memref<128xi32, #tpu.memory_space<vmem>>, vector<16xi32>,
    %iota3A_670 = tpu.iota {dimensions = array<i32: 0>} : vector<16xi32>
    %add3A_671 = arith.constant 112 : i32
    %add3A_672 = vector.broadcast %add3A_671 : i32 to vector<16xi32>
    %add3A_673 = arith.addi %iota3A_670, %add3A_672 : vector<16xi32>
    %and3A_674 = arith.constant 8 : i32
    %and3A_675 = vector.broadcast %and3A_674 : i32 to vector<16xi32>
    %and3A_676 = arith.andi %add3A_673, %and3A_675 : vector<16xi32>
    %ne3A_677 = arith.constant 0 : i32
    %ne3A_678 = vector.broadcast %ne3A_677 : i32 to vector<16xi32>
    %ne3A_679 = arith.cmpi ne, %and3A_676, %ne3A_678 : vector<16xi32>
    %get3A_680 = arith.constant 112 : index
    %get3A_681 = tpu.vector_load %arg13[%get3A_680] {strides = array<i32>} : memref<128xi32, #tpu.memory_space<vmem>>, vector<16xi32>,
    %gather3A_682 = tpu.vector_load_idx %arg11[%get3A_681] : memref<128xi32, #tpu.memory_space<vmem>>[vector<16xi32>], vector<16xi32>,
    %select_n3A_683 = arith.select %ne3A_679, %gather3A_682, %get3A_681 : vector<16xi1>, vector<16xi32>
    %swap3A_684 = arith.constant 112 : index
    %swap3A_685 = tpu.vector_load %arg13[%swap3A_684] {strides = array<i32>} : memref<128xi32, #tpu.memory_space<vmem>>, vector<16xi32>,
    tpu.vector_store %arg13[%swap3A_684], %select_n3A_683 {strides = array<i32>} : memref<128xi32, #tpu.memory_space<vmem>>, vector<16xi32>,
    %get3A_686 = arith.constant 0 : index
    %get3A_687 = tpu.vector_load %arg11[%get3A_686] {strides = array<i32>} : memref<128xi32, #tpu.memory_space<vmem>>, vector<16xi32>,
    %gather3A_688 = tpu.vector_load_idx %arg11[%get3A_687] : memref<128xi32, #tpu.memory_space<vmem>>[vector<16xi32>], vector<16xi32>,
    %swap3A_689 = arith.constant 0 : index
    %swap3A_690 = tpu.vector_load %arg12[%swap3A_689] {strides = array<i32>} : memref<128xi32, #tpu.memory_space<vmem>>, vector<16xi32>,
    tpu.vector_store %arg12[%swap3A_689], %gather3A_688 {strides = array<i32>} : memref<128xi32, #tpu.memory_space<vmem>>, vector<16xi32>,
    %get3A_691 = arith.constant 16 : index
    %get3A_692 = tpu.vector_load %arg11[%get3A_691] {strides = array<i32>} : memref<128xi32, #tpu.memory_space<vmem>>, vector<16xi32>,
    %gather3A_693 = tpu.vector_load_idx %arg11[%get3A_692] : memref<128xi32, #tpu.memory_space<vmem>>[vector<16xi32>], vector<16xi32>,
    %swap3A_694 = arith.constant 16 : index
    %swap3A_695 = tpu.vector_load %arg12[%swap3A_694] {strides = array<i32>} : memref<128xi32, #tpu.memory_space<vmem>>, vector<16xi32>,
    tpu.vector_store %arg12[%swap3A_694], %gather3A_693 {strides = array<i32>} : memref<128xi32, #tpu.memory_space<vmem>>, vector<16xi32>,
    %get3A_696 = arith.constant 32 : index
    %get3A_697 = tpu.vector_load %arg11[%get3A_696] {strides = array<i32>} : memref<128xi32, #tpu.memory_space<vmem>>, vector<16xi32>,
    %gather3A_698 = tpu.vector_load_idx %arg11[%get3A_697] : memref<128xi32, #tpu.memory_space<vmem>>[vector<16xi32>], vector<16xi32>,
    %swap3A_699 = arith.constant 32 : index
    %swap3A_700 = tpu.vector_load %arg12[%swap3A_699] {strides = array<i32>} : memref<128xi32, #tpu.memory_space<vmem>>, vector<16xi32>,
    tpu.vector_store %arg12[%swap3A_699], %gather3A_698 {strides = array<i32>} : memref<128xi32, #tpu.memory_space<vmem>>, vector<16xi32>,
    %get3A_701 = arith.constant 48 : index
    %get3A_702 = tpu.vector_load %arg11[%get3A_701] {strides = array<i32>} : memref<128xi32, #tpu.memory_space<vmem>>, vector<16xi32>,
    %gather3A_703 = tpu.vector_load_idx %arg11[%get3A_702] : memref<128xi32, #tpu.memory_space<vmem>>[vector<16xi32>], vector<16xi32>,
    %swap3A_704 = arith.constant 48 : index
    %swap3A_705 = tpu.vector_load %arg12[%swap3A_704] {strides = array<i32>} : memref<128xi32, #tpu.memory_space<vmem>>, vector<16xi32>,
    tpu.vector_store %arg12[%swap3A_704], %gather3A_703 {strides = array<i32>} : memref<128xi32, #tpu.memory_space<vmem>>, vector<16xi32>,
    %get3A_706 = arith.constant 64 : index
    %get3A_707 = tpu.vector_load %arg11[%get3A_706] {strides = array<i32>} : memref<128xi32, #tpu.memory_space<vmem>>, vector<16xi32>,
    %gather3A_708 = tpu.vector_load_idx %arg11[%get3A_707] : memref<128xi32, #tpu.memory_space<vmem>>[vector<16xi32>], vector<16xi32>,
    %swap3A_709 = arith.constant 64 : index
    %swap3A_710 = tpu.vector_load %arg12[%swap3A_709] {strides = array<i32>} : memref<128xi32, #tpu.memory_space<vmem>>, vector<16xi32>,
    tpu.vector_store %arg12[%swap3A_709], %gather3A_708 {strides = array<i32>} : memref<128xi32, #tpu.memory_space<vmem>>, vector<16xi32>,
    %get3A_711 = arith.constant 80 : index
    %get3A_712 = tpu.vector_load %arg11[%get3A_711] {strides = array<i32>} : memref<128xi32, #tpu.memory_space<vmem>>, vector<16xi32>,
    %gather3A_713 = tpu.vector_load_idx %arg11[%get3A_712] : memref<128xi32, #tpu.memory_space<vmem>>[vector<16xi32>], vector<16xi32>,
    %swap3A_714 = arith.constant 80 : index
    %swap3A_715 = tpu.vector_load %arg12[%swap3A_714] {strides = array<i32>} : memref<128xi32, #tpu.memory_space<vmem>>, vector<16xi32>,
    tpu.vector_store %arg12[%swap3A_714], %gather3A_713 {strides = array<i32>} : memref<128xi32, #tpu.memory_space<vmem>>, vector<16xi32>,
    %get3A_716 = arith.constant 96 : index
    %get3A_717 = tpu.vector_load %arg11[%get3A_716] {strides = array<i32>} : memref<128xi32, #tpu.memory_space<vmem>>, vector<16xi32>,
    %gather3A_718 = tpu.vector_load_idx %arg11[%get3A_717] : memref<128xi32, #tpu.memory_space<vmem>>[vector<16xi32>], vector<16xi32>,
    %swap3A_719 = arith.constant 96 : index
    %swap3A_720 = tpu.vector_load %arg12[%swap3A_719] {strides = array<i32>} : memref<128xi32, #tpu.memory_space<vmem>>, vector<16xi32>,
    tpu.vector_store %arg12[%swap3A_719], %gather3A_718 {strides = array<i32>} : memref<128xi32, #tpu.memory_space<vmem>>, vector<16xi32>,
    %get3A_721 = arith.constant 112 : index
    %get3A_722 = tpu.vector_load %arg11[%get3A_721] {strides = array<i32>} : memref<128xi32, #tpu.memory_space<vmem>>, vector<16xi32>,
    %gather3A_723 = tpu.vector_load_idx %arg11[%get3A_722] : memref<128xi32, #tpu.memory_space<vmem>>[vector<16xi32>], vector<16xi32>,
    %swap3A_724 = arith.constant 112 : index
    %swap3A_725 = tpu.vector_load %arg12[%swap3A_724] {strides = array<i32>} : memref<128xi32, #tpu.memory_space<vmem>>, vector<16xi32>,
    tpu.vector_store %arg12[%swap3A_724], %gather3A_723 {strides = array<i32>} : memref<128xi32, #tpu.memory_space<vmem>>, vector<16xi32>,
    %iota3A_726 = tpu.iota {dimensions = array<i32: 0>} : vector<16xi32>
    %add3A_727 = arith.constant 0 : i32
    %add3A_728 = vector.broadcast %add3A_727 : i32 to vector<16xi32>
    %add3A_729 = arith.addi %iota3A_726, %add3A_728 : vector<16xi32>
    %and3A_730 = arith.constant 16 : i32
    %and3A_731 = vector.broadcast %and3A_730 : i32 to vector<16xi32>
    %and3A_732 = arith.andi %add3A_729, %and3A_731 : vector<16xi32>
    %ne3A_733 = arith.constant 0 : i32
    %ne3A_734 = vector.broadcast %ne3A_733 : i32 to vector<16xi32>
    %ne3A_735 = arith.cmpi ne, %and3A_732, %ne3A_734 : vector<16xi32>
    %get3A_736 = arith.constant 0 : index
    %get3A_737 = tpu.vector_load %arg13[%get3A_736] {strides = array<i32>} : memref<128xi32, #tpu.memory_space<vmem>>, vector<16xi32>,
    %gather3A_738 = tpu.vector_load_idx %arg12[%get3A_737] : memref<128xi32, #tpu.memory_space<vmem>>[vector<16xi32>], vector<16xi32>,
    %select_n3A_739 = arith.select %ne3A_735, %gather3A_738, %get3A_737 : vector<16xi1>, vector<16xi32>
    %swap3A_740 = arith.constant 0 : index
    %swap3A_741 = tpu.vector_load %arg13[%swap3A_740] {strides = array<i32>} : memref<128xi32, #tpu.memory_space<vmem>>, vector<16xi32>,
    tpu.vector_store %arg13[%swap3A_740], %select_n3A_739 {strides = array<i32>} : memref<128xi32, #tpu.memory_space<vmem>>, vector<16xi32>,
    %iota3A_742 = tpu.iota {dimensions = array<i32: 0>} : vector<16xi32>
    %add3A_743 = arith.constant 16 : i32
    %add3A_744 = vector.broadcast %add3A_743 : i32 to vector<16xi32>
    %add3A_745 = arith.addi %iota3A_742, %add3A_744 : vector<16xi32>
    %and3A_746 = arith.constant 16 : i32
    %and3A_747 = vector.broadcast %and3A_746 : i32 to vector<16xi32>
    %and3A_748 = arith.andi %add3A_745, %and3A_747 : vector<16xi32>
    %ne3A_749 = arith.constant 0 : i32
    %ne3A_750 = vector.broadcast %ne3A_749 : i32 to vector<16xi32>
    %ne3A_751 = arith.cmpi ne, %and3A_748, %ne3A_750 : vector<16xi32>
    %get3A_752 = arith.constant 16 : index
    %get3A_753 = tpu.vector_load %arg13[%get3A_752] {strides = array<i32>} : memref<128xi32, #tpu.memory_space<vmem>>, vector<16xi32>,
    %gather3A_754 = tpu.vector_load_idx %arg12[%get3A_753] : memref<128xi32, #tpu.memory_space<vmem>>[vector<16xi32>], vector<16xi32>,
    %select_n3A_755 = arith.select %ne3A_751, %gather3A_754, %get3A_753 : vector<16xi1>, vector<16xi32>
    %swap3A_756 = arith.constant 16 : index
    %swap3A_757 = tpu.vector_load %arg13[%swap3A_756] {strides = array<i32>} : memref<128xi32, #tpu.memory_space<vmem>>, vector<16xi32>,
    tpu.vector_store %arg13[%swap3A_756], %select_n3A_755 {strides = array<i32>} : memref<128xi32, #tpu.memory_space<vmem>>, vector<16xi32>,
    %iota3A_758 = tpu.iota {dimensions = array<i32: 0>} : vector<16xi32>
    %add3A_759 = arith.constant 32 : i32
    %add3A_760 = vector.broadcast %add3A_759 : i32 to vector<16xi32>
    %add3A_761 = arith.addi %iota3A_758, %add3A_760 : vector<16xi32>
    %and3A_762 = arith.constant 16 : i32
    %and3A_763 = vector.broadcast %and3A_762 : i32 to vector<16xi32>
    %and3A_764 = arith.andi %add3A_761, %and3A_763 : vector<16xi32>
    %ne3A_765 = arith.constant 0 : i32
    %ne3A_766 = vector.broadcast %ne3A_765 : i32 to vector<16xi32>
    %ne3A_767 = arith.cmpi ne, %and3A_764, %ne3A_766 : vector<16xi32>
    %get3A_768 = arith.constant 32 : index
    %get3A_769 = tpu.vector_load %arg13[%get3A_768] {strides = array<i32>} : memref<128xi32, #tpu.memory_space<vmem>>, vector<16xi32>,
    %gather3A_770 = tpu.vector_load_idx %arg12[%get3A_769] : memref<128xi32, #tpu.memory_space<vmem>>[vector<16xi32>], vector<16xi32>,
    %select_n3A_771 = arith.select %ne3A_767, %gather3A_770, %get3A_769 : vector<16xi1>, vector<16xi32>
    %swap3A_772 = arith.constant 32 : index
    %swap3A_773 = tpu.vector_load %arg13[%swap3A_772] {strides = array<i32>} : memref<128xi32, #tpu.memory_space<vmem>>, vector<16xi32>,
    tpu.vector_store %arg13[%swap3A_772], %select_n3A_771 {strides = array<i32>} : memref<128xi32, #tpu.memory_space<vmem>>, vector<16xi32>,
    %iota3A_774 = tpu.iota {dimensions = array<i32: 0>} : vector<16xi32>
    %add3A_775 = arith.constant 48 : i32
    %add3A_776 = vector.broadcast %add3A_775 : i32 to vector<16xi32>
    %add3A_777 = arith.addi %iota3A_774, %add3A_776 : vector<16xi32>
    %and3A_778 = arith.constant 16 : i32
    %and3A_779 = vector.broadcast %and3A_778 : i32 to vector<16xi32>
    %and3A_780 = arith.andi %add3A_777, %and3A_779 : vector<16xi32>
    %ne3A_781 = arith.constant 0 : i32
    %ne3A_782 = vector.broadcast %ne3A_781 : i32 to vector<16xi32>
    %ne3A_783 = arith.cmpi ne, %and3A_780, %ne3A_782 : vector<16xi32>
    %get3A_784 = arith.constant 48 : index
    %get3A_785 = tpu.vector_load %arg13[%get3A_784] {strides = array<i32>} : memref<128xi32, #tpu.memory_space<vmem>>, vector<16xi32>,
    %gather3A_786 = tpu.vector_load_idx %arg12[%get3A_785] : memref<128xi32, #tpu.memory_space<vmem>>[vector<16xi32>], vector<16xi32>,
    %select_n3A_787 = arith.select %ne3A_783, %gather3A_786, %get3A_785 : vector<16xi1>, vector<16xi32>
    %swap3A_788 = arith.constant 48 : index
    %swap3A_789 = tpu.vector_load %arg13[%swap3A_788] {strides = array<i32>} : memref<128xi32, #tpu.memory_space<vmem>>, vector<16xi32>,
    tpu.vector_store %arg13[%swap3A_788], %select_n3A_787 {strides = array<i32>} : memref<128xi32, #tpu.memory_space<vmem>>, vector<16xi32>,
    %iota3A_790 = tpu.iota {dimensions = array<i32: 0>} : vector<16xi32>
    %add3A_791 = arith.constant 64 : i32
    %add3A_792 = vector.broadcast %add3A_791 : i32 to vector<16xi32>
    %add3A_793 = arith.addi %iota3A_790, %add3A_792 : vector<16xi32>
    %and3A_794 = arith.constant 16 : i32
    %and3A_795 = vector.broadcast %and3A_794 : i32 to vector<16xi32>
    %and3A_796 = arith.andi %add3A_793, %and3A_795 : vector<16xi32>
    %ne3A_797 = arith.constant 0 : i32
    %ne3A_798 = vector.broadcast %ne3A_797 : i32 to vector<16xi32>
    %ne3A_799 = arith.cmpi ne, %and3A_796, %ne3A_798 : vector<16xi32>
    %get3A_800 = arith.constant 64 : index
    %get3A_801 = tpu.vector_load %arg13[%get3A_800] {strides = array<i32>} : memref<128xi32, #tpu.memory_space<vmem>>, vector<16xi32>,
    %gather3A_802 = tpu.vector_load_idx %arg12[%get3A_801] : memref<128xi32, #tpu.memory_space<vmem>>[vector<16xi32>], vector<16xi32>,
    %select_n3A_803 = arith.select %ne3A_799, %gather3A_802, %get3A_801 : vector<16xi1>, vector<16xi32>
    %swap3A_804 = arith.constant 64 : index
    %swap3A_805 = tpu.vector_load %arg13[%swap3A_804] {strides = array<i32>} : memref<128xi32, #tpu.memory_space<vmem>>, vector<16xi32>,
    tpu.vector_store %arg13[%swap3A_804], %select_n3A_803 {strides = array<i32>} : memref<128xi32, #tpu.memory_space<vmem>>, vector<16xi32>,
    %iota3A_806 = tpu.iota {dimensions = array<i32: 0>} : vector<16xi32>
    %add3A_807 = arith.constant 80 : i32
    %add3A_808 = vector.broadcast %add3A_807 : i32 to vector<16xi32>
    %add3A_809 = arith.addi %iota3A_806, %add3A_808 : vector<16xi32>
    %and3A_810 = arith.constant 16 : i32
    %and3A_811 = vector.broadcast %and3A_810 : i32 to vector<16xi32>
    %and3A_812 = arith.andi %add3A_809, %and3A_811 : vector<16xi32>
    %ne3A_813 = arith.constant 0 : i32
    %ne3A_814 = vector.broadcast %ne3A_813 : i32 to vector<16xi32>
    %ne3A_815 = arith.cmpi ne, %and3A_812, %ne3A_814 : vector<16xi32>
    %get3A_816 = arith.constant 80 : index
    %get3A_817 = tpu.vector_load %arg13[%get3A_816] {strides = array<i32>} : memref<128xi32, #tpu.memory_space<vmem>>, vector<16xi32>,
    %gather3A_818 = tpu.vector_load_idx %arg12[%get3A_817] : memref<128xi32, #tpu.memory_space<vmem>>[vector<16xi32>], vector<16xi32>,
    %select_n3A_819 = arith.select %ne3A_815, %gather3A_818, %get3A_817 : vector<16xi1>, vector<16xi32>
    %swap3A_820 = arith.constant 80 : index
    %swap3A_821 = tpu.vector_load %arg13[%swap3A_820] {strides = array<i32>} : memref<128xi32, #tpu.memory_space<vmem>>, vector<16xi32>,
    tpu.vector_store %arg13[%swap3A_820], %select_n3A_819 {strides = array<i32>} : memref<128xi32, #tpu.memory_space<vmem>>, vector<16xi32>,
    %iota3A_822 = tpu.iota {dimensions = array<i32: 0>} : vector<16xi32>
    %add3A_823 = arith.constant 96 : i32
    %add3A_824 = vector.broadcast %add3A_823 : i32 to vector<16xi32>
    %add3A_825 = arith.addi %iota3A_822, %add3A_824 : vector<16xi32>
    %and3A_826 = arith.constant 16 : i32
    %and3A_827 = vector.broadcast %and3A_826 : i32 to vector<16xi32>
    %and3A_828 = arith.andi %add3A_825, %and3A_827 : vector<16xi32>
    %ne3A_829 = arith.constant 0 : i32
    %ne3A_830 = vector.broadcast %ne3A_829 : i32 to vector<16xi32>
    %ne3A_831 = arith.cmpi ne, %and3A_828, %ne3A_830 : vector<16xi32>
    %get3A_832 = arith.constant 96 : index
    %get3A_833 = tpu.vector_load %arg13[%get3A_832] {strides = array<i32>} : memref<128xi32, #tpu.memory_space<vmem>>, vector<16xi32>,
    %gather3A_834 = tpu.vector_load_idx %arg12[%get3A_833] : memref<128xi32, #tpu.memory_space<vmem>>[vector<16xi32>], vector<16xi32>,
    %select_n3A_835 = arith.select %ne3A_831, %gather3A_834, %get3A_833 : vector<16xi1>, vector<16xi32>
    %swap3A_836 = arith.constant 96 : index
    %swap3A_837 = tpu.vector_load %arg13[%swap3A_836] {strides = array<i32>} : memref<128xi32, #tpu.memory_space<vmem>>, vector<16xi32>,
    tpu.vector_store %arg13[%swap3A_836], %select_n3A_835 {strides = array<i32>} : memref<128xi32, #tpu.memory_space<vmem>>, vector<16xi32>,
    %iota3A_838 = tpu.iota {dimensions = array<i32: 0>} : vector<16xi32>
    %add3A_839 = arith.constant 112 : i32
    %add3A_840 = vector.broadcast %add3A_839 : i32 to vector<16xi32>
    %add3A_841 = arith.addi %iota3A_838, %add3A_840 : vector<16xi32>
    %and3A_842 = arith.constant 16 : i32
    %and3A_843 = vector.broadcast %and3A_842 : i32 to vector<16xi32>
    %and3A_844 = arith.andi %add3A_841, %and3A_843 : vector<16xi32>
    %ne3A_845 = arith.constant 0 : i32
    %ne3A_846 = vector.broadcast %ne3A_845 : i32 to vector<16xi32>
    %ne3A_847 = arith.cmpi ne, %and3A_844, %ne3A_846 : vector<16xi32>
    %get3A_848 = arith.constant 112 : index
    %get3A_849 = tpu.vector_load %arg13[%get3A_848] {strides = array<i32>} : memref<128xi32, #tpu.memory_space<vmem>>, vector<16xi32>,
    %gather3A_850 = tpu.vector_load_idx %arg12[%get3A_849] : memref<128xi32, #tpu.memory_space<vmem>>[vector<16xi32>], vector<16xi32>,
    %select_n3A_851 = arith.select %ne3A_847, %gather3A_850, %get3A_849 : vector<16xi1>, vector<16xi32>
    %swap3A_852 = arith.constant 112 : index
    %swap3A_853 = tpu.vector_load %arg13[%swap3A_852] {strides = array<i32>} : memref<128xi32, #tpu.memory_space<vmem>>, vector<16xi32>,
    tpu.vector_store %arg13[%swap3A_852], %select_n3A_851 {strides = array<i32>} : memref<128xi32, #tpu.memory_space<vmem>>, vector<16xi32>,
    %get3A_854 = arith.constant 0 : index
    %get3A_855 = tpu.vector_load %arg12[%get3A_854] {strides = array<i32>} : memref<128xi32, #tpu.memory_space<vmem>>, vector<16xi32>,
    %gather3A_856 = tpu.vector_load_idx %arg12[%get3A_855] : memref<128xi32, #tpu.memory_space<vmem>>[vector<16xi32>], vector<16xi32>,
    %swap3A_857 = arith.constant 0 : index
    %swap3A_858 = tpu.vector_load %arg11[%swap3A_857] {strides = array<i32>} : memref<128xi32, #tpu.memory_space<vmem>>, vector<16xi32>,
    tpu.vector_store %arg11[%swap3A_857], %gather3A_856 {strides = array<i32>} : memref<128xi32, #tpu.memory_space<vmem>>, vector<16xi32>,
    %get3A_859 = arith.constant 16 : index
    %get3A_860 = tpu.vector_load %arg12[%get3A_859] {strides = array<i32>} : memref<128xi32, #tpu.memory_space<vmem>>, vector<16xi32>,
    %gather3A_861 = tpu.vector_load_idx %arg12[%get3A_860] : memref<128xi32, #tpu.memory_space<vmem>>[vector<16xi32>], vector<16xi32>,
    %swap3A_862 = arith.constant 16 : index
    %swap3A_863 = tpu.vector_load %arg11[%swap3A_862] {strides = array<i32>} : memref<128xi32, #tpu.memory_space<vmem>>, vector<16xi32>,
    tpu.vector_store %arg11[%swap3A_862], %gather3A_861 {strides = array<i32>} : memref<128xi32, #tpu.memory_space<vmem>>, vector<16xi32>,
    %get3A_864 = arith.constant 32 : index
    %get3A_865 = tpu.vector_load %arg12[%get3A_864] {strides = array<i32>} : memref<128xi32, #tpu.memory_space<vmem>>, vector<16xi32>,
    %gather3A_866 = tpu.vector_load_idx %arg12[%get3A_865] : memref<128xi32, #tpu.memory_space<vmem>>[vector<16xi32>], vector<16xi32>,
    %swap3A_867 = arith.constant 32 : index
    %swap3A_868 = tpu.vector_load %arg11[%swap3A_867] {strides = array<i32>} : memref<128xi32, #tpu.memory_space<vmem>>, vector<16xi32>,
    tpu.vector_store %arg11[%swap3A_867], %gather3A_866 {strides = array<i32>} : memref<128xi32, #tpu.memory_space<vmem>>, vector<16xi32>,
    %get3A_869 = arith.constant 48 : index
    %get3A_870 = tpu.vector_load %arg12[%get3A_869] {strides = array<i32>} : memref<128xi32, #tpu.memory_space<vmem>>, vector<16xi32>,
    %gather3A_871 = tpu.vector_load_idx %arg12[%get3A_870] : memref<128xi32, #tpu.memory_space<vmem>>[vector<16xi32>], vector<16xi32>,
    %swap3A_872 = arith.constant 48 : index
    %swap3A_873 = tpu.vector_load %arg11[%swap3A_872] {strides = array<i32>} : memref<128xi32, #tpu.memory_space<vmem>>, vector<16xi32>,
    tpu.vector_store %arg11[%swap3A_872], %gather3A_871 {strides = array<i32>} : memref<128xi32, #tpu.memory_space<vmem>>, vector<16xi32>,
    %get3A_874 = arith.constant 64 : index
    %get3A_875 = tpu.vector_load %arg12[%get3A_874] {strides = array<i32>} : memref<128xi32, #tpu.memory_space<vmem>>, vector<16xi32>,
    %gather3A_876 = tpu.vector_load_idx %arg12[%get3A_875] : memref<128xi32, #tpu.memory_space<vmem>>[vector<16xi32>], vector<16xi32>,
    %swap3A_877 = arith.constant 64 : index
    %swap3A_878 = tpu.vector_load %arg11[%swap3A_877] {strides = array<i32>} : memref<128xi32, #tpu.memory_space<vmem>>, vector<16xi32>,
    tpu.vector_store %arg11[%swap3A_877], %gather3A_876 {strides = array<i32>} : memref<128xi32, #tpu.memory_space<vmem>>, vector<16xi32>,
    %get3A_879 = arith.constant 80 : index
    %get3A_880 = tpu.vector_load %arg12[%get3A_879] {strides = array<i32>} : memref<128xi32, #tpu.memory_space<vmem>>, vector<16xi32>,
    %gather3A_881 = tpu.vector_load_idx %arg12[%get3A_880] : memref<128xi32, #tpu.memory_space<vmem>>[vector<16xi32>], vector<16xi32>,
    %swap3A_882 = arith.constant 80 : index
    %swap3A_883 = tpu.vector_load %arg11[%swap3A_882] {strides = array<i32>} : memref<128xi32, #tpu.memory_space<vmem>>, vector<16xi32>,
    tpu.vector_store %arg11[%swap3A_882], %gather3A_881 {strides = array<i32>} : memref<128xi32, #tpu.memory_space<vmem>>, vector<16xi32>,
    %get3A_884 = arith.constant 96 : index
    %get3A_885 = tpu.vector_load %arg12[%get3A_884] {strides = array<i32>} : memref<128xi32, #tpu.memory_space<vmem>>, vector<16xi32>,
    %gather3A_886 = tpu.vector_load_idx %arg12[%get3A_885] : memref<128xi32, #tpu.memory_space<vmem>>[vector<16xi32>], vector<16xi32>,
    %swap3A_887 = arith.constant 96 : index
    %swap3A_888 = tpu.vector_load %arg11[%swap3A_887] {strides = array<i32>} : memref<128xi32, #tpu.memory_space<vmem>>, vector<16xi32>,
    tpu.vector_store %arg11[%swap3A_887], %gather3A_886 {strides = array<i32>} : memref<128xi32, #tpu.memory_space<vmem>>, vector<16xi32>,
    %get3A_889 = arith.constant 112 : index
    %get3A_890 = tpu.vector_load %arg12[%get3A_889] {strides = array<i32>} : memref<128xi32, #tpu.memory_space<vmem>>, vector<16xi32>,
    %gather3A_891 = tpu.vector_load_idx %arg12[%get3A_890] : memref<128xi32, #tpu.memory_space<vmem>>[vector<16xi32>], vector<16xi32>,
    %swap3A_892 = arith.constant 112 : index
    %swap3A_893 = tpu.vector_load %arg11[%swap3A_892] {strides = array<i32>} : memref<128xi32, #tpu.memory_space<vmem>>, vector<16xi32>,
    tpu.vector_store %arg11[%swap3A_892], %gather3A_891 {strides = array<i32>} : memref<128xi32, #tpu.memory_space<vmem>>, vector<16xi32>,
    %iota3A_894 = tpu.iota {dimensions = array<i32: 0>} : vector<16xi32>
    %add3A_895 = arith.constant 0 : i32
    %add3A_896 = vector.broadcast %add3A_895 : i32 to vector<16xi32>
    %add3A_897 = arith.addi %iota3A_894, %add3A_896 : vector<16xi32>
    %and3A_898 = arith.constant 32 : i32
    %and3A_899 = vector.broadcast %and3A_898 : i32 to vector<16xi32>
    %and3A_900 = arith.andi %add3A_897, %and3A_899 : vector<16xi32>
    %ne3A_901 = arith.constant 0 : i32
    %ne3A_902 = vector.broadcast %ne3A_901 : i32 to vector<16xi32>
    %ne3A_903 = arith.cmpi ne, %and3A_900, %ne3A_902 : vector<16xi32>
    %get3A_904 = arith.constant 0 : index
    %get3A_905 = tpu.vector_load %arg13[%get3A_904] {strides = array<i32>} : memref<128xi32, #tpu.memory_space<vmem>>, vector<16xi32>,
    %gather3A_906 = tpu.vector_load_idx %arg11[%get3A_905] : memref<128xi32, #tpu.memory_space<vmem>>[vector<16xi32>], vector<16xi32>,
    %select_n3A_907 = arith.select %ne3A_903, %gather3A_906, %get3A_905 : vector<16xi1>, vector<16xi32>
    %swap3A_908 = arith.constant 0 : index
    %swap3A_909 = tpu.vector_load %arg13[%swap3A_908] {strides = array<i32>} : memref<128xi32, #tpu.memory_space<vmem>>, vector<16xi32>,
    tpu.vector_store %arg13[%swap3A_908], %select_n3A_907 {strides = array<i32>} : memref<128xi32, #tpu.memory_space<vmem>>, vector<16xi32>,
    %iota3A_910 = tpu.iota {dimensions = array<i32: 0>} : vector<16xi32>
    %add3A_911 = arith.constant 16 : i32
    %add3A_912 = vector.broadcast %add3A_911 : i32 to vector<16xi32>
    %add3A_913 = arith.addi %iota3A_910, %add3A_912 : vector<16xi32>
    %and3A_914 = arith.constant 32 : i32
    %and3A_915 = vector.broadcast %and3A_914 : i32 to vector<16xi32>
    %and3A_916 = arith.andi %add3A_913, %and3A_915 : vector<16xi32>
    %ne3A_917 = arith.constant 0 : i32
    %ne3A_918 = vector.broadcast %ne3A_917 : i32 to vector<16xi32>
    %ne3A_919 = arith.cmpi ne, %and3A_916, %ne3A_918 : vector<16xi32>
    %get3A_920 = arith.constant 16 : index
    %get3A_921 = tpu.vector_load %arg13[%get3A_920] {strides = array<i32>} : memref<128xi32, #tpu.memory_space<vmem>>, vector<16xi32>,
    %gather3A_922 = tpu.vector_load_idx %arg11[%get3A_921] : memref<128xi32, #tpu.memory_space<vmem>>[vector<16xi32>], vector<16xi32>,
    %select_n3A_923 = arith.select %ne3A_919, %gather3A_922, %get3A_921 : vector<16xi1>, vector<16xi32>
    %swap3A_924 = arith.constant 16 : index
    %swap3A_925 = tpu.vector_load %arg13[%swap3A_924] {strides = array<i32>} : memref<128xi32, #tpu.memory_space<vmem>>, vector<16xi32>,
    tpu.vector_store %arg13[%swap3A_924], %select_n3A_923 {strides = array<i32>} : memref<128xi32, #tpu.memory_space<vmem>>, vector<16xi32>,
    %iota3A_926 = tpu.iota {dimensions = array<i32: 0>} : vector<16xi32>
    %add3A_927 = arith.constant 32 : i32
    %add3A_928 = vector.broadcast %add3A_927 : i32 to vector<16xi32>
    %add3A_929 = arith.addi %iota3A_926, %add3A_928 : vector<16xi32>
    %and3A_930 = arith.constant 32 : i32
    %and3A_931 = vector.broadcast %and3A_930 : i32 to vector<16xi32>
    %and3A_932 = arith.andi %add3A_929, %and3A_931 : vector<16xi32>
    %ne3A_933 = arith.constant 0 : i32
    %ne3A_934 = vector.broadcast %ne3A_933 : i32 to vector<16xi32>
    %ne3A_935 = arith.cmpi ne, %and3A_932, %ne3A_934 : vector<16xi32>
    %get3A_936 = arith.constant 32 : index
    %get3A_937 = tpu.vector_load %arg13[%get3A_936] {strides = array<i32>} : memref<128xi32, #tpu.memory_space<vmem>>, vector<16xi32>,
    %gather3A_938 = tpu.vector_load_idx %arg11[%get3A_937] : memref<128xi32, #tpu.memory_space<vmem>>[vector<16xi32>], vector<16xi32>,
    %select_n3A_939 = arith.select %ne3A_935, %gather3A_938, %get3A_937 : vector<16xi1>, vector<16xi32>
    %swap3A_940 = arith.constant 32 : index
    %swap3A_941 = tpu.vector_load %arg13[%swap3A_940] {strides = array<i32>} : memref<128xi32, #tpu.memory_space<vmem>>, vector<16xi32>,
    tpu.vector_store %arg13[%swap3A_940], %select_n3A_939 {strides = array<i32>} : memref<128xi32, #tpu.memory_space<vmem>>, vector<16xi32>,
    %iota3A_942 = tpu.iota {dimensions = array<i32: 0>} : vector<16xi32>
    %add3A_943 = arith.constant 48 : i32
    %add3A_944 = vector.broadcast %add3A_943 : i32 to vector<16xi32>
    %add3A_945 = arith.addi %iota3A_942, %add3A_944 : vector<16xi32>
    %and3A_946 = arith.constant 32 : i32
    %and3A_947 = vector.broadcast %and3A_946 : i32 to vector<16xi32>
    %and3A_948 = arith.andi %add3A_945, %and3A_947 : vector<16xi32>
    %ne3A_949 = arith.constant 0 : i32
    %ne3A_950 = vector.broadcast %ne3A_949 : i32 to vector<16xi32>
    %ne3A_951 = arith.cmpi ne, %and3A_948, %ne3A_950 : vector<16xi32>
    %get3A_952 = arith.constant 48 : index
    %get3A_953 = tpu.vector_load %arg13[%get3A_952] {strides = array<i32>} : memref<128xi32, #tpu.memory_space<vmem>>, vector<16xi32>,
    %gather3A_954 = tpu.vector_load_idx %arg11[%get3A_953] : memref<128xi32, #tpu.memory_space<vmem>>[vector<16xi32>], vector<16xi32>,
    %select_n3A_955 = arith.select %ne3A_951, %gather3A_954, %get3A_953 : vector<16xi1>, vector<16xi32>
    %swap3A_956 = arith.constant 48 : index
    %swap3A_957 = tpu.vector_load %arg13[%swap3A_956] {strides = array<i32>} : memref<128xi32, #tpu.memory_space<vmem>>, vector<16xi32>,
    tpu.vector_store %arg13[%swap3A_956], %select_n3A_955 {strides = array<i32>} : memref<128xi32, #tpu.memory_space<vmem>>, vector<16xi32>,
    %iota3A_958 = tpu.iota {dimensions = array<i32: 0>} : vector<16xi32>
    %add3A_959 = arith.constant 64 : i32
    %add3A_960 = vector.broadcast %add3A_959 : i32 to vector<16xi32>
    %add3A_961 = arith.addi %iota3A_958, %add3A_960 : vector<16xi32>
    %and3A_962 = arith.constant 32 : i32
    %and3A_963 = vector.broadcast %and3A_962 : i32 to vector<16xi32>
    %and3A_964 = arith.andi %add3A_961, %and3A_963 : vector<16xi32>
    %ne3A_965 = arith.constant 0 : i32
    %ne3A_966 = vector.broadcast %ne3A_965 : i32 to vector<16xi32>
    %ne3A_967 = arith.cmpi ne, %and3A_964, %ne3A_966 : vector<16xi32>
    %get3A_968 = arith.constant 64 : index
    %get3A_969 = tpu.vector_load %arg13[%get3A_968] {strides = array<i32>} : memref<128xi32, #tpu.memory_space<vmem>>, vector<16xi32>,
    %gather3A_970 = tpu.vector_load_idx %arg11[%get3A_969] : memref<128xi32, #tpu.memory_space<vmem>>[vector<16xi32>], vector<16xi32>,
    %select_n3A_971 = arith.select %ne3A_967, %gather3A_970, %get3A_969 : vector<16xi1>, vector<16xi32>
    %swap3A_972 = arith.constant 64 : index
    %swap3A_973 = tpu.vector_load %arg13[%swap3A_972] {strides = array<i32>} : memref<128xi32, #tpu.memory_space<vmem>>, vector<16xi32>,
    tpu.vector_store %arg13[%swap3A_972], %select_n3A_971 {strides = array<i32>} : memref<128xi32, #tpu.memory_space<vmem>>, vector<16xi32>,
    %iota3A_974 = tpu.iota {dimensions = array<i32: 0>} : vector<16xi32>
    %add3A_975 = arith.constant 80 : i32
    %add3A_976 = vector.broadcast %add3A_975 : i32 to vector<16xi32>
    %add3A_977 = arith.addi %iota3A_974, %add3A_976 : vector<16xi32>
    %and3A_978 = arith.constant 32 : i32
    %and3A_979 = vector.broadcast %and3A_978 : i32 to vector<16xi32>
    %and3A_980 = arith.andi %add3A_977, %and3A_979 : vector<16xi32>
    %ne3A_981 = arith.constant 0 : i32
    %ne3A_982 = vector.broadcast %ne3A_981 : i32 to vector<16xi32>
    %ne3A_983 = arith.cmpi ne, %and3A_980, %ne3A_982 : vector<16xi32>
    %get3A_984 = arith.constant 80 : index
    %get3A_985 = tpu.vector_load %arg13[%get3A_984] {strides = array<i32>} : memref<128xi32, #tpu.memory_space<vmem>>, vector<16xi32>,
    %gather3A_986 = tpu.vector_load_idx %arg11[%get3A_985] : memref<128xi32, #tpu.memory_space<vmem>>[vector<16xi32>], vector<16xi32>,
    %select_n3A_987 = arith.select %ne3A_983, %gather3A_986, %get3A_985 : vector<16xi1>, vector<16xi32>
    %swap3A_988 = arith.constant 80 : index
    %swap3A_989 = tpu.vector_load %arg13[%swap3A_988] {strides = array<i32>} : memref<128xi32, #tpu.memory_space<vmem>>, vector<16xi32>,
    tpu.vector_store %arg13[%swap3A_988], %select_n3A_987 {strides = array<i32>} : memref<128xi32, #tpu.memory_space<vmem>>, vector<16xi32>,
    %iota3A_990 = tpu.iota {dimensions = array<i32: 0>} : vector<16xi32>
    %add3A_991 = arith.constant 96 : i32
    %add3A_992 = vector.broadcast %add3A_991 : i32 to vector<16xi32>
    %add3A_993 = arith.addi %iota3A_990, %add3A_992 : vector<16xi32>
    %and3A_994 = arith.constant 32 : i32
    %and3A_995 = vector.broadcast %and3A_994 : i32 to vector<16xi32>
    %and3A_996 = arith.andi %add3A_993, %and3A_995 : vector<16xi32>
    %ne3A_997 = arith.constant 0 : i32
    %ne3A_998 = vector.broadcast %ne3A_997 : i32 to vector<16xi32>
    %ne3A_999 = arith.cmpi ne, %and3A_996, %ne3A_998 : vector<16xi32>
    %get3A_1000 = arith.constant 96 : index
    %get3A_1001 = tpu.vector_load %arg13[%get3A_1000] {strides = array<i32>} : memref<128xi32, #tpu.memory_space<vmem>>, vector<16xi32>,
    %gather3A_1002 = tpu.vector_load_idx %arg11[%get3A_1001] : memref<128xi32, #tpu.memory_space<vmem>>[vector<16xi32>], vector<16xi32>,
    %select_n3A_1003 = arith.select %ne3A_999, %gather3A_1002, %get3A_1001 : vector<16xi1>, vector<16xi32>
    %swap3A_1004 = arith.constant 96 : index
    %swap3A_1005 = tpu.vector_load %arg13[%swap3A_1004] {strides = array<i32>} : memref<128xi32, #tpu.memory_space<vmem>>, vector<16xi32>,
    tpu.vector_store %arg13[%swap3A_1004], %select_n3A_1003 {strides = array<i32>} : memref<128xi32, #tpu.memory_space<vmem>>, vector<16xi32>,
    %iota3A_1006 = tpu.iota {dimensions = array<i32: 0>} : vector<16xi32>
    %add3A_1007 = arith.constant 112 : i32
    %add3A_1008 = vector.broadcast %add3A_1007 : i32 to vector<16xi32>
    %add3A_1009 = arith.addi %iota3A_1006, %add3A_1008 : vector<16xi32>
    %and3A_1010 = arith.constant 32 : i32
    %and3A_1011 = vector.broadcast %and3A_1010 : i32 to vector<16xi32>
    %and3A_1012 = arith.andi %add3A_1009, %and3A_1011 : vector<16xi32>
    %ne3A_1013 = arith.constant 0 : i32
    %ne3A_1014 = vector.broadcast %ne3A_1013 : i32 to vector<16xi32>
    %ne3A_1015 = arith.cmpi ne, %and3A_1012, %ne3A_1014 : vector<16xi32>
    %get3A_1016 = arith.constant 112 : index
    %get3A_1017 = tpu.vector_load %arg13[%get3A_1016] {strides = array<i32>} : memref<128xi32, #tpu.memory_space<vmem>>, vector<16xi32>,
    %gather3A_1018 = tpu.vector_load_idx %arg11[%get3A_1017] : memref<128xi32, #tpu.memory_space<vmem>>[vector<16xi32>], vector<16xi32>,
    %select_n3A_1019 = arith.select %ne3A_1015, %gather3A_1018, %get3A_1017 : vector<16xi1>, vector<16xi32>
    %swap3A_1020 = arith.constant 112 : index
    %swap3A_1021 = tpu.vector_load %arg13[%swap3A_1020] {strides = array<i32>} : memref<128xi32, #tpu.memory_space<vmem>>, vector<16xi32>,
    tpu.vector_store %arg13[%swap3A_1020], %select_n3A_1019 {strides = array<i32>} : memref<128xi32, #tpu.memory_space<vmem>>, vector<16xi32>,
    %get3A_1022 = arith.constant 0 : index
    %get3A_1023 = tpu.vector_load %arg11[%get3A_1022] {strides = array<i32>} : memref<128xi32, #tpu.memory_space<vmem>>, vector<16xi32>,
    %gather3A_1024 = tpu.vector_load_idx %arg11[%get3A_1023] : memref<128xi32, #tpu.memory_space<vmem>>[vector<16xi32>], vector<16xi32>,
    %swap3A_1025 = arith.constant 0 : index
    %swap3A_1026 = tpu.vector_load %arg12[%swap3A_1025] {strides = array<i32>} : memref<128xi32, #tpu.memory_space<vmem>>, vector<16xi32>,
    tpu.vector_store %arg12[%swap3A_1025], %gather3A_1024 {strides = array<i32>} : memref<128xi32, #tpu.memory_space<vmem>>, vector<16xi32>,
    %get3A_1027 = arith.constant 16 : index
    %get3A_1028 = tpu.vector_load %arg11[%get3A_1027] {strides = array<i32>} : memref<128xi32, #tpu.memory_space<vmem>>, vector<16xi32>,
    %gather3A_1029 = tpu.vector_load_idx %arg11[%get3A_1028] : memref<128xi32, #tpu.memory_space<vmem>>[vector<16xi32>], vector<16xi32>,
    %swap3A_1030 = arith.constant 16 : index
    %swap3A_1031 = tpu.vector_load %arg12[%swap3A_1030] {strides = array<i32>} : memref<128xi32, #tpu.memory_space<vmem>>, vector<16xi32>,
    tpu.vector_store %arg12[%swap3A_1030], %gather3A_1029 {strides = array<i32>} : memref<128xi32, #tpu.memory_space<vmem>>, vector<16xi32>,
    %get3A_1032 = arith.constant 32 : index
    %get3A_1033 = tpu.vector_load %arg11[%get3A_1032] {strides = array<i32>} : memref<128xi32, #tpu.memory_space<vmem>>, vector<16xi32>,
    %gather3A_1034 = tpu.vector_load_idx %arg11[%get3A_1033] : memref<128xi32, #tpu.memory_space<vmem>>[vector<16xi32>], vector<16xi32>,
    %swap3A_1035 = arith.constant 32 : index
    %swap3A_1036 = tpu.vector_load %arg12[%swap3A_1035] {strides = array<i32>} : memref<128xi32, #tpu.memory_space<vmem>>, vector<16xi32>,
    tpu.vector_store %arg12[%swap3A_1035], %gather3A_1034 {strides = array<i32>} : memref<128xi32, #tpu.memory_space<vmem>>, vector<16xi32>,
    %get3A_1037 = arith.constant 48 : index
    %get3A_1038 = tpu.vector_load %arg11[%get3A_1037] {strides = array<i32>} : memref<128xi32, #tpu.memory_space<vmem>>, vector<16xi32>,
    %gather3A_1039 = tpu.vector_load_idx %arg11[%get3A_1038] : memref<128xi32, #tpu.memory_space<vmem>>[vector<16xi32>], vector<16xi32>,
    %swap3A_1040 = arith.constant 48 : index
    %swap3A_1041 = tpu.vector_load %arg12[%swap3A_1040] {strides = array<i32>} : memref<128xi32, #tpu.memory_space<vmem>>, vector<16xi32>,
    tpu.vector_store %arg12[%swap3A_1040], %gather3A_1039 {strides = array<i32>} : memref<128xi32, #tpu.memory_space<vmem>>, vector<16xi32>,
    %get3A_1042 = arith.constant 64 : index
    %get3A_1043 = tpu.vector_load %arg11[%get3A_1042] {strides = array<i32>} : memref<128xi32, #tpu.memory_space<vmem>>, vector<16xi32>,
    %gather3A_1044 = tpu.vector_load_idx %arg11[%get3A_1043] : memref<128xi32, #tpu.memory_space<vmem>>[vector<16xi32>], vector<16xi32>,
    %swap3A_1045 = arith.constant 64 : index
    %swap3A_1046 = tpu.vector_load %arg12[%swap3A_1045] {strides = array<i32>} : memref<128xi32, #tpu.memory_space<vmem>>, vector<16xi32>,
    tpu.vector_store %arg12[%swap3A_1045], %gather3A_1044 {strides = array<i32>} : memref<128xi32, #tpu.memory_space<vmem>>, vector<16xi32>,
    %get3A_1047 = arith.constant 80 : index
    %get3A_1048 = tpu.vector_load %arg11[%get3A_1047] {strides = array<i32>} : memref<128xi32, #tpu.memory_space<vmem>>, vector<16xi32>,
    %gather3A_1049 = tpu.vector_load_idx %arg11[%get3A_1048] : memref<128xi32, #tpu.memory_space<vmem>>[vector<16xi32>], vector<16xi32>,
    %swap3A_1050 = arith.constant 80 : index
    %swap3A_1051 = tpu.vector_load %arg12[%swap3A_1050] {strides = array<i32>} : memref<128xi32, #tpu.memory_space<vmem>>, vector<16xi32>,
    tpu.vector_store %arg12[%swap3A_1050], %gather3A_1049 {strides = array<i32>} : memref<128xi32, #tpu.memory_space<vmem>>, vector<16xi32>,
    %get3A_1052 = arith.constant 96 : index
    %get3A_1053 = tpu.vector_load %arg11[%get3A_1052] {strides = array<i32>} : memref<128xi32, #tpu.memory_space<vmem>>, vector<16xi32>,
    %gather3A_1054 = tpu.vector_load_idx %arg11[%get3A_1053] : memref<128xi32, #tpu.memory_space<vmem>>[vector<16xi32>], vector<16xi32>,
    %swap3A_1055 = arith.constant 96 : index
    %swap3A_1056 = tpu.vector_load %arg12[%swap3A_1055] {strides = array<i32>} : memref<128xi32, #tpu.memory_space<vmem>>, vector<16xi32>,
    tpu.vector_store %arg12[%swap3A_1055], %gather3A_1054 {strides = array<i32>} : memref<128xi32, #tpu.memory_space<vmem>>, vector<16xi32>,
    %get3A_1057 = arith.constant 112 : index
    %get3A_1058 = tpu.vector_load %arg11[%get3A_1057] {strides = array<i32>} : memref<128xi32, #tpu.memory_space<vmem>>, vector<16xi32>,
    %gather3A_1059 = tpu.vector_load_idx %arg11[%get3A_1058] : memref<128xi32, #tpu.memory_space<vmem>>[vector<16xi32>], vector<16xi32>,
    %swap3A_1060 = arith.constant 112 : index
    %swap3A_1061 = tpu.vector_load %arg12[%swap3A_1060] {strides = array<i32>} : memref<128xi32, #tpu.memory_space<vmem>>, vector<16xi32>,
    tpu.vector_store %arg12[%swap3A_1060], %gather3A_1059 {strides = array<i32>} : memref<128xi32, #tpu.memory_space<vmem>>, vector<16xi32>,
    %iota3A_1062 = tpu.iota {dimensions = array<i32: 0>} : vector<16xi32>
    %add3A_1063 = arith.constant 0 : i32
    %add3A_1064 = vector.broadcast %add3A_1063 : i32 to vector<16xi32>
    %add3A_1065 = arith.addi %iota3A_1062, %add3A_1064 : vector<16xi32>
    %and3A_1066 = arith.constant 64 : i32
    %and3A_1067 = vector.broadcast %and3A_1066 : i32 to vector<16xi32>
    %and3A_1068 = arith.andi %add3A_1065, %and3A_1067 : vector<16xi32>
    %ne3A_1069 = arith.constant 0 : i32
    %ne3A_1070 = vector.broadcast %ne3A_1069 : i32 to vector<16xi32>
    %ne3A_1071 = arith.cmpi ne, %and3A_1068, %ne3A_1070 : vector<16xi32>
    %get3A_1072 = arith.constant 0 : index
    %get3A_1073 = tpu.vector_load %arg13[%get3A_1072] {strides = array<i32>} : memref<128xi32, #tpu.memory_space<vmem>>, vector<16xi32>,
    %gather3A_1074 = tpu.vector_load_idx %arg12[%get3A_1073] : memref<128xi32, #tpu.memory_space<vmem>>[vector<16xi32>], vector<16xi32>,
    %select_n3A_1075 = arith.select %ne3A_1071, %gather3A_1074, %get3A_1073 : vector<16xi1>, vector<16xi32>
    %swap3A_1076 = arith.constant 0 : index
    %swap3A_1077 = tpu.vector_load %arg13[%swap3A_1076] {strides = array<i32>} : memref<128xi32, #tpu.memory_space<vmem>>, vector<16xi32>,
    tpu.vector_store %arg13[%swap3A_1076], %select_n3A_1075 {strides = array<i32>} : memref<128xi32, #tpu.memory_space<vmem>>, vector<16xi32>,
    %iota3A_1078 = tpu.iota {dimensions = array<i32: 0>} : vector<16xi32>
    %add3A_1079 = arith.constant 16 : i32
    %add3A_1080 = vector.broadcast %add3A_1079 : i32 to vector<16xi32>
    %add3A_1081 = arith.addi %iota3A_1078, %add3A_1080 : vector<16xi32>
    %and3A_1082 = arith.constant 64 : i32
    %and3A_1083 = vector.broadcast %and3A_1082 : i32 to vector<16xi32>
    %and3A_1084 = arith.andi %add3A_1081, %and3A_1083 : vector<16xi32>
    %ne3A_1085 = arith.constant 0 : i32
    %ne3A_1086 = vector.broadcast %ne3A_1085 : i32 to vector<16xi32>
    %ne3A_1087 = arith.cmpi ne, %and3A_1084, %ne3A_1086 : vector<16xi32>
    %get3A_1088 = arith.constant 16 : index
    %get3A_1089 = tpu.vector_load %arg13[%get3A_1088] {strides = array<i32>} : memref<128xi32, #tpu.memory_space<vmem>>, vector<16xi32>,
    %gather3A_1090 = tpu.vector_load_idx %arg12[%get3A_1089] : memref<128xi32, #tpu.memory_space<vmem>>[vector<16xi32>], vector<16xi32>,
    %select_n3A_1091 = arith.select %ne3A_1087, %gather3A_1090, %get3A_1089 : vector<16xi1>, vector<16xi32>
    %swap3A_1092 = arith.constant 16 : index
    %swap3A_1093 = tpu.vector_load %arg13[%swap3A_1092] {strides = array<i32>} : memref<128xi32, #tpu.memory_space<vmem>>, vector<16xi32>,
    tpu.vector_store %arg13[%swap3A_1092], %select_n3A_1091 {strides = array<i32>} : memref<128xi32, #tpu.memory_space<vmem>>, vector<16xi32>,
    %iota3A_1094 = tpu.iota {dimensions = array<i32: 0>} : vector<16xi32>
    %add3A_1095 = arith.constant 32 : i32
    %add3A_1096 = vector.broadcast %add3A_1095 : i32 to vector<16xi32>
    %add3A_1097 = arith.addi %iota3A_1094, %add3A_1096 : vector<16xi32>
    %and3A_1098 = arith.constant 64 : i32
    %and3A_1099 = vector.broadcast %and3A_1098 : i32 to vector<16xi32>
    %and3A_1100 = arith.andi %add3A_1097, %and3A_1099 : vector<16xi32>
    %ne3A_1101 = arith.constant 0 : i32
    %ne3A_1102 = vector.broadcast %ne3A_1101 : i32 to vector<16xi32>
    %ne3A_1103 = arith.cmpi ne, %and3A_1100, %ne3A_1102 : vector<16xi32>
    %get3A_1104 = arith.constant 32 : index
    %get3A_1105 = tpu.vector_load %arg13[%get3A_1104] {strides = array<i32>} : memref<128xi32, #tpu.memory_space<vmem>>, vector<16xi32>,
    %gather3A_1106 = tpu.vector_load_idx %arg12[%get3A_1105] : memref<128xi32, #tpu.memory_space<vmem>>[vector<16xi32>], vector<16xi32>,
    %select_n3A_1107 = arith.select %ne3A_1103, %gather3A_1106, %get3A_1105 : vector<16xi1>, vector<16xi32>
    %swap3A_1108 = arith.constant 32 : index
    %swap3A_1109 = tpu.vector_load %arg13[%swap3A_1108] {strides = array<i32>} : memref<128xi32, #tpu.memory_space<vmem>>, vector<16xi32>,
    tpu.vector_store %arg13[%swap3A_1108], %select_n3A_1107 {strides = array<i32>} : memref<128xi32, #tpu.memory_space<vmem>>, vector<16xi32>,
    %iota3A_1110 = tpu.iota {dimensions = array<i32: 0>} : vector<16xi32>
    %add3A_1111 = arith.constant 48 : i32
    %add3A_1112 = vector.broadcast %add3A_1111 : i32 to vector<16xi32>
    %add3A_1113 = arith.addi %iota3A_1110, %add3A_1112 : vector<16xi32>
    %and3A_1114 = arith.constant 64 : i32
    %and3A_1115 = vector.broadcast %and3A_1114 : i32 to vector<16xi32>
    %and3A_1116 = arith.andi %add3A_1113, %and3A_1115 : vector<16xi32>
    %ne3A_1117 = arith.constant 0 : i32
    %ne3A_1118 = vector.broadcast %ne3A_1117 : i32 to vector<16xi32>
    %ne3A_1119 = arith.cmpi ne, %and3A_1116, %ne3A_1118 : vector<16xi32>
    %get3A_1120 = arith.constant 48 : index
    %get3A_1121 = tpu.vector_load %arg13[%get3A_1120] {strides = array<i32>} : memref<128xi32, #tpu.memory_space<vmem>>, vector<16xi32>,
    %gather3A_1122 = tpu.vector_load_idx %arg12[%get3A_1121] : memref<128xi32, #tpu.memory_space<vmem>>[vector<16xi32>], vector<16xi32>,
    %select_n3A_1123 = arith.select %ne3A_1119, %gather3A_1122, %get3A_1121 : vector<16xi1>, vector<16xi32>
    %swap3A_1124 = arith.constant 48 : index
    %swap3A_1125 = tpu.vector_load %arg13[%swap3A_1124] {strides = array<i32>} : memref<128xi32, #tpu.memory_space<vmem>>, vector<16xi32>,
    tpu.vector_store %arg13[%swap3A_1124], %select_n3A_1123 {strides = array<i32>} : memref<128xi32, #tpu.memory_space<vmem>>, vector<16xi32>,
    %iota3A_1126 = tpu.iota {dimensions = array<i32: 0>} : vector<16xi32>
    %add3A_1127 = arith.constant 64 : i32
    %add3A_1128 = vector.broadcast %add3A_1127 : i32 to vector<16xi32>
    %add3A_1129 = arith.addi %iota3A_1126, %add3A_1128 : vector<16xi32>
    %and3A_1130 = arith.constant 64 : i32
    %and3A_1131 = vector.broadcast %and3A_1130 : i32 to vector<16xi32>
    %and3A_1132 = arith.andi %add3A_1129, %and3A_1131 : vector<16xi32>
    %ne3A_1133 = arith.constant 0 : i32
    %ne3A_1134 = vector.broadcast %ne3A_1133 : i32 to vector<16xi32>
    %ne3A_1135 = arith.cmpi ne, %and3A_1132, %ne3A_1134 : vector<16xi32>
    %get3A_1136 = arith.constant 64 : index
    %get3A_1137 = tpu.vector_load %arg13[%get3A_1136] {strides = array<i32>} : memref<128xi32, #tpu.memory_space<vmem>>, vector<16xi32>,
    %gather3A_1138 = tpu.vector_load_idx %arg12[%get3A_1137] : memref<128xi32, #tpu.memory_space<vmem>>[vector<16xi32>], vector<16xi32>,
    %select_n3A_1139 = arith.select %ne3A_1135, %gather3A_1138, %get3A_1137 : vector<16xi1>, vector<16xi32>
    %swap3A_1140 = arith.constant 64 : index
    %swap3A_1141 = tpu.vector_load %arg13[%swap3A_1140] {strides = array<i32>} : memref<128xi32, #tpu.memory_space<vmem>>, vector<16xi32>,
    tpu.vector_store %arg13[%swap3A_1140], %select_n3A_1139 {strides = array<i32>} : memref<128xi32, #tpu.memory_space<vmem>>, vector<16xi32>,
    %iota3A_1142 = tpu.iota {dimensions = array<i32: 0>} : vector<16xi32>
    %add3A_1143 = arith.constant 80 : i32
    %add3A_1144 = vector.broadcast %add3A_1143 : i32 to vector<16xi32>
    %add3A_1145 = arith.addi %iota3A_1142, %add3A_1144 : vector<16xi32>
    %and3A_1146 = arith.constant 64 : i32
    %and3A_1147 = vector.broadcast %and3A_1146 : i32 to vector<16xi32>
    %and3A_1148 = arith.andi %add3A_1145, %and3A_1147 : vector<16xi32>
    %ne3A_1149 = arith.constant 0 : i32
    %ne3A_1150 = vector.broadcast %ne3A_1149 : i32 to vector<16xi32>
    %ne3A_1151 = arith.cmpi ne, %and3A_1148, %ne3A_1150 : vector<16xi32>
    %get3A_1152 = arith.constant 80 : index
    %get3A_1153 = tpu.vector_load %arg13[%get3A_1152] {strides = array<i32>} : memref<128xi32, #tpu.memory_space<vmem>>, vector<16xi32>,
    %gather3A_1154 = tpu.vector_load_idx %arg12[%get3A_1153] : memref<128xi32, #tpu.memory_space<vmem>>[vector<16xi32>], vector<16xi32>,
    %select_n3A_1155 = arith.select %ne3A_1151, %gather3A_1154, %get3A_1153 : vector<16xi1>, vector<16xi32>
    %swap3A_1156 = arith.constant 80 : index
    %swap3A_1157 = tpu.vector_load %arg13[%swap3A_1156] {strides = array<i32>} : memref<128xi32, #tpu.memory_space<vmem>>, vector<16xi32>,
    tpu.vector_store %arg13[%swap3A_1156], %select_n3A_1155 {strides = array<i32>} : memref<128xi32, #tpu.memory_space<vmem>>, vector<16xi32>,
    %iota3A_1158 = tpu.iota {dimensions = array<i32: 0>} : vector<16xi32>
    %add3A_1159 = arith.constant 96 : i32
    %add3A_1160 = vector.broadcast %add3A_1159 : i32 to vector<16xi32>
    %add3A_1161 = arith.addi %iota3A_1158, %add3A_1160 : vector<16xi32>
    %and3A_1162 = arith.constant 64 : i32
    %and3A_1163 = vector.broadcast %and3A_1162 : i32 to vector<16xi32>
    %and3A_1164 = arith.andi %add3A_1161, %and3A_1163 : vector<16xi32>
    %ne3A_1165 = arith.constant 0 : i32
    %ne3A_1166 = vector.broadcast %ne3A_1165 : i32 to vector<16xi32>
    %ne3A_1167 = arith.cmpi ne, %and3A_1164, %ne3A_1166 : vector<16xi32>
    %get3A_1168 = arith.constant 96 : index
    %get3A_1169 = tpu.vector_load %arg13[%get3A_1168] {strides = array<i32>} : memref<128xi32, #tpu.memory_space<vmem>>, vector<16xi32>,
    %gather3A_1170 = tpu.vector_load_idx %arg12[%get3A_1169] : memref<128xi32, #tpu.memory_space<vmem>>[vector<16xi32>], vector<16xi32>,
    %select_n3A_1171 = arith.select %ne3A_1167, %gather3A_1170, %get3A_1169 : vector<16xi1>, vector<16xi32>
    %swap3A_1172 = arith.constant 96 : index
    %swap3A_1173 = tpu.vector_load %arg13[%swap3A_1172] {strides = array<i32>} : memref<128xi32, #tpu.memory_space<vmem>>, vector<16xi32>,
    tpu.vector_store %arg13[%swap3A_1172], %select_n3A_1171 {strides = array<i32>} : memref<128xi32, #tpu.memory_space<vmem>>, vector<16xi32>,
    %iota3A_1174 = tpu.iota {dimensions = array<i32: 0>} : vector<16xi32>
    %add3A_1175 = arith.constant 112 : i32
    %add3A_1176 = vector.broadcast %add3A_1175 : i32 to vector<16xi32>
    %add3A_1177 = arith.addi %iota3A_1174, %add3A_1176 : vector<16xi32>
    %and3A_1178 = arith.constant 64 : i32
    %and3A_1179 = vector.broadcast %and3A_1178 : i32 to vector<16xi32>
    %and3A_1180 = arith.andi %add3A_1177, %and3A_1179 : vector<16xi32>
    %ne3A_1181 = arith.constant 0 : i32
    %ne3A_1182 = vector.broadcast %ne3A_1181 : i32 to vector<16xi32>
    %ne3A_1183 = arith.cmpi ne, %and3A_1180, %ne3A_1182 : vector<16xi32>
    %get3A_1184 = arith.constant 112 : index
    %get3A_1185 = tpu.vector_load %arg13[%get3A_1184] {strides = array<i32>} : memref<128xi32, #tpu.memory_space<vmem>>, vector<16xi32>,
    %gather3A_1186 = tpu.vector_load_idx %arg12[%get3A_1185] : memref<128xi32, #tpu.memory_space<vmem>>[vector<16xi32>], vector<16xi32>,
    %select_n3A_1187 = arith.select %ne3A_1183, %gather3A_1186, %get3A_1185 : vector<16xi1>, vector<16xi32>
    %swap3A_1188 = arith.constant 112 : index
    %swap3A_1189 = tpu.vector_load %arg13[%swap3A_1188] {strides = array<i32>} : memref<128xi32, #tpu.memory_space<vmem>>, vector<16xi32>,
    tpu.vector_store %arg13[%swap3A_1188], %select_n3A_1187 {strides = array<i32>} : memref<128xi32, #tpu.memory_space<vmem>>, vector<16xi32>,
    %broadcast_in_dim3A_1190 = arith.constant 0 : i32
    %broadcast_in_dim3A_1191 = vector.broadcast %broadcast_in_dim3A_1190 : i32 to vector<16xi32>
    %get3A_1192 = arith.constant 0 : index
    %get3A_1193 = tpu.vector_load %arg13[%get3A_1192] {strides = array<i32>} : memref<128xi32, #tpu.memory_space<vmem>>, vector<16xi32>,
    %gather3A_1194 = tpu.vector_load_idx %arg9[%get3A_1193] : memref<128xi32, #tpu.memory_space<vmem>>[vector<16xi32>], vector<16xi32>,
    %rev3A = arith.constant 15 : i32
    %rev3A_1195 = vector.broadcast %rev3A : i32 to vector<16xi32>
    %rev3A_1196 = tpu.iota {dimensions = array<i32: 0>} : vector<16xi32>
    %rev3A_1197 = arith.subi %rev3A_1195, %rev3A_1196 : vector<16xi32>
    %rev3A_1198 = tpu.dynamic_gather %gather3A_1194[%rev3A_1197] in [0] : vector<16xi32>, vector<16xi32> -> vector<16xi32>
    %swap3A_1199 = arith.constant 112 : index
    %swap3A_1200 = tpu.vector_load %arg14[%swap3A_1199] {strides = array<i32>} : memref<128xi32, #tpu.memory_space<vmem>>, vector<16xi32>,
    tpu.vector_store %arg14[%swap3A_1199], %rev3A_1198 {strides = array<i32>} : memref<128xi32, #tpu.memory_space<vmem>>, vector<16xi32>,
    %gt3A = arith.constant 0 : i32
    %gt3A_1201 = vector.broadcast %gt3A : i32 to vector<16xi32>
    %gt3A_1202 = arith.cmpi sgt, %get3A_1193, %gt3A_1201 : vector<16xi32>
    %jit3A = arith.constant 1 : i32
    %jit3A_1203 = arith.constant 0 : i32
    %broadcast_in_dim3A_1204 = vector.broadcast %jit3A : i32 to vector<16xi32>
    %broadcast_in_dim3A_1205 = vector.broadcast %jit3A_1203 : i32 to vector<16xi32>
    %select_n3A_1206 = arith.select %gt3A_1202, %broadcast_in_dim3A_1204, %broadcast_in_dim3A_1205 : vector<16xi1>, vector<16xi32>
    %add3A_1207 = arith.addi %broadcast_in_dim3A_1191, %select_n3A_1206 : vector<16xi32>
    %get3A_1208 = arith.constant 16 : index
    %get3A_1209 = tpu.vector_load %arg13[%get3A_1208] {strides = array<i32>} : memref<128xi32, #tpu.memory_space<vmem>>, vector<16xi32>,
    %gather3A_1210 = tpu.vector_load_idx %arg9[%get3A_1209] : memref<128xi32, #tpu.memory_space<vmem>>[vector<16xi32>], vector<16xi32>,
    %rev3A_1211 = arith.constant 15 : i32
    %rev3A_1212 = vector.broadcast %rev3A_1211 : i32 to vector<16xi32>
    %rev3A_1213 = tpu.iota {dimensions = array<i32: 0>} : vector<16xi32>
    %rev3A_1214 = arith.subi %rev3A_1212, %rev3A_1213 : vector<16xi32>
    %rev3A_1215 = tpu.dynamic_gather %gather3A_1210[%rev3A_1214] in [0] : vector<16xi32>, vector<16xi32> -> vector<16xi32>
    %swap3A_1216 = arith.constant 96 : index
    %swap3A_1217 = tpu.vector_load %arg14[%swap3A_1216] {strides = array<i32>} : memref<128xi32, #tpu.memory_space<vmem>>, vector<16xi32>,
    tpu.vector_store %arg14[%swap3A_1216], %rev3A_1215 {strides = array<i32>} : memref<128xi32, #tpu.memory_space<vmem>>, vector<16xi32>,
    %gt3A_1218 = arith.constant 0 : i32
    %gt3A_1219 = vector.broadcast %gt3A_1218 : i32 to vector<16xi32>
    %gt3A_1220 = arith.cmpi sgt, %get3A_1209, %gt3A_1219 : vector<16xi32>
    %jit3A_1221 = arith.constant 1 : i32
    %jit3A_1222 = arith.constant 0 : i32
    %broadcast_in_dim3A_1223 = vector.broadcast %jit3A_1221 : i32 to vector<16xi32>
    %broadcast_in_dim3A_1224 = vector.broadcast %jit3A_1222 : i32 to vector<16xi32>
    %select_n3A_1225 = arith.select %gt3A_1220, %broadcast_in_dim3A_1223, %broadcast_in_dim3A_1224 : vector<16xi1>, vector<16xi32>
    %add3A_1226 = arith.addi %add3A_1207, %select_n3A_1225 : vector<16xi32>
    %get3A_1227 = arith.constant 32 : index
    %get3A_1228 = tpu.vector_load %arg13[%get3A_1227] {strides = array<i32>} : memref<128xi32, #tpu.memory_space<vmem>>, vector<16xi32>,
    %gather3A_1229 = tpu.vector_load_idx %arg9[%get3A_1228] : memref<128xi32, #tpu.memory_space<vmem>>[vector<16xi32>], vector<16xi32>,
    %rev3A_1230 = arith.constant 15 : i32
    %rev3A_1231 = vector.broadcast %rev3A_1230 : i32 to vector<16xi32>
    %rev3A_1232 = tpu.iota {dimensions = array<i32: 0>} : vector<16xi32>
    %rev3A_1233 = arith.subi %rev3A_1231, %rev3A_1232 : vector<16xi32>
    %rev3A_1234 = tpu.dynamic_gather %gather3A_1229[%rev3A_1233] in [0] : vector<16xi32>, vector<16xi32> -> vector<16xi32>
    %swap3A_1235 = arith.constant 80 : index
    %swap3A_1236 = tpu.vector_load %arg14[%swap3A_1235] {strides = array<i32>} : memref<128xi32, #tpu.memory_space<vmem>>, vector<16xi32>,
    tpu.vector_store %arg14[%swap3A_1235], %rev3A_1234 {strides = array<i32>} : memref<128xi32, #tpu.memory_space<vmem>>, vector<16xi32>,
    %gt3A_1237 = arith.constant 0 : i32
    %gt3A_1238 = vector.broadcast %gt3A_1237 : i32 to vector<16xi32>
    %gt3A_1239 = arith.cmpi sgt, %get3A_1228, %gt3A_1238 : vector<16xi32>
    %jit3A_1240 = arith.constant 1 : i32
    %jit3A_1241 = arith.constant 0 : i32
    %broadcast_in_dim3A_1242 = vector.broadcast %jit3A_1240 : i32 to vector<16xi32>
    %broadcast_in_dim3A_1243 = vector.broadcast %jit3A_1241 : i32 to vector<16xi32>
    %select_n3A_1244 = arith.select %gt3A_1239, %broadcast_in_dim3A_1242, %broadcast_in_dim3A_1243 : vector<16xi1>, vector<16xi32>
    %add3A_1245 = arith.addi %add3A_1226, %select_n3A_1244 : vector<16xi32>
    %get3A_1246 = arith.constant 48 : index
    %get3A_1247 = tpu.vector_load %arg13[%get3A_1246] {strides = array<i32>} : memref<128xi32, #tpu.memory_space<vmem>>, vector<16xi32>,
    %gather3A_1248 = tpu.vector_load_idx %arg9[%get3A_1247] : memref<128xi32, #tpu.memory_space<vmem>>[vector<16xi32>], vector<16xi32>,
    %rev3A_1249 = arith.constant 15 : i32
    %rev3A_1250 = vector.broadcast %rev3A_1249 : i32 to vector<16xi32>
    %rev3A_1251 = tpu.iota {dimensions = array<i32: 0>} : vector<16xi32>
    %rev3A_1252 = arith.subi %rev3A_1250, %rev3A_1251 : vector<16xi32>
    %rev3A_1253 = tpu.dynamic_gather %gather3A_1248[%rev3A_1252] in [0] : vector<16xi32>, vector<16xi32> -> vector<16xi32>
    %swap3A_1254 = arith.constant 64 : index
    %swap3A_1255 = tpu.vector_load %arg14[%swap3A_1254] {strides = array<i32>} : memref<128xi32, #tpu.memory_space<vmem>>, vector<16xi32>,
    tpu.vector_store %arg14[%swap3A_1254], %rev3A_1253 {strides = array<i32>} : memref<128xi32, #tpu.memory_space<vmem>>, vector<16xi32>,
    %gt3A_1256 = arith.constant 0 : i32
    %gt3A_1257 = vector.broadcast %gt3A_1256 : i32 to vector<16xi32>
    %gt3A_1258 = arith.cmpi sgt, %get3A_1247, %gt3A_1257 : vector<16xi32>
    %jit3A_1259 = arith.constant 1 : i32
    %jit3A_1260 = arith.constant 0 : i32
    %broadcast_in_dim3A_1261 = vector.broadcast %jit3A_1259 : i32 to vector<16xi32>
    %broadcast_in_dim3A_1262 = vector.broadcast %jit3A_1260 : i32 to vector<16xi32>
    %select_n3A_1263 = arith.select %gt3A_1258, %broadcast_in_dim3A_1261, %broadcast_in_dim3A_1262 : vector<16xi1>, vector<16xi32>
    %add3A_1264 = arith.addi %add3A_1245, %select_n3A_1263 : vector<16xi32>
    %get3A_1265 = arith.constant 64 : index
    %get3A_1266 = tpu.vector_load %arg13[%get3A_1265] {strides = array<i32>} : memref<128xi32, #tpu.memory_space<vmem>>, vector<16xi32>,
    %gather3A_1267 = tpu.vector_load_idx %arg9[%get3A_1266] : memref<128xi32, #tpu.memory_space<vmem>>[vector<16xi32>], vector<16xi32>,
    %rev3A_1268 = arith.constant 15 : i32
    %rev3A_1269 = vector.broadcast %rev3A_1268 : i32 to vector<16xi32>
    %rev3A_1270 = tpu.iota {dimensions = array<i32: 0>} : vector<16xi32>
    %rev3A_1271 = arith.subi %rev3A_1269, %rev3A_1270 : vector<16xi32>
    %rev3A_1272 = tpu.dynamic_gather %gather3A_1267[%rev3A_1271] in [0] : vector<16xi32>, vector<16xi32> -> vector<16xi32>
    %swap3A_1273 = arith.constant 48 : index
    %swap3A_1274 = tpu.vector_load %arg14[%swap3A_1273] {strides = array<i32>} : memref<128xi32, #tpu.memory_space<vmem>>, vector<16xi32>,
    tpu.vector_store %arg14[%swap3A_1273], %rev3A_1272 {strides = array<i32>} : memref<128xi32, #tpu.memory_space<vmem>>, vector<16xi32>,
    %gt3A_1275 = arith.constant 0 : i32
    %gt3A_1276 = vector.broadcast %gt3A_1275 : i32 to vector<16xi32>
    %gt3A_1277 = arith.cmpi sgt, %get3A_1266, %gt3A_1276 : vector<16xi32>
    %jit3A_1278 = arith.constant 1 : i32
    %jit3A_1279 = arith.constant 0 : i32
    %broadcast_in_dim3A_1280 = vector.broadcast %jit3A_1278 : i32 to vector<16xi32>
    %broadcast_in_dim3A_1281 = vector.broadcast %jit3A_1279 : i32 to vector<16xi32>
    %select_n3A_1282 = arith.select %gt3A_1277, %broadcast_in_dim3A_1280, %broadcast_in_dim3A_1281 : vector<16xi1>, vector<16xi32>
    %add3A_1283 = arith.addi %add3A_1264, %select_n3A_1282 : vector<16xi32>
    %get3A_1284 = arith.constant 80 : index
    %get3A_1285 = tpu.vector_load %arg13[%get3A_1284] {strides = array<i32>} : memref<128xi32, #tpu.memory_space<vmem>>, vector<16xi32>,
    %gather3A_1286 = tpu.vector_load_idx %arg9[%get3A_1285] : memref<128xi32, #tpu.memory_space<vmem>>[vector<16xi32>], vector<16xi32>,
    %rev3A_1287 = arith.constant 15 : i32
    %rev3A_1288 = vector.broadcast %rev3A_1287 : i32 to vector<16xi32>
    %rev3A_1289 = tpu.iota {dimensions = array<i32: 0>} : vector<16xi32>
    %rev3A_1290 = arith.subi %rev3A_1288, %rev3A_1289 : vector<16xi32>
    %rev3A_1291 = tpu.dynamic_gather %gather3A_1286[%rev3A_1290] in [0] : vector<16xi32>, vector<16xi32> -> vector<16xi32>
    %swap3A_1292 = arith.constant 32 : index
    %swap3A_1293 = tpu.vector_load %arg14[%swap3A_1292] {strides = array<i32>} : memref<128xi32, #tpu.memory_space<vmem>>, vector<16xi32>,
    tpu.vector_store %arg14[%swap3A_1292], %rev3A_1291 {strides = array<i32>} : memref<128xi32, #tpu.memory_space<vmem>>, vector<16xi32>,
    %gt3A_1294 = arith.constant 0 : i32
    %gt3A_1295 = vector.broadcast %gt3A_1294 : i32 to vector<16xi32>
    %gt3A_1296 = arith.cmpi sgt, %get3A_1285, %gt3A_1295 : vector<16xi32>
    %jit3A_1297 = arith.constant 1 : i32
    %jit3A_1298 = arith.constant 0 : i32
    %broadcast_in_dim3A_1299 = vector.broadcast %jit3A_1297 : i32 to vector<16xi32>
    %broadcast_in_dim3A_1300 = vector.broadcast %jit3A_1298 : i32 to vector<16xi32>
    %select_n3A_1301 = arith.select %gt3A_1296, %broadcast_in_dim3A_1299, %broadcast_in_dim3A_1300 : vector<16xi1>, vector<16xi32>
    %add3A_1302 = arith.addi %add3A_1283, %select_n3A_1301 : vector<16xi32>
    %get3A_1303 = arith.constant 96 : index
    %get3A_1304 = tpu.vector_load %arg13[%get3A_1303] {strides = array<i32>} : memref<128xi32, #tpu.memory_space<vmem>>, vector<16xi32>,
    %gather3A_1305 = tpu.vector_load_idx %arg9[%get3A_1304] : memref<128xi32, #tpu.memory_space<vmem>>[vector<16xi32>], vector<16xi32>,
    %rev3A_1306 = arith.constant 15 : i32
    %rev3A_1307 = vector.broadcast %rev3A_1306 : i32 to vector<16xi32>
    %rev3A_1308 = tpu.iota {dimensions = array<i32: 0>} : vector<16xi32>
    %rev3A_1309 = arith.subi %rev3A_1307, %rev3A_1308 : vector<16xi32>
    %rev3A_1310 = tpu.dynamic_gather %gather3A_1305[%rev3A_1309] in [0] : vector<16xi32>, vector<16xi32> -> vector<16xi32>
    %swap3A_1311 = arith.constant 16 : index
    %swap3A_1312 = tpu.vector_load %arg14[%swap3A_1311] {strides = array<i32>} : memref<128xi32, #tpu.memory_space<vmem>>, vector<16xi32>,
    tpu.vector_store %arg14[%swap3A_1311], %rev3A_1310 {strides = array<i32>} : memref<128xi32, #tpu.memory_space<vmem>>, vector<16xi32>,
    %gt3A_1313 = arith.constant 0 : i32
    %gt3A_1314 = vector.broadcast %gt3A_1313 : i32 to vector<16xi32>
    %gt3A_1315 = arith.cmpi sgt, %get3A_1304, %gt3A_1314 : vector<16xi32>
    %jit3A_1316 = arith.constant 1 : i32
    %jit3A_1317 = arith.constant 0 : i32
    %broadcast_in_dim3A_1318 = vector.broadcast %jit3A_1316 : i32 to vector<16xi32>
    %broadcast_in_dim3A_1319 = vector.broadcast %jit3A_1317 : i32 to vector<16xi32>
    %select_n3A_1320 = arith.select %gt3A_1315, %broadcast_in_dim3A_1318, %broadcast_in_dim3A_1319 : vector<16xi1>, vector<16xi32>
    %add3A_1321 = arith.addi %add3A_1302, %select_n3A_1320 : vector<16xi32>
    %get3A_1322 = arith.constant 112 : index
    %get3A_1323 = tpu.vector_load %arg13[%get3A_1322] {strides = array<i32>} : memref<128xi32, #tpu.memory_space<vmem>>, vector<16xi32>,
    %gather3A_1324 = tpu.vector_load_idx %arg9[%get3A_1323] : memref<128xi32, #tpu.memory_space<vmem>>[vector<16xi32>], vector<16xi32>,
    %rev3A_1325 = arith.constant 15 : i32
    %rev3A_1326 = vector.broadcast %rev3A_1325 : i32 to vector<16xi32>
    %rev3A_1327 = tpu.iota {dimensions = array<i32: 0>} : vector<16xi32>
    %rev3A_1328 = arith.subi %rev3A_1326, %rev3A_1327 : vector<16xi32>
    %rev3A_1329 = tpu.dynamic_gather %gather3A_1324[%rev3A_1328] in [0] : vector<16xi32>, vector<16xi32> -> vector<16xi32>
    %swap3A_1330 = arith.constant 0 : index
    %swap3A_1331 = tpu.vector_load %arg14[%swap3A_1330] {strides = array<i32>} : memref<128xi32, #tpu.memory_space<vmem>>, vector<16xi32>,
    tpu.vector_store %arg14[%swap3A_1330], %rev3A_1329 {strides = array<i32>} : memref<128xi32, #tpu.memory_space<vmem>>, vector<16xi32>,
    %gt3A_1332 = arith.constant 0 : i32
    %gt3A_1333 = vector.broadcast %gt3A_1332 : i32 to vector<16xi32>
    %gt3A_1334 = arith.cmpi sgt, %get3A_1323, %gt3A_1333 : vector<16xi32>
    %jit3A_1335 = arith.constant 1 : i32
    %jit3A_1336 = arith.constant 0 : i32
    %broadcast_in_dim3A_1337 = vector.broadcast %jit3A_1335 : i32 to vector<16xi32>
    %broadcast_in_dim3A_1338 = vector.broadcast %jit3A_1336 : i32 to vector<16xi32>
    %select_n3A_1339 = arith.select %gt3A_1334, %broadcast_in_dim3A_1337, %broadcast_in_dim3A_1338 : vector<16xi1>, vector<16xi32>
    %add3A_1340 = arith.addi %add3A_1321, %select_n3A_1339 : vector<16xi32>
    %reduce_sum3A = arith.constant true
    %reduce_sum3A_1341 = vector.broadcast %reduce_sum3A : i1 to vector<16xi1>
    %reduce_sum3A_1342 = tpu.scan <sum>, %add3A_1340 masked %reduce_sum3A_1341 : vector<16xi32>, vector<16xi1> -> vector<16xi32>
    %reduce_sum3A_1343 = vector.extract %reduce_sum3A_1342[15] : i32 from vector<16xi32>
    %add3A_1344 = arith.constant 1 : i32
    %add3A_1345 = arith.addi %reduce_sum3A_1343, %add3A_1344 : i32
    %iota3A_1346 = tpu.iota {dimensions = array<i32: 0>} : vector<16xi32>
    %add3A_1347 = arith.constant 0 : i32
    %add3A_1348 = vector.broadcast %add3A_1347 : i32 to vector<16xi32>
    %add3A_1349 = arith.addi %iota3A_1346, %add3A_1348 : vector<16xi32>
    %mul3A_1350 = arith.constant 32 : i32
    %mul3A_1351 = vector.broadcast %mul3A_1350 : i32 to vector<16xi32>
    %mul3A_1352 = arith.muli %add3A_1349, %mul3A_1351 : vector<16xi32>
    %add3A_1353 = vector.broadcast %add3A : i32 to vector<16xi32>
    %add3A_1354 = arith.addi %mul3A_1352, %add3A_1353 : vector<16xi32>
    %swap3A_1355 = arith.constant 0 : i32
    %swap3A_1356 = arith.index_cast %swap3A_1355 : i32 to index
    %swap3A_1357 = arith.constant 0 : index
    %swap3A_1358 = tpu.vector_load %arg15[%swap3A_1356, %swap3A_1357] {strides = array<i32>} : memref<8x16xi32, #tpu.memory_space<vmem>>, vector<16xi32>,
    tpu.vector_store %arg15[%swap3A_1356, %swap3A_1357], %add3A_1354 {strides = array<i32>} : memref<8x16xi32, #tpu.memory_space<vmem>>, vector<16xi32>,
    %iota3A_1359 = tpu.iota {dimensions = array<i32: 0>} : vector<16xi32>
    %add3A_1360 = arith.constant 16 : i32
    %add3A_1361 = vector.broadcast %add3A_1360 : i32 to vector<16xi32>
    %add3A_1362 = arith.addi %iota3A_1359, %add3A_1361 : vector<16xi32>
    %mul3A_1363 = arith.constant 32 : i32
    %mul3A_1364 = vector.broadcast %mul3A_1363 : i32 to vector<16xi32>
    %mul3A_1365 = arith.muli %add3A_1362, %mul3A_1364 : vector<16xi32>
    %add3A_1366 = vector.broadcast %add3A : i32 to vector<16xi32>
    %add3A_1367 = arith.addi %mul3A_1365, %add3A_1366 : vector<16xi32>
    %swap3A_1368 = arith.constant 1 : i32
    %swap3A_1369 = arith.index_cast %swap3A_1368 : i32 to index
    %swap3A_1370 = arith.constant 0 : index
    %swap3A_1371 = tpu.vector_load %arg15[%swap3A_1369, %swap3A_1370] {strides = array<i32>} : memref<8x16xi32, #tpu.memory_space<vmem>>, vector<16xi32>,
    tpu.vector_store %arg15[%swap3A_1369, %swap3A_1370], %add3A_1367 {strides = array<i32>} : memref<8x16xi32, #tpu.memory_space<vmem>>, vector<16xi32>,
    %iota3A_1372 = tpu.iota {dimensions = array<i32: 0>} : vector<16xi32>
    %add3A_1373 = arith.constant 32 : i32
    %add3A_1374 = vector.broadcast %add3A_1373 : i32 to vector<16xi32>
    %add3A_1375 = arith.addi %iota3A_1372, %add3A_1374 : vector<16xi32>
    %mul3A_1376 = arith.constant 32 : i32
    %mul3A_1377 = vector.broadcast %mul3A_1376 : i32 to vector<16xi32>
    %mul3A_1378 = arith.muli %add3A_1375, %mul3A_1377 : vector<16xi32>
    %add3A_1379 = vector.broadcast %add3A : i32 to vector<16xi32>
    %add3A_1380 = arith.addi %mul3A_1378, %add3A_1379 : vector<16xi32>
    %swap3A_1381 = arith.constant 2 : i32
    %swap3A_1382 = arith.index_cast %swap3A_1381 : i32 to index
    %swap3A_1383 = arith.constant 0 : index
    %swap3A_1384 = tpu.vector_load %arg15[%swap3A_1382, %swap3A_1383] {strides = array<i32>} : memref<8x16xi32, #tpu.memory_space<vmem>>, vector<16xi32>,
    tpu.vector_store %arg15[%swap3A_1382, %swap3A_1383], %add3A_1380 {strides = array<i32>} : memref<8x16xi32, #tpu.memory_space<vmem>>, vector<16xi32>,
    %iota3A_1385 = tpu.iota {dimensions = array<i32: 0>} : vector<16xi32>
    %add3A_1386 = arith.constant 48 : i32
    %add3A_1387 = vector.broadcast %add3A_1386 : i32 to vector<16xi32>
    %add3A_1388 = arith.addi %iota3A_1385, %add3A_1387 : vector<16xi32>
    %mul3A_1389 = arith.constant 32 : i32
    %mul3A_1390 = vector.broadcast %mul3A_1389 : i32 to vector<16xi32>
    %mul3A_1391 = arith.muli %add3A_1388, %mul3A_1390 : vector<16xi32>
    %add3A_1392 = vector.broadcast %add3A : i32 to vector<16xi32>
    %add3A_1393 = arith.addi %mul3A_1391, %add3A_1392 : vector<16xi32>
    %swap3A_1394 = arith.constant 3 : i32
    %swap3A_1395 = arith.index_cast %swap3A_1394 : i32 to index
    %swap3A_1396 = arith.constant 0 : index
    %swap3A_1397 = tpu.vector_load %arg15[%swap3A_1395, %swap3A_1396] {strides = array<i32>} : memref<8x16xi32, #tpu.memory_space<vmem>>, vector<16xi32>,
    tpu.vector_store %arg15[%swap3A_1395, %swap3A_1396], %add3A_1393 {strides = array<i32>} : memref<8x16xi32, #tpu.memory_space<vmem>>, vector<16xi32>,
    %iota3A_1398 = tpu.iota {dimensions = array<i32: 0>} : vector<16xi32>
    %add3A_1399 = arith.constant 64 : i32
    %add3A_1400 = vector.broadcast %add3A_1399 : i32 to vector<16xi32>
    %add3A_1401 = arith.addi %iota3A_1398, %add3A_1400 : vector<16xi32>
    %mul3A_1402 = arith.constant 32 : i32
    %mul3A_1403 = vector.broadcast %mul3A_1402 : i32 to vector<16xi32>
    %mul3A_1404 = arith.muli %add3A_1401, %mul3A_1403 : vector<16xi32>
    %add3A_1405 = vector.broadcast %add3A : i32 to vector<16xi32>
    %add3A_1406 = arith.addi %mul3A_1404, %add3A_1405 : vector<16xi32>
    %swap3A_1407 = arith.constant 4 : i32
    %swap3A_1408 = arith.index_cast %swap3A_1407 : i32 to index
    %swap3A_1409 = arith.constant 0 : index
    %swap3A_1410 = tpu.vector_load %arg15[%swap3A_1408, %swap3A_1409] {strides = array<i32>} : memref<8x16xi32, #tpu.memory_space<vmem>>, vector<16xi32>,
    tpu.vector_store %arg15[%swap3A_1408, %swap3A_1409], %add3A_1406 {strides = array<i32>} : memref<8x16xi32, #tpu.memory_space<vmem>>, vector<16xi32>,
    %iota3A_1411 = tpu.iota {dimensions = array<i32: 0>} : vector<16xi32>
    %add3A_1412 = arith.constant 80 : i32
    %add3A_1413 = vector.broadcast %add3A_1412 : i32 to vector<16xi32>
    %add3A_1414 = arith.addi %iota3A_1411, %add3A_1413 : vector<16xi32>
    %mul3A_1415 = arith.constant 32 : i32
    %mul3A_1416 = vector.broadcast %mul3A_1415 : i32 to vector<16xi32>
    %mul3A_1417 = arith.muli %add3A_1414, %mul3A_1416 : vector<16xi32>
    %add3A_1418 = vector.broadcast %add3A : i32 to vector<16xi32>
    %add3A_1419 = arith.addi %mul3A_1417, %add3A_1418 : vector<16xi32>
    %swap3A_1420 = arith.constant 5 : i32
    %swap3A_1421 = arith.index_cast %swap3A_1420 : i32 to index
    %swap3A_1422 = arith.constant 0 : index
    %swap3A_1423 = tpu.vector_load %arg15[%swap3A_1421, %swap3A_1422] {strides = array<i32>} : memref<8x16xi32, #tpu.memory_space<vmem>>, vector<16xi32>,
    tpu.vector_store %arg15[%swap3A_1421, %swap3A_1422], %add3A_1419 {strides = array<i32>} : memref<8x16xi32, #tpu.memory_space<vmem>>, vector<16xi32>,
    %iota3A_1424 = tpu.iota {dimensions = array<i32: 0>} : vector<16xi32>
    %add3A_1425 = arith.constant 96 : i32
    %add3A_1426 = vector.broadcast %add3A_1425 : i32 to vector<16xi32>
    %add3A_1427 = arith.addi %iota3A_1424, %add3A_1426 : vector<16xi32>
    %mul3A_1428 = arith.constant 32 : i32
    %mul3A_1429 = vector.broadcast %mul3A_1428 : i32 to vector<16xi32>
    %mul3A_1430 = arith.muli %add3A_1427, %mul3A_1429 : vector<16xi32>
    %add3A_1431 = vector.broadcast %add3A : i32 to vector<16xi32>
    %add3A_1432 = arith.addi %mul3A_1430, %add3A_1431 : vector<16xi32>
    %swap3A_1433 = arith.constant 6 : i32
    %swap3A_1434 = arith.index_cast %swap3A_1433 : i32 to index
    %swap3A_1435 = arith.constant 0 : index
    %swap3A_1436 = tpu.vector_load %arg15[%swap3A_1434, %swap3A_1435] {strides = array<i32>} : memref<8x16xi32, #tpu.memory_space<vmem>>, vector<16xi32>,
    tpu.vector_store %arg15[%swap3A_1434, %swap3A_1435], %add3A_1432 {strides = array<i32>} : memref<8x16xi32, #tpu.memory_space<vmem>>, vector<16xi32>,
    %iota3A_1437 = tpu.iota {dimensions = array<i32: 0>} : vector<16xi32>
    %add3A_1438 = arith.constant 112 : i32
    %add3A_1439 = vector.broadcast %add3A_1438 : i32 to vector<16xi32>
    %add3A_1440 = arith.addi %iota3A_1437, %add3A_1439 : vector<16xi32>
    %mul3A_1441 = arith.constant 32 : i32
    %mul3A_1442 = vector.broadcast %mul3A_1441 : i32 to vector<16xi32>
    %mul3A_1443 = arith.muli %add3A_1440, %mul3A_1442 : vector<16xi32>
    %add3A_1444 = vector.broadcast %add3A : i32 to vector<16xi32>
    %add3A_1445 = arith.addi %mul3A_1443, %add3A_1444 : vector<16xi32>
    %swap3A_1446 = arith.constant 7 : i32
    %swap3A_1447 = arith.index_cast %swap3A_1446 : i32 to index
    %swap3A_1448 = arith.constant 0 : index
    %swap3A_1449 = tpu.vector_load %arg15[%swap3A_1447, %swap3A_1448] {strides = array<i32>} : memref<8x16xi32, #tpu.memory_space<vmem>>, vector<16xi32>,
    tpu.vector_store %arg15[%swap3A_1447, %swap3A_1448], %add3A_1445 {strides = array<i32>} : memref<8x16xi32, #tpu.memory_space<vmem>>, vector<16xi32>,
    %broadcast_in_dim3A_1450 = vector.broadcast %add3A_1345 : i32 to vector<16xi32>
    %swap3A_1451 = arith.constant 0 : index
    %swap3A_1452 = tpu.vector_load %arg17[%swap3A_1451] {strides = array<i32>} : memref<16xi32, #tpu.memory_space<vmem>>, vector<16xi32>,
    tpu.vector_store %arg17[%swap3A_1451], %broadcast_in_dim3A_1450 {strides = array<i32>} : memref<16xi32, #tpu.memory_space<vmem>>, vector<16xi32>,
    %dma_start3A_1453 = arith.constant 0 : i32
    %dma_start3A_1454 = tpu.memref_slice %arg7[%add3A, %dma_start3A_1453] : memref<32x16xi32, #tpu.memory_space<hbm>> -> memref<1x16xi32, #tpu.memory_space<hbm>>
    %dma_start3A_1455 = tpu.memref_squeeze %dma_start3A_1454 : memref<1x16xi32, #tpu.memory_space<hbm>> -> memref<16xi32, #tpu.memory_space<hbm>>
    %dma_start3A_1456 = arith.constant 0 : i32
    %dma_start3A_1457 = tpu.memref_slice %arg7[%add3A, %dma_start3A_1456] : memref<32x16xi32, #tpu.memory_space<hbm>> -> memref<1x16xi32, #tpu.memory_space<hbm>>
    %dma_start3A_1458 = tpu.memref_squeeze %dma_start3A_1457 : memref<1x16xi32, #tpu.memory_space<hbm>> -> memref<16xi32, #tpu.memory_space<hbm>>
    tpu.enqueue_dma source(%arg17 : memref<16xi32, #tpu.memory_space<vmem>>) target(%dma_start3A_1458 : memref<16xi32, #tpu.memory_space<hbm>>) target_semaphore(%arg18 : memref<!tpu.dma_semaphore, #tpu.memory_space<semaphore_mem>>)
    %sub3A_1459 = arith.constant 128 : i32
    %sub3A_1460 = arith.subi %sub3A_1459, %add3A_1345 : i32
    %lt3A = arith.constant 16 : i32
    %lt3A_1461 = arith.cmpi slt, %sub3A_1460, %lt3A : i32
    %convert_element_type3A = arith.extui %lt3A_1461 : i1 to i32
    %cond3A = arith.constant 0 : i32
    %cond3A_1462 = arith.cmpi ne, %convert_element_type3A, %cond3A : i32
    scf.if %cond3A_1462 {
      %dma_start3A_1686 = arith.constant 0 : i32
      %dma_start3A_1687 = arith.constant 0 : i32
      %dma_start3A_1688 = tpu.memref_slice %arg16[%dma_start3A_1686, %dma_start3A_1687] : memref<128x128xf32, #tpu.memory_space<vmem>> -> memref<16x128xf32, #tpu.memory_space<vmem>>
      %dma_start3A_1689 = arith.constant 0 : i32
      %dma_start3A_1690 = tpu.memref_slice %arg14[%dma_start3A_1689] : memref<128xi32, #tpu.memory_space<vmem>> -> memref<16xi32, #tpu.memory_space<vmem>>
      %dma_start3A_1691 = arith.constant 0 : i32
      %dma_start3A_1692 = arith.constant 0 : i32
      %dma_start3A_1693 = tpu.memref_slice %arg5[%dma_start3A_1691, %dma_start3A_1692] : memref<100000x128xf32, #tpu.memory_space<hbm>> -> memref<100000x128xf32, #tpu.memory_space<hbm>>
      tpu.enqueue_indirect_dma source(%dma_start3A_1693 : memref<100000x128xf32, #tpu.memory_space<hbm>>) target(%dma_start3A_1688 : memref<16x128xf32, #tpu.memory_space<vmem>>) offsets(%dma_start3A_1690 : memref<16xi32, #tpu.memory_space<vmem>>) semaphore(%arg18 : memref<!tpu.dma_semaphore, #tpu.memory_space<semaphore_mem>>)
    } else {
    }
    %sub3A_1463 = arith.constant 128 : i32
    %sub3A_1464 = arith.subi %sub3A_1463, %add3A_1345 : i32
    %lt3A_1465 = arith.constant 32 : i32
    %lt3A_1466 = arith.cmpi slt, %sub3A_1464, %lt3A_1465 : i32
    %convert_element_type3A_1467 = arith.extui %lt3A_1466 : i1 to i32
    %cond3A_1468 = arith.constant 0 : i32
    %cond3A_1469 = arith.cmpi ne, %convert_element_type3A_1467, %cond3A_1468 : i32
    scf.if %cond3A_1469 {
      %dma_start3A_1686 = arith.constant 16 : i32
      %dma_start3A_1687 = arith.constant 0 : i32
      %dma_start3A_1688 = tpu.memref_slice %arg16[%dma_start3A_1686, %dma_start3A_1687] : memref<128x128xf32, #tpu.memory_space<vmem>> -> memref<16x128xf32, #tpu.memory_space<vmem>>
      %dma_start3A_1689 = arith.constant 16 : i32
      %dma_start3A_1690 = tpu.memref_slice %arg14[%dma_start3A_1689] : memref<128xi32, #tpu.memory_space<vmem>> -> memref<16xi32, #tpu.memory_space<vmem>>
      %dma_start3A_1691 = arith.constant 0 : i32
      %dma_start3A_1692 = arith.constant 0 : i32
      %dma_start3A_1693 = tpu.memref_slice %arg5[%dma_start3A_1691, %dma_start3A_1692] : memref<100000x128xf32, #tpu.memory_space<hbm>> -> memref<100000x128xf32, #tpu.memory_space<hbm>>
      tpu.enqueue_indirect_dma source(%dma_start3A_1693 : memref<100000x128xf32, #tpu.memory_space<hbm>>) target(%dma_start3A_1688 : memref<16x128xf32, #tpu.memory_space<vmem>>) offsets(%dma_start3A_1690 : memref<16xi32, #tpu.memory_space<vmem>>) semaphore(%arg18 : memref<!tpu.dma_semaphore, #tpu.memory_space<semaphore_mem>>)
    } else {
    }
    %sub3A_1470 = arith.constant 128 : i32
    %sub3A_1471 = arith.subi %sub3A_1470, %add3A_1345 : i32
    %lt3A_1472 = arith.constant 48 : i32
    %lt3A_1473 = arith.cmpi slt, %sub3A_1471, %lt3A_1472 : i32
    %convert_element_type3A_1474 = arith.extui %lt3A_1473 : i1 to i32
    %cond3A_1475 = arith.constant 0 : i32
    %cond3A_1476 = arith.cmpi ne, %convert_element_type3A_1474, %cond3A_1475 : i32
    scf.if %cond3A_1476 {
      %dma_start3A_1686 = arith.constant 32 : i32
      %dma_start3A_1687 = arith.constant 0 : i32
      %dma_start3A_1688 = tpu.memref_slice %arg16[%dma_start3A_1686, %dma_start3A_1687] : memref<128x128xf32, #tpu.memory_space<vmem>> -> memref<16x128xf32, #tpu.memory_space<vmem>>
      %dma_start3A_1689 = arith.constant 32 : i32
      %dma_start3A_1690 = tpu.memref_slice %arg14[%dma_start3A_1689] : memref<128xi32, #tpu.memory_space<vmem>> -> memref<16xi32, #tpu.memory_space<vmem>>
      %dma_start3A_1691 = arith.constant 0 : i32
      %dma_start3A_1692 = arith.constant 0 : i32
      %dma_start3A_1693 = tpu.memref_slice %arg5[%dma_start3A_1691, %dma_start3A_1692] : memref<100000x128xf32, #tpu.memory_space<hbm>> -> memref<100000x128xf32, #tpu.memory_space<hbm>>
      tpu.enqueue_indirect_dma source(%dma_start3A_1693 : memref<100000x128xf32, #tpu.memory_space<hbm>>) target(%dma_start3A_1688 : memref<16x128xf32, #tpu.memory_space<vmem>>) offsets(%dma_start3A_1690 : memref<16xi32, #tpu.memory_space<vmem>>) semaphore(%arg18 : memref<!tpu.dma_semaphore, #tpu.memory_space<semaphore_mem>>)
    } else {
    }
    %sub3A_1477 = arith.constant 128 : i32
    %sub3A_1478 = arith.subi %sub3A_1477, %add3A_1345 : i32
    %lt3A_1479 = arith.constant 64 : i32
    %lt3A_1480 = arith.cmpi slt, %sub3A_1478, %lt3A_1479 : i32
    %convert_element_type3A_1481 = arith.extui %lt3A_1480 : i1 to i32
    %cond3A_1482 = arith.constant 0 : i32
    %cond3A_1483 = arith.cmpi ne, %convert_element_type3A_1481, %cond3A_1482 : i32
    scf.if %cond3A_1483 {
      %dma_start3A_1686 = arith.constant 48 : i32
      %dma_start3A_1687 = arith.constant 0 : i32
      %dma_start3A_1688 = tpu.memref_slice %arg16[%dma_start3A_1686, %dma_start3A_1687] : memref<128x128xf32, #tpu.memory_space<vmem>> -> memref<16x128xf32, #tpu.memory_space<vmem>>
      %dma_start3A_1689 = arith.constant 48 : i32
      %dma_start3A_1690 = tpu.memref_slice %arg14[%dma_start3A_1689] : memref<128xi32, #tpu.memory_space<vmem>> -> memref<16xi32, #tpu.memory_space<vmem>>
      %dma_start3A_1691 = arith.constant 0 : i32
      %dma_start3A_1692 = arith.constant 0 : i32
      %dma_start3A_1693 = tpu.memref_slice %arg5[%dma_start3A_1691, %dma_start3A_1692] : memref<100000x128xf32, #tpu.memory_space<hbm>> -> memref<100000x128xf32, #tpu.memory_space<hbm>>
      tpu.enqueue_indirect_dma source(%dma_start3A_1693 : memref<100000x128xf32, #tpu.memory_space<hbm>>) target(%dma_start3A_1688 : memref<16x128xf32, #tpu.memory_space<vmem>>) offsets(%dma_start3A_1690 : memref<16xi32, #tpu.memory_space<vmem>>) semaphore(%arg18 : memref<!tpu.dma_semaphore, #tpu.memory_space<semaphore_mem>>)
    } else {
    }
    %sub3A_1484 = arith.constant 128 : i32
    %sub3A_1485 = arith.subi %sub3A_1484, %add3A_1345 : i32
    %lt3A_1486 = arith.constant 80 : i32
    %lt3A_1487 = arith.cmpi slt, %sub3A_1485, %lt3A_1486 : i32
    %convert_element_type3A_1488 = arith.extui %lt3A_1487 : i1 to i32
    %cond3A_1489 = arith.constant 0 : i32
    %cond3A_1490 = arith.cmpi ne, %convert_element_type3A_1488, %cond3A_1489 : i32
    scf.if %cond3A_1490 {
      %dma_start3A_1686 = arith.constant 64 : i32
      %dma_start3A_1687 = arith.constant 0 : i32
      %dma_start3A_1688 = tpu.memref_slice %arg16[%dma_start3A_1686, %dma_start3A_1687] : memref<128x128xf32, #tpu.memory_space<vmem>> -> memref<16x128xf32, #tpu.memory_space<vmem>>
      %dma_start3A_1689 = arith.constant 64 : i32
      %dma_start3A_1690 = tpu.memref_slice %arg14[%dma_start3A_1689] : memref<128xi32, #tpu.memory_space<vmem>> -> memref<16xi32, #tpu.memory_space<vmem>>
      %dma_start3A_1691 = arith.constant 0 : i32
      %dma_start3A_1692 = arith.constant 0 : i32
      %dma_start3A_1693 = tpu.memref_slice %arg5[%dma_start3A_1691, %dma_start3A_1692] : memref<100000x128xf32, #tpu.memory_space<hbm>> -> memref<100000x128xf32, #tpu.memory_space<hbm>>
      tpu.enqueue_indirect_dma source(%dma_start3A_1693 : memref<100000x128xf32, #tpu.memory_space<hbm>>) target(%dma_start3A_1688 : memref<16x128xf32, #tpu.memory_space<vmem>>) offsets(%dma_start3A_1690 : memref<16xi32, #tpu.memory_space<vmem>>) semaphore(%arg18 : memref<!tpu.dma_semaphore, #tpu.memory_space<semaphore_mem>>)
    } else {
    }
    %sub3A_1491 = arith.constant 128 : i32
    %sub3A_1492 = arith.subi %sub3A_1491, %add3A_1345 : i32
    %lt3A_1493 = arith.constant 96 : i32
    %lt3A_1494 = arith.cmpi slt, %sub3A_1492, %lt3A_1493 : i32
    %convert_element_type3A_1495 = arith.extui %lt3A_1494 : i1 to i32
    %cond3A_1496 = arith.constant 0 : i32
    %cond3A_1497 = arith.cmpi ne, %convert_element_type3A_1495, %cond3A_1496 : i32
    scf.if %cond3A_1497 {
      %dma_start3A_1686 = arith.constant 80 : i32
      %dma_start3A_1687 = arith.constant 0 : i32
      %dma_start3A_1688 = tpu.memref_slice %arg16[%dma_start3A_1686, %dma_start3A_1687] : memref<128x128xf32, #tpu.memory_space<vmem>> -> memref<16x128xf32, #tpu.memory_space<vmem>>
      %dma_start3A_1689 = arith.constant 80 : i32
      %dma_start3A_1690 = tpu.memref_slice %arg14[%dma_start3A_1689] : memref<128xi32, #tpu.memory_space<vmem>> -> memref<16xi32, #tpu.memory_space<vmem>>
      %dma_start3A_1691 = arith.constant 0 : i32
      %dma_start3A_1692 = arith.constant 0 : i32
      %dma_start3A_1693 = tpu.memref_slice %arg5[%dma_start3A_1691, %dma_start3A_1692] : memref<100000x128xf32, #tpu.memory_space<hbm>> -> memref<100000x128xf32, #tpu.memory_space<hbm>>
      tpu.enqueue_indirect_dma source(%dma_start3A_1693 : memref<100000x128xf32, #tpu.memory_space<hbm>>) target(%dma_start3A_1688 : memref<16x128xf32, #tpu.memory_space<vmem>>) offsets(%dma_start3A_1690 : memref<16xi32, #tpu.memory_space<vmem>>) semaphore(%arg18 : memref<!tpu.dma_semaphore, #tpu.memory_space<semaphore_mem>>)
    } else {
    }
    %sub3A_1498 = arith.constant 128 : i32
    %sub3A_1499 = arith.subi %sub3A_1498, %add3A_1345 : i32
    %lt3A_1500 = arith.constant 112 : i32
    %lt3A_1501 = arith.cmpi slt, %sub3A_1499, %lt3A_1500 : i32
    %convert_element_type3A_1502 = arith.extui %lt3A_1501 : i1 to i32
    %cond3A_1503 = arith.constant 0 : i32
    %cond3A_1504 = arith.cmpi ne, %convert_element_type3A_1502, %cond3A_1503 : i32
    scf.if %cond3A_1504 {
      %dma_start3A_1686 = arith.constant 96 : i32
      %dma_start3A_1687 = arith.constant 0 : i32
      %dma_start3A_1688 = tpu.memref_slice %arg16[%dma_start3A_1686, %dma_start3A_1687] : memref<128x128xf32, #tpu.memory_space<vmem>> -> memref<16x128xf32, #tpu.memory_space<vmem>>
      %dma_start3A_1689 = arith.constant 96 : i32
      %dma_start3A_1690 = tpu.memref_slice %arg14[%dma_start3A_1689] : memref<128xi32, #tpu.memory_space<vmem>> -> memref<16xi32, #tpu.memory_space<vmem>>
      %dma_start3A_1691 = arith.constant 0 : i32
      %dma_start3A_1692 = arith.constant 0 : i32
      %dma_start3A_1693 = tpu.memref_slice %arg5[%dma_start3A_1691, %dma_start3A_1692] : memref<100000x128xf32, #tpu.memory_space<hbm>> -> memref<100000x128xf32, #tpu.memory_space<hbm>>
      tpu.enqueue_indirect_dma source(%dma_start3A_1693 : memref<100000x128xf32, #tpu.memory_space<hbm>>) target(%dma_start3A_1688 : memref<16x128xf32, #tpu.memory_space<vmem>>) offsets(%dma_start3A_1690 : memref<16xi32, #tpu.memory_space<vmem>>) semaphore(%arg18 : memref<!tpu.dma_semaphore, #tpu.memory_space<semaphore_mem>>)
    } else {
    }
    %sub3A_1505 = arith.constant 128 : i32
    %sub3A_1506 = arith.subi %sub3A_1505, %add3A_1345 : i32
    %lt3A_1507 = arith.constant 128 : i32
    %lt3A_1508 = arith.cmpi slt, %sub3A_1506, %lt3A_1507 : i32
    %convert_element_type3A_1509 = arith.extui %lt3A_1508 : i1 to i32
    %cond3A_1510 = arith.constant 0 : i32
    %cond3A_1511 = arith.cmpi ne, %convert_element_type3A_1509, %cond3A_1510 : i32
    scf.if %cond3A_1511 {
      %dma_start3A_1686 = arith.constant 112 : i32
      %dma_start3A_1687 = arith.constant 0 : i32
      %dma_start3A_1688 = tpu.memref_slice %arg16[%dma_start3A_1686, %dma_start3A_1687] : memref<128x128xf32, #tpu.memory_space<vmem>> -> memref<16x128xf32, #tpu.memory_space<vmem>>
      %dma_start3A_1689 = arith.constant 112 : i32
      %dma_start3A_1690 = tpu.memref_slice %arg14[%dma_start3A_1689] : memref<128xi32, #tpu.memory_space<vmem>> -> memref<16xi32, #tpu.memory_space<vmem>>
      %dma_start3A_1691 = arith.constant 0 : i32
      %dma_start3A_1692 = arith.constant 0 : i32
      %dma_start3A_1693 = tpu.memref_slice %arg5[%dma_start3A_1691, %dma_start3A_1692] : memref<100000x128xf32, #tpu.memory_space<hbm>> -> memref<100000x128xf32, #tpu.memory_space<hbm>>
      tpu.enqueue_indirect_dma source(%dma_start3A_1693 : memref<100000x128xf32, #tpu.memory_space<hbm>>) target(%dma_start3A_1688 : memref<16x128xf32, #tpu.memory_space<vmem>>) offsets(%dma_start3A_1690 : memref<16xi32, #tpu.memory_space<vmem>>) semaphore(%arg18 : memref<!tpu.dma_semaphore, #tpu.memory_space<semaphore_mem>>)
    } else {
    }
    %sub3A_1512 = arith.constant 128 : i32
    %sub3A_1513 = arith.subi %sub3A_1512, %add3A_1345 : i32
    %lt3A_1514 = arith.constant 16 : i32
    %lt3A_1515 = arith.cmpi slt, %sub3A_1513, %lt3A_1514 : i32
    %convert_element_type3A_1516 = arith.extui %lt3A_1515 : i1 to i32
    %cond3A_1517 = arith.constant 0 : i32
    %cond3A_1518 = arith.cmpi ne, %convert_element_type3A_1516, %cond3A_1517 : i32
    scf.if %cond3A_1518 {
      %dma_wait3A_1686 = arith.constant 0 : i32
      %dma_wait3A_1687 = arith.constant 0 : i32
      %dma_wait3A_1688 = tpu.memref_slice %arg16[%dma_wait3A_1686, %dma_wait3A_1687] : memref<128x128xf32, #tpu.memory_space<vmem>> -> memref<16x128xf32, #tpu.memory_space<vmem>>
      %dma_wait3A_1689 = arith.constant 0 : i32
      %dma_wait3A_1690 = tpu.memref_slice %arg14[%dma_wait3A_1689] : memref<128xi32, #tpu.memory_space<vmem>> -> memref<16xi32, #tpu.memory_space<vmem>>
      %dma_wait3A_1691 = arith.constant 0 : i32
      %dma_wait3A_1692 = arith.constant 0 : i32
      %dma_wait3A_1693 = tpu.memref_slice %arg5[%dma_wait3A_1691, %dma_wait3A_1692] : memref<100000x128xf32, #tpu.memory_space<hbm>> -> memref<100000x128xf32, #tpu.memory_space<hbm>>
      tpu.wait_indirect_dma semaphore(%arg18 : memref<!tpu.dma_semaphore, #tpu.memory_space<semaphore_mem>>) src(%dma_wait3A_1693 : memref<100000x128xf32, #tpu.memory_space<hbm>>) dst(%dma_wait3A_1688 : memref<16x128xf32, #tpu.memory_space<vmem>>)
    } else {
    }
    %sub3A_1519 = arith.constant 128 : i32
    %sub3A_1520 = arith.subi %sub3A_1519, %add3A_1345 : i32
    %lt3A_1521 = arith.constant 32 : i32
    %lt3A_1522 = arith.cmpi slt, %sub3A_1520, %lt3A_1521 : i32
    %convert_element_type3A_1523 = arith.extui %lt3A_1522 : i1 to i32
    %cond3A_1524 = arith.constant 0 : i32
    %cond3A_1525 = arith.cmpi ne, %convert_element_type3A_1523, %cond3A_1524 : i32
    scf.if %cond3A_1525 {
      %dma_wait3A_1686 = arith.constant 16 : i32
      %dma_wait3A_1687 = arith.constant 0 : i32
      %dma_wait3A_1688 = tpu.memref_slice %arg16[%dma_wait3A_1686, %dma_wait3A_1687] : memref<128x128xf32, #tpu.memory_space<vmem>> -> memref<16x128xf32, #tpu.memory_space<vmem>>
      %dma_wait3A_1689 = arith.constant 16 : i32
      %dma_wait3A_1690 = tpu.memref_slice %arg14[%dma_wait3A_1689] : memref<128xi32, #tpu.memory_space<vmem>> -> memref<16xi32, #tpu.memory_space<vmem>>
      %dma_wait3A_1691 = arith.constant 0 : i32
      %dma_wait3A_1692 = arith.constant 0 : i32
      %dma_wait3A_1693 = tpu.memref_slice %arg5[%dma_wait3A_1691, %dma_wait3A_1692] : memref<100000x128xf32, #tpu.memory_space<hbm>> -> memref<100000x128xf32, #tpu.memory_space<hbm>>
      tpu.wait_indirect_dma semaphore(%arg18 : memref<!tpu.dma_semaphore, #tpu.memory_space<semaphore_mem>>) src(%dma_wait3A_1693 : memref<100000x128xf32, #tpu.memory_space<hbm>>) dst(%dma_wait3A_1688 : memref<16x128xf32, #tpu.memory_space<vmem>>)
    } else {
    }
    %sub3A_1526 = arith.constant 128 : i32
    %sub3A_1527 = arith.subi %sub3A_1526, %add3A_1345 : i32
    %lt3A_1528 = arith.constant 48 : i32
    %lt3A_1529 = arith.cmpi slt, %sub3A_1527, %lt3A_1528 : i32
    %convert_element_type3A_1530 = arith.extui %lt3A_1529 : i1 to i32
    %cond3A_1531 = arith.constant 0 : i32
    %cond3A_1532 = arith.cmpi ne, %convert_element_type3A_1530, %cond3A_1531 : i32
    scf.if %cond3A_1532 {
      %dma_wait3A_1686 = arith.constant 32 : i32
      %dma_wait3A_1687 = arith.constant 0 : i32
      %dma_wait3A_1688 = tpu.memref_slice %arg16[%dma_wait3A_1686, %dma_wait3A_1687] : memref<128x128xf32, #tpu.memory_space<vmem>> -> memref<16x128xf32, #tpu.memory_space<vmem>>
      %dma_wait3A_1689 = arith.constant 32 : i32
      %dma_wait3A_1690 = tpu.memref_slice %arg14[%dma_wait3A_1689] : memref<128xi32, #tpu.memory_space<vmem>> -> memref<16xi32, #tpu.memory_space<vmem>>
      %dma_wait3A_1691 = arith.constant 0 : i32
      %dma_wait3A_1692 = arith.constant 0 : i32
      %dma_wait3A_1693 = tpu.memref_slice %arg5[%dma_wait3A_1691, %dma_wait3A_1692] : memref<100000x128xf32, #tpu.memory_space<hbm>> -> memref<100000x128xf32, #tpu.memory_space<hbm>>
      tpu.wait_indirect_dma semaphore(%arg18 : memref<!tpu.dma_semaphore, #tpu.memory_space<semaphore_mem>>) src(%dma_wait3A_1693 : memref<100000x128xf32, #tpu.memory_space<hbm>>) dst(%dma_wait3A_1688 : memref<16x128xf32, #tpu.memory_space<vmem>>)
    } else {
    }
    %sub3A_1533 = arith.constant 128 : i32
    %sub3A_1534 = arith.subi %sub3A_1533, %add3A_1345 : i32
    %lt3A_1535 = arith.constant 64 : i32
    %lt3A_1536 = arith.cmpi slt, %sub3A_1534, %lt3A_1535 : i32
    %convert_element_type3A_1537 = arith.extui %lt3A_1536 : i1 to i32
    %cond3A_1538 = arith.constant 0 : i32
    %cond3A_1539 = arith.cmpi ne, %convert_element_type3A_1537, %cond3A_1538 : i32
    scf.if %cond3A_1539 {
      %dma_wait3A_1686 = arith.constant 48 : i32
      %dma_wait3A_1687 = arith.constant 0 : i32
      %dma_wait3A_1688 = tpu.memref_slice %arg16[%dma_wait3A_1686, %dma_wait3A_1687] : memref<128x128xf32, #tpu.memory_space<vmem>> -> memref<16x128xf32, #tpu.memory_space<vmem>>
      %dma_wait3A_1689 = arith.constant 48 : i32
      %dma_wait3A_1690 = tpu.memref_slice %arg14[%dma_wait3A_1689] : memref<128xi32, #tpu.memory_space<vmem>> -> memref<16xi32, #tpu.memory_space<vmem>>
      %dma_wait3A_1691 = arith.constant 0 : i32
      %dma_wait3A_1692 = arith.constant 0 : i32
      %dma_wait3A_1693 = tpu.memref_slice %arg5[%dma_wait3A_1691, %dma_wait3A_1692] : memref<100000x128xf32, #tpu.memory_space<hbm>> -> memref<100000x128xf32, #tpu.memory_space<hbm>>
      tpu.wait_indirect_dma semaphore(%arg18 : memref<!tpu.dma_semaphore, #tpu.memory_space<semaphore_mem>>) src(%dma_wait3A_1693 : memref<100000x128xf32, #tpu.memory_space<hbm>>) dst(%dma_wait3A_1688 : memref<16x128xf32, #tpu.memory_space<vmem>>)
    } else {
    }
    %sub3A_1540 = arith.constant 128 : i32
    %sub3A_1541 = arith.subi %sub3A_1540, %add3A_1345 : i32
    %lt3A_1542 = arith.constant 80 : i32
    %lt3A_1543 = arith.cmpi slt, %sub3A_1541, %lt3A_1542 : i32
    %convert_element_type3A_1544 = arith.extui %lt3A_1543 : i1 to i32
    %cond3A_1545 = arith.constant 0 : i32
    %cond3A_1546 = arith.cmpi ne, %convert_element_type3A_1544, %cond3A_1545 : i32
    scf.if %cond3A_1546 {
      %dma_wait3A_1686 = arith.constant 64 : i32
      %dma_wait3A_1687 = arith.constant 0 : i32
      %dma_wait3A_1688 = tpu.memref_slice %arg16[%dma_wait3A_1686, %dma_wait3A_1687] : memref<128x128xf32, #tpu.memory_space<vmem>> -> memref<16x128xf32, #tpu.memory_space<vmem>>
      %dma_wait3A_1689 = arith.constant 64 : i32
      %dma_wait3A_1690 = tpu.memref_slice %arg14[%dma_wait3A_1689] : memref<128xi32, #tpu.memory_space<vmem>> -> memref<16xi32, #tpu.memory_space<vmem>>
      %dma_wait3A_1691 = arith.constant 0 : i32
      %dma_wait3A_1692 = arith.constant 0 : i32
      %dma_wait3A_1693 = tpu.memref_slice %arg5[%dma_wait3A_1691, %dma_wait3A_1692] : memref<100000x128xf32, #tpu.memory_space<hbm>> -> memref<100000x128xf32, #tpu.memory_space<hbm>>
      tpu.wait_indirect_dma semaphore(%arg18 : memref<!tpu.dma_semaphore, #tpu.memory_space<semaphore_mem>>) src(%dma_wait3A_1693 : memref<100000x128xf32, #tpu.memory_space<hbm>>) dst(%dma_wait3A_1688 : memref<16x128xf32, #tpu.memory_space<vmem>>)
    } else {
    }
    %sub3A_1547 = arith.constant 128 : i32
    %sub3A_1548 = arith.subi %sub3A_1547, %add3A_1345 : i32
    %lt3A_1549 = arith.constant 96 : i32
    %lt3A_1550 = arith.cmpi slt, %sub3A_1548, %lt3A_1549 : i32
    %convert_element_type3A_1551 = arith.extui %lt3A_1550 : i1 to i32
    %cond3A_1552 = arith.constant 0 : i32
    %cond3A_1553 = arith.cmpi ne, %convert_element_type3A_1551, %cond3A_1552 : i32
    scf.if %cond3A_1553 {
      %dma_wait3A_1686 = arith.constant 80 : i32
      %dma_wait3A_1687 = arith.constant 0 : i32
      %dma_wait3A_1688 = tpu.memref_slice %arg16[%dma_wait3A_1686, %dma_wait3A_1687] : memref<128x128xf32, #tpu.memory_space<vmem>> -> memref<16x128xf32, #tpu.memory_space<vmem>>
      %dma_wait3A_1689 = arith.constant 80 : i32
      %dma_wait3A_1690 = tpu.memref_slice %arg14[%dma_wait3A_1689] : memref<128xi32, #tpu.memory_space<vmem>> -> memref<16xi32, #tpu.memory_space<vmem>>
      %dma_wait3A_1691 = arith.constant 0 : i32
      %dma_wait3A_1692 = arith.constant 0 : i32
      %dma_wait3A_1693 = tpu.memref_slice %arg5[%dma_wait3A_1691, %dma_wait3A_1692] : memref<100000x128xf32, #tpu.memory_space<hbm>> -> memref<100000x128xf32, #tpu.memory_space<hbm>>
      tpu.wait_indirect_dma semaphore(%arg18 : memref<!tpu.dma_semaphore, #tpu.memory_space<semaphore_mem>>) src(%dma_wait3A_1693 : memref<100000x128xf32, #tpu.memory_space<hbm>>) dst(%dma_wait3A_1688 : memref<16x128xf32, #tpu.memory_space<vmem>>)
    } else {
    }
    %sub3A_1554 = arith.constant 128 : i32
    %sub3A_1555 = arith.subi %sub3A_1554, %add3A_1345 : i32
    %lt3A_1556 = arith.constant 112 : i32
    %lt3A_1557 = arith.cmpi slt, %sub3A_1555, %lt3A_1556 : i32
    %convert_element_type3A_1558 = arith.extui %lt3A_1557 : i1 to i32
    %cond3A_1559 = arith.constant 0 : i32
    %cond3A_1560 = arith.cmpi ne, %convert_element_type3A_1558, %cond3A_1559 : i32
    scf.if %cond3A_1560 {
      %dma_wait3A_1686 = arith.constant 96 : i32
      %dma_wait3A_1687 = arith.constant 0 : i32
      %dma_wait3A_1688 = tpu.memref_slice %arg16[%dma_wait3A_1686, %dma_wait3A_1687] : memref<128x128xf32, #tpu.memory_space<vmem>> -> memref<16x128xf32, #tpu.memory_space<vmem>>
      %dma_wait3A_1689 = arith.constant 96 : i32
      %dma_wait3A_1690 = tpu.memref_slice %arg14[%dma_wait3A_1689] : memref<128xi32, #tpu.memory_space<vmem>> -> memref<16xi32, #tpu.memory_space<vmem>>
      %dma_wait3A_1691 = arith.constant 0 : i32
      %dma_wait3A_1692 = arith.constant 0 : i32
      %dma_wait3A_1693 = tpu.memref_slice %arg5[%dma_wait3A_1691, %dma_wait3A_1692] : memref<100000x128xf32, #tpu.memory_space<hbm>> -> memref<100000x128xf32, #tpu.memory_space<hbm>>
      tpu.wait_indirect_dma semaphore(%arg18 : memref<!tpu.dma_semaphore, #tpu.memory_space<semaphore_mem>>) src(%dma_wait3A_1693 : memref<100000x128xf32, #tpu.memory_space<hbm>>) dst(%dma_wait3A_1688 : memref<16x128xf32, #tpu.memory_space<vmem>>)
    } else {
    }
    %sub3A_1561 = arith.constant 128 : i32
    %sub3A_1562 = arith.subi %sub3A_1561, %add3A_1345 : i32
    %lt3A_1563 = arith.constant 128 : i32
    %lt3A_1564 = arith.cmpi slt, %sub3A_1562, %lt3A_1563 : i32
    %convert_element_type3A_1565 = arith.extui %lt3A_1564 : i1 to i32
    %cond3A_1566 = arith.constant 0 : i32
    %cond3A_1567 = arith.cmpi ne, %convert_element_type3A_1565, %cond3A_1566 : i32
    scf.if %cond3A_1567 {
      %dma_wait3A_1686 = arith.constant 112 : i32
      %dma_wait3A_1687 = arith.constant 0 : i32
      %dma_wait3A_1688 = tpu.memref_slice %arg16[%dma_wait3A_1686, %dma_wait3A_1687] : memref<128x128xf32, #tpu.memory_space<vmem>> -> memref<16x128xf32, #tpu.memory_space<vmem>>
      %dma_wait3A_1689 = arith.constant 112 : i32
      %dma_wait3A_1690 = tpu.memref_slice %arg14[%dma_wait3A_1689] : memref<128xi32, #tpu.memory_space<vmem>> -> memref<16xi32, #tpu.memory_space<vmem>>
      %dma_wait3A_1691 = arith.constant 0 : i32
      %dma_wait3A_1692 = arith.constant 0 : i32
      %dma_wait3A_1693 = tpu.memref_slice %arg5[%dma_wait3A_1691, %dma_wait3A_1692] : memref<100000x128xf32, #tpu.memory_space<hbm>> -> memref<100000x128xf32, #tpu.memory_space<hbm>>
      tpu.wait_indirect_dma semaphore(%arg18 : memref<!tpu.dma_semaphore, #tpu.memory_space<semaphore_mem>>) src(%dma_wait3A_1693 : memref<100000x128xf32, #tpu.memory_space<hbm>>) dst(%dma_wait3A_1688 : memref<16x128xf32, #tpu.memory_space<vmem>>)
    } else {
    }
    %sub3A_1568 = arith.constant 128 : i32
    %sub3A_1569 = arith.subi %sub3A_1568, %add3A_1345 : i32
    %lt3A_1570 = arith.constant 16 : i32
    %lt3A_1571 = arith.cmpi slt, %sub3A_1569, %lt3A_1570 : i32
    %convert_element_type3A_1572 = arith.extui %lt3A_1571 : i1 to i32
    %cond3A_1573 = arith.constant 0 : i32
    %cond3A_1574 = arith.cmpi ne, %convert_element_type3A_1572, %cond3A_1573 : i32
    scf.if %cond3A_1574 {
      %dma_start3A_1686 = arith.constant 0 : i32
      %dma_start3A_1687 = arith.constant 0 : i32
      %dma_start3A_1688 = arith.constant 0 : i32
      %dma_start3A_1689 = tpu.memref_slice %arg16[%dma_start3A_1687, %dma_start3A_1688] : memref<128x128xf32, #tpu.memory_space<vmem>> -> memref<16x128xf32, #tpu.memory_space<vmem>>
      %dma_start3A_1690 = arith.constant 0 : i32
      %dma_start3A_1691 = tpu.memref_slice %arg15[%dma_start3A_1686, %dma_start3A_1690] : memref<8x16xi32, #tpu.memory_space<vmem>> -> memref<1x16xi32, #tpu.memory_space<vmem>>
      %dma_start3A_1692 = tpu.memref_squeeze %dma_start3A_1691 : memref<1x16xi32, #tpu.memory_space<vmem>> -> memref<16xi32, #tpu.memory_space<vmem>>
      %dma_start3A_1693 = arith.constant 0 : i32
      %dma_start3A_1694 = arith.constant 0 : i32
      %dma_start3A_1695 = tpu.memref_slice %arg6[%dma_start3A_1693, %dma_start3A_1694] : memref<4096x128xf32, #tpu.memory_space<hbm>> -> memref<4096x128xf32, #tpu.memory_space<hbm>>
      tpu.enqueue_indirect_dma source(%dma_start3A_1689 : memref<16x128xf32, #tpu.memory_space<vmem>>) target(%dma_start3A_1695 : memref<4096x128xf32, #tpu.memory_space<hbm>>) offsets(%dma_start3A_1692 : memref<16xi32, #tpu.memory_space<vmem>>) semaphore(%arg18 : memref<!tpu.dma_semaphore, #tpu.memory_space<semaphore_mem>>)
    } else {
    }
    %sub3A_1575 = arith.constant 128 : i32
    %sub3A_1576 = arith.subi %sub3A_1575, %add3A_1345 : i32
    %lt3A_1577 = arith.constant 32 : i32
    %lt3A_1578 = arith.cmpi slt, %sub3A_1576, %lt3A_1577 : i32
    %convert_element_type3A_1579 = arith.extui %lt3A_1578 : i1 to i32
    %cond3A_1580 = arith.constant 0 : i32
    %cond3A_1581 = arith.cmpi ne, %convert_element_type3A_1579, %cond3A_1580 : i32
    scf.if %cond3A_1581 {
      %dma_start3A_1686 = arith.constant 1 : i32
      %dma_start3A_1687 = arith.constant 16 : i32
      %dma_start3A_1688 = arith.constant 0 : i32
      %dma_start3A_1689 = tpu.memref_slice %arg16[%dma_start3A_1687, %dma_start3A_1688] : memref<128x128xf32, #tpu.memory_space<vmem>> -> memref<16x128xf32, #tpu.memory_space<vmem>>
      %dma_start3A_1690 = arith.constant 0 : i32
      %dma_start3A_1691 = tpu.memref_slice %arg15[%dma_start3A_1686, %dma_start3A_1690] : memref<8x16xi32, #tpu.memory_space<vmem>> -> memref<1x16xi32, #tpu.memory_space<vmem>>
      %dma_start3A_1692 = tpu.memref_squeeze %dma_start3A_1691 : memref<1x16xi32, #tpu.memory_space<vmem>> -> memref<16xi32, #tpu.memory_space<vmem>>
      %dma_start3A_1693 = arith.constant 0 : i32
      %dma_start3A_1694 = arith.constant 0 : i32
      %dma_start3A_1695 = tpu.memref_slice %arg6[%dma_start3A_1693, %dma_start3A_1694] : memref<4096x128xf32, #tpu.memory_space<hbm>> -> memref<4096x128xf32, #tpu.memory_space<hbm>>
      tpu.enqueue_indirect_dma source(%dma_start3A_1689 : memref<16x128xf32, #tpu.memory_space<vmem>>) target(%dma_start3A_1695 : memref<4096x128xf32, #tpu.memory_space<hbm>>) offsets(%dma_start3A_1692 : memref<16xi32, #tpu.memory_space<vmem>>) semaphore(%arg18 : memref<!tpu.dma_semaphore, #tpu.memory_space<semaphore_mem>>)
    } else {
    }
    %sub3A_1582 = arith.constant 128 : i32
    %sub3A_1583 = arith.subi %sub3A_1582, %add3A_1345 : i32
    %lt3A_1584 = arith.constant 48 : i32
    %lt3A_1585 = arith.cmpi slt, %sub3A_1583, %lt3A_1584 : i32
    %convert_element_type3A_1586 = arith.extui %lt3A_1585 : i1 to i32
    %cond3A_1587 = arith.constant 0 : i32
    %cond3A_1588 = arith.cmpi ne, %convert_element_type3A_1586, %cond3A_1587 : i32
    scf.if %cond3A_1588 {
      %dma_start3A_1686 = arith.constant 2 : i32
      %dma_start3A_1687 = arith.constant 32 : i32
      %dma_start3A_1688 = arith.constant 0 : i32
      %dma_start3A_1689 = tpu.memref_slice %arg16[%dma_start3A_1687, %dma_start3A_1688] : memref<128x128xf32, #tpu.memory_space<vmem>> -> memref<16x128xf32, #tpu.memory_space<vmem>>
      %dma_start3A_1690 = arith.constant 0 : i32
      %dma_start3A_1691 = tpu.memref_slice %arg15[%dma_start3A_1686, %dma_start3A_1690] : memref<8x16xi32, #tpu.memory_space<vmem>> -> memref<1x16xi32, #tpu.memory_space<vmem>>
      %dma_start3A_1692 = tpu.memref_squeeze %dma_start3A_1691 : memref<1x16xi32, #tpu.memory_space<vmem>> -> memref<16xi32, #tpu.memory_space<vmem>>
      %dma_start3A_1693 = arith.constant 0 : i32
      %dma_start3A_1694 = arith.constant 0 : i32
      %dma_start3A_1695 = tpu.memref_slice %arg6[%dma_start3A_1693, %dma_start3A_1694] : memref<4096x128xf32, #tpu.memory_space<hbm>> -> memref<4096x128xf32, #tpu.memory_space<hbm>>
      tpu.enqueue_indirect_dma source(%dma_start3A_1689 : memref<16x128xf32, #tpu.memory_space<vmem>>) target(%dma_start3A_1695 : memref<4096x128xf32, #tpu.memory_space<hbm>>) offsets(%dma_start3A_1692 : memref<16xi32, #tpu.memory_space<vmem>>) semaphore(%arg18 : memref<!tpu.dma_semaphore, #tpu.memory_space<semaphore_mem>>)
    } else {
    }
    %sub3A_1589 = arith.constant 128 : i32
    %sub3A_1590 = arith.subi %sub3A_1589, %add3A_1345 : i32
    %lt3A_1591 = arith.constant 64 : i32
    %lt3A_1592 = arith.cmpi slt, %sub3A_1590, %lt3A_1591 : i32
    %convert_element_type3A_1593 = arith.extui %lt3A_1592 : i1 to i32
    %cond3A_1594 = arith.constant 0 : i32
    %cond3A_1595 = arith.cmpi ne, %convert_element_type3A_1593, %cond3A_1594 : i32
    scf.if %cond3A_1595 {
      %dma_start3A_1686 = arith.constant 3 : i32
      %dma_start3A_1687 = arith.constant 48 : i32
      %dma_start3A_1688 = arith.constant 0 : i32
      %dma_start3A_1689 = tpu.memref_slice %arg16[%dma_start3A_1687, %dma_start3A_1688] : memref<128x128xf32, #tpu.memory_space<vmem>> -> memref<16x128xf32, #tpu.memory_space<vmem>>
      %dma_start3A_1690 = arith.constant 0 : i32
      %dma_start3A_1691 = tpu.memref_slice %arg15[%dma_start3A_1686, %dma_start3A_1690] : memref<8x16xi32, #tpu.memory_space<vmem>> -> memref<1x16xi32, #tpu.memory_space<vmem>>
      %dma_start3A_1692 = tpu.memref_squeeze %dma_start3A_1691 : memref<1x16xi32, #tpu.memory_space<vmem>> -> memref<16xi32, #tpu.memory_space<vmem>>
      %dma_start3A_1693 = arith.constant 0 : i32
      %dma_start3A_1694 = arith.constant 0 : i32
      %dma_start3A_1695 = tpu.memref_slice %arg6[%dma_start3A_1693, %dma_start3A_1694] : memref<4096x128xf32, #tpu.memory_space<hbm>> -> memref<4096x128xf32, #tpu.memory_space<hbm>>
      tpu.enqueue_indirect_dma source(%dma_start3A_1689 : memref<16x128xf32, #tpu.memory_space<vmem>>) target(%dma_start3A_1695 : memref<4096x128xf32, #tpu.memory_space<hbm>>) offsets(%dma_start3A_1692 : memref<16xi32, #tpu.memory_space<vmem>>) semaphore(%arg18 : memref<!tpu.dma_semaphore, #tpu.memory_space<semaphore_mem>>)
    } else {
    }
    %sub3A_1596 = arith.constant 128 : i32
    %sub3A_1597 = arith.subi %sub3A_1596, %add3A_1345 : i32
    %lt3A_1598 = arith.constant 80 : i32
    %lt3A_1599 = arith.cmpi slt, %sub3A_1597, %lt3A_1598 : i32
    %convert_element_type3A_1600 = arith.extui %lt3A_1599 : i1 to i32
    %cond3A_1601 = arith.constant 0 : i32
    %cond3A_1602 = arith.cmpi ne, %convert_element_type3A_1600, %cond3A_1601 : i32
    scf.if %cond3A_1602 {
      %dma_start3A_1686 = arith.constant 4 : i32
      %dma_start3A_1687 = arith.constant 64 : i32
      %dma_start3A_1688 = arith.constant 0 : i32
      %dma_start3A_1689 = tpu.memref_slice %arg16[%dma_start3A_1687, %dma_start3A_1688] : memref<128x128xf32, #tpu.memory_space<vmem>> -> memref<16x128xf32, #tpu.memory_space<vmem>>
      %dma_start3A_1690 = arith.constant 0 : i32
      %dma_start3A_1691 = tpu.memref_slice %arg15[%dma_start3A_1686, %dma_start3A_1690] : memref<8x16xi32, #tpu.memory_space<vmem>> -> memref<1x16xi32, #tpu.memory_space<vmem>>
      %dma_start3A_1692 = tpu.memref_squeeze %dma_start3A_1691 : memref<1x16xi32, #tpu.memory_space<vmem>> -> memref<16xi32, #tpu.memory_space<vmem>>
      %dma_start3A_1693 = arith.constant 0 : i32
      %dma_start3A_1694 = arith.constant 0 : i32
      %dma_start3A_1695 = tpu.memref_slice %arg6[%dma_start3A_1693, %dma_start3A_1694] : memref<4096x128xf32, #tpu.memory_space<hbm>> -> memref<4096x128xf32, #tpu.memory_space<hbm>>
      tpu.enqueue_indirect_dma source(%dma_start3A_1689 : memref<16x128xf32, #tpu.memory_space<vmem>>) target(%dma_start3A_1695 : memref<4096x128xf32, #tpu.memory_space<hbm>>) offsets(%dma_start3A_1692 : memref<16xi32, #tpu.memory_space<vmem>>) semaphore(%arg18 : memref<!tpu.dma_semaphore, #tpu.memory_space<semaphore_mem>>)
    } else {
    }
    %sub3A_1603 = arith.constant 128 : i32
    %sub3A_1604 = arith.subi %sub3A_1603, %add3A_1345 : i32
    %lt3A_1605 = arith.constant 96 : i32
    %lt3A_1606 = arith.cmpi slt, %sub3A_1604, %lt3A_1605 : i32
    %convert_element_type3A_1607 = arith.extui %lt3A_1606 : i1 to i32
    %cond3A_1608 = arith.constant 0 : i32
    %cond3A_1609 = arith.cmpi ne, %convert_element_type3A_1607, %cond3A_1608 : i32
    scf.if %cond3A_1609 {
      %dma_start3A_1686 = arith.constant 5 : i32
      %dma_start3A_1687 = arith.constant 80 : i32
      %dma_start3A_1688 = arith.constant 0 : i32
      %dma_start3A_1689 = tpu.memref_slice %arg16[%dma_start3A_1687, %dma_start3A_1688] : memref<128x128xf32, #tpu.memory_space<vmem>> -> memref<16x128xf32, #tpu.memory_space<vmem>>
      %dma_start3A_1690 = arith.constant 0 : i32
      %dma_start3A_1691 = tpu.memref_slice %arg15[%dma_start3A_1686, %dma_start3A_1690] : memref<8x16xi32, #tpu.memory_space<vmem>> -> memref<1x16xi32, #tpu.memory_space<vmem>>
      %dma_start3A_1692 = tpu.memref_squeeze %dma_start3A_1691 : memref<1x16xi32, #tpu.memory_space<vmem>> -> memref<16xi32, #tpu.memory_space<vmem>>
      %dma_start3A_1693 = arith.constant 0 : i32
      %dma_start3A_1694 = arith.constant 0 : i32
      %dma_start3A_1695 = tpu.memref_slice %arg6[%dma_start3A_1693, %dma_start3A_1694] : memref<4096x128xf32, #tpu.memory_space<hbm>> -> memref<4096x128xf32, #tpu.memory_space<hbm>>
      tpu.enqueue_indirect_dma source(%dma_start3A_1689 : memref<16x128xf32, #tpu.memory_space<vmem>>) target(%dma_start3A_1695 : memref<4096x128xf32, #tpu.memory_space<hbm>>) offsets(%dma_start3A_1692 : memref<16xi32, #tpu.memory_space<vmem>>) semaphore(%arg18 : memref<!tpu.dma_semaphore, #tpu.memory_space<semaphore_mem>>)
    } else {
    }
    %sub3A_1610 = arith.constant 128 : i32
    %sub3A_1611 = arith.subi %sub3A_1610, %add3A_1345 : i32
    %lt3A_1612 = arith.constant 112 : i32
    %lt3A_1613 = arith.cmpi slt, %sub3A_1611, %lt3A_1612 : i32
    %convert_element_type3A_1614 = arith.extui %lt3A_1613 : i1 to i32
    %cond3A_1615 = arith.constant 0 : i32
    %cond3A_1616 = arith.cmpi ne, %convert_element_type3A_1614, %cond3A_1615 : i32
    scf.if %cond3A_1616 {
      %dma_start3A_1686 = arith.constant 6 : i32
      %dma_start3A_1687 = arith.constant 96 : i32
      %dma_start3A_1688 = arith.constant 0 : i32
      %dma_start3A_1689 = tpu.memref_slice %arg16[%dma_start3A_1687, %dma_start3A_1688] : memref<128x128xf32, #tpu.memory_space<vmem>> -> memref<16x128xf32, #tpu.memory_space<vmem>>
      %dma_start3A_1690 = arith.constant 0 : i32
      %dma_start3A_1691 = tpu.memref_slice %arg15[%dma_start3A_1686, %dma_start3A_1690] : memref<8x16xi32, #tpu.memory_space<vmem>> -> memref<1x16xi32, #tpu.memory_space<vmem>>
      %dma_start3A_1692 = tpu.memref_squeeze %dma_start3A_1691 : memref<1x16xi32, #tpu.memory_space<vmem>> -> memref<16xi32, #tpu.memory_space<vmem>>
      %dma_start3A_1693 = arith.constant 0 : i32
      %dma_start3A_1694 = arith.constant 0 : i32
      %dma_start3A_1695 = tpu.memref_slice %arg6[%dma_start3A_1693, %dma_start3A_1694] : memref<4096x128xf32, #tpu.memory_space<hbm>> -> memref<4096x128xf32, #tpu.memory_space<hbm>>
      tpu.enqueue_indirect_dma source(%dma_start3A_1689 : memref<16x128xf32, #tpu.memory_space<vmem>>) target(%dma_start3A_1695 : memref<4096x128xf32, #tpu.memory_space<hbm>>) offsets(%dma_start3A_1692 : memref<16xi32, #tpu.memory_space<vmem>>) semaphore(%arg18 : memref<!tpu.dma_semaphore, #tpu.memory_space<semaphore_mem>>)
    } else {
    }
    %sub3A_1617 = arith.constant 128 : i32
    %sub3A_1618 = arith.subi %sub3A_1617, %add3A_1345 : i32
    %lt3A_1619 = arith.constant 128 : i32
    %lt3A_1620 = arith.cmpi slt, %sub3A_1618, %lt3A_1619 : i32
    %convert_element_type3A_1621 = arith.extui %lt3A_1620 : i1 to i32
    %cond3A_1622 = arith.constant 0 : i32
    %cond3A_1623 = arith.cmpi ne, %convert_element_type3A_1621, %cond3A_1622 : i32
    scf.if %cond3A_1623 {
      %dma_start3A_1686 = arith.constant 7 : i32
      %dma_start3A_1687 = arith.constant 112 : i32
      %dma_start3A_1688 = arith.constant 0 : i32
      %dma_start3A_1689 = tpu.memref_slice %arg16[%dma_start3A_1687, %dma_start3A_1688] : memref<128x128xf32, #tpu.memory_space<vmem>> -> memref<16x128xf32, #tpu.memory_space<vmem>>
      %dma_start3A_1690 = arith.constant 0 : i32
      %dma_start3A_1691 = tpu.memref_slice %arg15[%dma_start3A_1686, %dma_start3A_1690] : memref<8x16xi32, #tpu.memory_space<vmem>> -> memref<1x16xi32, #tpu.memory_space<vmem>>
      %dma_start3A_1692 = tpu.memref_squeeze %dma_start3A_1691 : memref<1x16xi32, #tpu.memory_space<vmem>> -> memref<16xi32, #tpu.memory_space<vmem>>
      %dma_start3A_1693 = arith.constant 0 : i32
      %dma_start3A_1694 = arith.constant 0 : i32
      %dma_start3A_1695 = tpu.memref_slice %arg6[%dma_start3A_1693, %dma_start3A_1694] : memref<4096x128xf32, #tpu.memory_space<hbm>> -> memref<4096x128xf32, #tpu.memory_space<hbm>>
      tpu.enqueue_indirect_dma source(%dma_start3A_1689 : memref<16x128xf32, #tpu.memory_space<vmem>>) target(%dma_start3A_1695 : memref<4096x128xf32, #tpu.memory_space<hbm>>) offsets(%dma_start3A_1692 : memref<16xi32, #tpu.memory_space<vmem>>) semaphore(%arg18 : memref<!tpu.dma_semaphore, #tpu.memory_space<semaphore_mem>>)
    } else {
    }
    %sub3A_1624 = arith.constant 128 : i32
    %sub3A_1625 = arith.subi %sub3A_1624, %add3A_1345 : i32
    %lt3A_1626 = arith.constant 16 : i32
    %lt3A_1627 = arith.cmpi slt, %sub3A_1625, %lt3A_1626 : i32
    %convert_element_type3A_1628 = arith.extui %lt3A_1627 : i1 to i32
    %cond3A_1629 = arith.constant 0 : i32
    %cond3A_1630 = arith.cmpi ne, %convert_element_type3A_1628, %cond3A_1629 : i32
    scf.if %cond3A_1630 {
      %dma_wait3A_1686 = arith.constant 0 : i32
      %dma_wait3A_1687 = arith.constant 0 : i32
      %dma_wait3A_1688 = arith.constant 0 : i32
      %dma_wait3A_1689 = tpu.memref_slice %arg16[%dma_wait3A_1687, %dma_wait3A_1688] : memref<128x128xf32, #tpu.memory_space<vmem>> -> memref<16x128xf32, #tpu.memory_space<vmem>>
      %dma_wait3A_1690 = arith.constant 0 : i32
      %dma_wait3A_1691 = tpu.memref_slice %arg15[%dma_wait3A_1686, %dma_wait3A_1690] : memref<8x16xi32, #tpu.memory_space<vmem>> -> memref<1x16xi32, #tpu.memory_space<vmem>>
      %dma_wait3A_1692 = tpu.memref_squeeze %dma_wait3A_1691 : memref<1x16xi32, #tpu.memory_space<vmem>> -> memref<16xi32, #tpu.memory_space<vmem>>
      %dma_wait3A_1693 = arith.constant 0 : i32
      %dma_wait3A_1694 = arith.constant 0 : i32
      %dma_wait3A_1695 = tpu.memref_slice %arg6[%dma_wait3A_1693, %dma_wait3A_1694] : memref<4096x128xf32, #tpu.memory_space<hbm>> -> memref<4096x128xf32, #tpu.memory_space<hbm>>
      tpu.wait_indirect_dma semaphore(%arg18 : memref<!tpu.dma_semaphore, #tpu.memory_space<semaphore_mem>>) src(%dma_wait3A_1689 : memref<16x128xf32, #tpu.memory_space<vmem>>) dst(%dma_wait3A_1695 : memref<4096x128xf32, #tpu.memory_space<hbm>>)
    } else {
    }
    %sub3A_1631 = arith.constant 128 : i32
    %sub3A_1632 = arith.subi %sub3A_1631, %add3A_1345 : i32
    %lt3A_1633 = arith.constant 32 : i32
    %lt3A_1634 = arith.cmpi slt, %sub3A_1632, %lt3A_1633 : i32
    %convert_element_type3A_1635 = arith.extui %lt3A_1634 : i1 to i32
    %cond3A_1636 = arith.constant 0 : i32
    %cond3A_1637 = arith.cmpi ne, %convert_element_type3A_1635, %cond3A_1636 : i32
    scf.if %cond3A_1637 {
      %dma_wait3A_1686 = arith.constant 1 : i32
      %dma_wait3A_1687 = arith.constant 16 : i32
      %dma_wait3A_1688 = arith.constant 0 : i32
      %dma_wait3A_1689 = tpu.memref_slice %arg16[%dma_wait3A_1687, %dma_wait3A_1688] : memref<128x128xf32, #tpu.memory_space<vmem>> -> memref<16x128xf32, #tpu.memory_space<vmem>>
      %dma_wait3A_1690 = arith.constant 0 : i32
      %dma_wait3A_1691 = tpu.memref_slice %arg15[%dma_wait3A_1686, %dma_wait3A_1690] : memref<8x16xi32, #tpu.memory_space<vmem>> -> memref<1x16xi32, #tpu.memory_space<vmem>>
      %dma_wait3A_1692 = tpu.memref_squeeze %dma_wait3A_1691 : memref<1x16xi32, #tpu.memory_space<vmem>> -> memref<16xi32, #tpu.memory_space<vmem>>
      %dma_wait3A_1693 = arith.constant 0 : i32
      %dma_wait3A_1694 = arith.constant 0 : i32
      %dma_wait3A_1695 = tpu.memref_slice %arg6[%dma_wait3A_1693, %dma_wait3A_1694] : memref<4096x128xf32, #tpu.memory_space<hbm>> -> memref<4096x128xf32, #tpu.memory_space<hbm>>
      tpu.wait_indirect_dma semaphore(%arg18 : memref<!tpu.dma_semaphore, #tpu.memory_space<semaphore_mem>>) src(%dma_wait3A_1689 : memref<16x128xf32, #tpu.memory_space<vmem>>) dst(%dma_wait3A_1695 : memref<4096x128xf32, #tpu.memory_space<hbm>>)
    } else {
    }
    %sub3A_1638 = arith.constant 128 : i32
    %sub3A_1639 = arith.subi %sub3A_1638, %add3A_1345 : i32
    %lt3A_1640 = arith.constant 48 : i32
    %lt3A_1641 = arith.cmpi slt, %sub3A_1639, %lt3A_1640 : i32
    %convert_element_type3A_1642 = arith.extui %lt3A_1641 : i1 to i32
    %cond3A_1643 = arith.constant 0 : i32
    %cond3A_1644 = arith.cmpi ne, %convert_element_type3A_1642, %cond3A_1643 : i32
    scf.if %cond3A_1644 {
      %dma_wait3A_1686 = arith.constant 2 : i32
      %dma_wait3A_1687 = arith.constant 32 : i32
      %dma_wait3A_1688 = arith.constant 0 : i32
      %dma_wait3A_1689 = tpu.memref_slice %arg16[%dma_wait3A_1687, %dma_wait3A_1688] : memref<128x128xf32, #tpu.memory_space<vmem>> -> memref<16x128xf32, #tpu.memory_space<vmem>>
      %dma_wait3A_1690 = arith.constant 0 : i32
      %dma_wait3A_1691 = tpu.memref_slice %arg15[%dma_wait3A_1686, %dma_wait3A_1690] : memref<8x16xi32, #tpu.memory_space<vmem>> -> memref<1x16xi32, #tpu.memory_space<vmem>>
      %dma_wait3A_1692 = tpu.memref_squeeze %dma_wait3A_1691 : memref<1x16xi32, #tpu.memory_space<vmem>> -> memref<16xi32, #tpu.memory_space<vmem>>
      %dma_wait3A_1693 = arith.constant 0 : i32
      %dma_wait3A_1694 = arith.constant 0 : i32
      %dma_wait3A_1695 = tpu.memref_slice %arg6[%dma_wait3A_1693, %dma_wait3A_1694] : memref<4096x128xf32, #tpu.memory_space<hbm>> -> memref<4096x128xf32, #tpu.memory_space<hbm>>
      tpu.wait_indirect_dma semaphore(%arg18 : memref<!tpu.dma_semaphore, #tpu.memory_space<semaphore_mem>>) src(%dma_wait3A_1689 : memref<16x128xf32, #tpu.memory_space<vmem>>) dst(%dma_wait3A_1695 : memref<4096x128xf32, #tpu.memory_space<hbm>>)
    } else {
    }
    %sub3A_1645 = arith.constant 128 : i32
    %sub3A_1646 = arith.subi %sub3A_1645, %add3A_1345 : i32
    %lt3A_1647 = arith.constant 64 : i32
    %lt3A_1648 = arith.cmpi slt, %sub3A_1646, %lt3A_1647 : i32
    %convert_element_type3A_1649 = arith.extui %lt3A_1648 : i1 to i32
    %cond3A_1650 = arith.constant 0 : i32
    %cond3A_1651 = arith.cmpi ne, %convert_element_type3A_1649, %cond3A_1650 : i32
    scf.if %cond3A_1651 {
      %dma_wait3A_1686 = arith.constant 3 : i32
      %dma_wait3A_1687 = arith.constant 48 : i32
      %dma_wait3A_1688 = arith.constant 0 : i32
      %dma_wait3A_1689 = tpu.memref_slice %arg16[%dma_wait3A_1687, %dma_wait3A_1688] : memref<128x128xf32, #tpu.memory_space<vmem>> -> memref<16x128xf32, #tpu.memory_space<vmem>>
      %dma_wait3A_1690 = arith.constant 0 : i32
      %dma_wait3A_1691 = tpu.memref_slice %arg15[%dma_wait3A_1686, %dma_wait3A_1690] : memref<8x16xi32, #tpu.memory_space<vmem>> -> memref<1x16xi32, #tpu.memory_space<vmem>>
      %dma_wait3A_1692 = tpu.memref_squeeze %dma_wait3A_1691 : memref<1x16xi32, #tpu.memory_space<vmem>> -> memref<16xi32, #tpu.memory_space<vmem>>
      %dma_wait3A_1693 = arith.constant 0 : i32
      %dma_wait3A_1694 = arith.constant 0 : i32
      %dma_wait3A_1695 = tpu.memref_slice %arg6[%dma_wait3A_1693, %dma_wait3A_1694] : memref<4096x128xf32, #tpu.memory_space<hbm>> -> memref<4096x128xf32, #tpu.memory_space<hbm>>
      tpu.wait_indirect_dma semaphore(%arg18 : memref<!tpu.dma_semaphore, #tpu.memory_space<semaphore_mem>>) src(%dma_wait3A_1689 : memref<16x128xf32, #tpu.memory_space<vmem>>) dst(%dma_wait3A_1695 : memref<4096x128xf32, #tpu.memory_space<hbm>>)
    } else {
    }
    %sub3A_1652 = arith.constant 128 : i32
    %sub3A_1653 = arith.subi %sub3A_1652, %add3A_1345 : i32
    %lt3A_1654 = arith.constant 80 : i32
    %lt3A_1655 = arith.cmpi slt, %sub3A_1653, %lt3A_1654 : i32
    %convert_element_type3A_1656 = arith.extui %lt3A_1655 : i1 to i32
    %cond3A_1657 = arith.constant 0 : i32
    %cond3A_1658 = arith.cmpi ne, %convert_element_type3A_1656, %cond3A_1657 : i32
    scf.if %cond3A_1658 {
      %dma_wait3A_1686 = arith.constant 4 : i32
      %dma_wait3A_1687 = arith.constant 64 : i32
      %dma_wait3A_1688 = arith.constant 0 : i32
      %dma_wait3A_1689 = tpu.memref_slice %arg16[%dma_wait3A_1687, %dma_wait3A_1688] : memref<128x128xf32, #tpu.memory_space<vmem>> -> memref<16x128xf32, #tpu.memory_space<vmem>>
      %dma_wait3A_1690 = arith.constant 0 : i32
      %dma_wait3A_1691 = tpu.memref_slice %arg15[%dma_wait3A_1686, %dma_wait3A_1690] : memref<8x16xi32, #tpu.memory_space<vmem>> -> memref<1x16xi32, #tpu.memory_space<vmem>>
      %dma_wait3A_1692 = tpu.memref_squeeze %dma_wait3A_1691 : memref<1x16xi32, #tpu.memory_space<vmem>> -> memref<16xi32, #tpu.memory_space<vmem>>
      %dma_wait3A_1693 = arith.constant 0 : i32
      %dma_wait3A_1694 = arith.constant 0 : i32
      %dma_wait3A_1695 = tpu.memref_slice %arg6[%dma_wait3A_1693, %dma_wait3A_1694] : memref<4096x128xf32, #tpu.memory_space<hbm>> -> memref<4096x128xf32, #tpu.memory_space<hbm>>
      tpu.wait_indirect_dma semaphore(%arg18 : memref<!tpu.dma_semaphore, #tpu.memory_space<semaphore_mem>>) src(%dma_wait3A_1689 : memref<16x128xf32, #tpu.memory_space<vmem>>) dst(%dma_wait3A_1695 : memref<4096x128xf32, #tpu.memory_space<hbm>>)
    } else {
    }
    %sub3A_1659 = arith.constant 128 : i32
    %sub3A_1660 = arith.subi %sub3A_1659, %add3A_1345 : i32
    %lt3A_1661 = arith.constant 96 : i32
    %lt3A_1662 = arith.cmpi slt, %sub3A_1660, %lt3A_1661 : i32
    %convert_element_type3A_1663 = arith.extui %lt3A_1662 : i1 to i32
    %cond3A_1664 = arith.constant 0 : i32
    %cond3A_1665 = arith.cmpi ne, %convert_element_type3A_1663, %cond3A_1664 : i32
    scf.if %cond3A_1665 {
      %dma_wait3A_1686 = arith.constant 5 : i32
      %dma_wait3A_1687 = arith.constant 80 : i32
      %dma_wait3A_1688 = arith.constant 0 : i32
      %dma_wait3A_1689 = tpu.memref_slice %arg16[%dma_wait3A_1687, %dma_wait3A_1688] : memref<128x128xf32, #tpu.memory_space<vmem>> -> memref<16x128xf32, #tpu.memory_space<vmem>>
      %dma_wait3A_1690 = arith.constant 0 : i32
      %dma_wait3A_1691 = tpu.memref_slice %arg15[%dma_wait3A_1686, %dma_wait3A_1690] : memref<8x16xi32, #tpu.memory_space<vmem>> -> memref<1x16xi32, #tpu.memory_space<vmem>>
      %dma_wait3A_1692 = tpu.memref_squeeze %dma_wait3A_1691 : memref<1x16xi32, #tpu.memory_space<vmem>> -> memref<16xi32, #tpu.memory_space<vmem>>
      %dma_wait3A_1693 = arith.constant 0 : i32
      %dma_wait3A_1694 = arith.constant 0 : i32
      %dma_wait3A_1695 = tpu.memref_slice %arg6[%dma_wait3A_1693, %dma_wait3A_1694] : memref<4096x128xf32, #tpu.memory_space<hbm>> -> memref<4096x128xf32, #tpu.memory_space<hbm>>
      tpu.wait_indirect_dma semaphore(%arg18 : memref<!tpu.dma_semaphore, #tpu.memory_space<semaphore_mem>>) src(%dma_wait3A_1689 : memref<16x128xf32, #tpu.memory_space<vmem>>) dst(%dma_wait3A_1695 : memref<4096x128xf32, #tpu.memory_space<hbm>>)
    } else {
    }
    %sub3A_1666 = arith.constant 128 : i32
    %sub3A_1667 = arith.subi %sub3A_1666, %add3A_1345 : i32
    %lt3A_1668 = arith.constant 112 : i32
    %lt3A_1669 = arith.cmpi slt, %sub3A_1667, %lt3A_1668 : i32
    %convert_element_type3A_1670 = arith.extui %lt3A_1669 : i1 to i32
    %cond3A_1671 = arith.constant 0 : i32
    %cond3A_1672 = arith.cmpi ne, %convert_element_type3A_1670, %cond3A_1671 : i32
    scf.if %cond3A_1672 {
      %dma_wait3A_1686 = arith.constant 6 : i32
      %dma_wait3A_1687 = arith.constant 96 : i32
      %dma_wait3A_1688 = arith.constant 0 : i32
      %dma_wait3A_1689 = tpu.memref_slice %arg16[%dma_wait3A_1687, %dma_wait3A_1688] : memref<128x128xf32, #tpu.memory_space<vmem>> -> memref<16x128xf32, #tpu.memory_space<vmem>>
      %dma_wait3A_1690 = arith.constant 0 : i32
      %dma_wait3A_1691 = tpu.memref_slice %arg15[%dma_wait3A_1686, %dma_wait3A_1690] : memref<8x16xi32, #tpu.memory_space<vmem>> -> memref<1x16xi32, #tpu.memory_space<vmem>>
      %dma_wait3A_1692 = tpu.memref_squeeze %dma_wait3A_1691 : memref<1x16xi32, #tpu.memory_space<vmem>> -> memref<16xi32, #tpu.memory_space<vmem>>
      %dma_wait3A_1693 = arith.constant 0 : i32
      %dma_wait3A_1694 = arith.constant 0 : i32
      %dma_wait3A_1695 = tpu.memref_slice %arg6[%dma_wait3A_1693, %dma_wait3A_1694] : memref<4096x128xf32, #tpu.memory_space<hbm>> -> memref<4096x128xf32, #tpu.memory_space<hbm>>
      tpu.wait_indirect_dma semaphore(%arg18 : memref<!tpu.dma_semaphore, #tpu.memory_space<semaphore_mem>>) src(%dma_wait3A_1689 : memref<16x128xf32, #tpu.memory_space<vmem>>) dst(%dma_wait3A_1695 : memref<4096x128xf32, #tpu.memory_space<hbm>>)
    } else {
    }
    %sub3A_1673 = arith.constant 128 : i32
    %sub3A_1674 = arith.subi %sub3A_1673, %add3A_1345 : i32
    %lt3A_1675 = arith.constant 128 : i32
    %lt3A_1676 = arith.cmpi slt, %sub3A_1674, %lt3A_1675 : i32
    %convert_element_type3A_1677 = arith.extui %lt3A_1676 : i1 to i32
    %cond3A_1678 = arith.constant 0 : i32
    %cond3A_1679 = arith.cmpi ne, %convert_element_type3A_1677, %cond3A_1678 : i32
    scf.if %cond3A_1679 {
      %dma_wait3A_1686 = arith.constant 7 : i32
      %dma_wait3A_1687 = arith.constant 112 : i32
      %dma_wait3A_1688 = arith.constant 0 : i32
      %dma_wait3A_1689 = tpu.memref_slice %arg16[%dma_wait3A_1687, %dma_wait3A_1688] : memref<128x128xf32, #tpu.memory_space<vmem>> -> memref<16x128xf32, #tpu.memory_space<vmem>>
      %dma_wait3A_1690 = arith.constant 0 : i32
      %dma_wait3A_1691 = tpu.memref_slice %arg15[%dma_wait3A_1686, %dma_wait3A_1690] : memref<8x16xi32, #tpu.memory_space<vmem>> -> memref<1x16xi32, #tpu.memory_space<vmem>>
      %dma_wait3A_1692 = tpu.memref_squeeze %dma_wait3A_1691 : memref<1x16xi32, #tpu.memory_space<vmem>> -> memref<16xi32, #tpu.memory_space<vmem>>
      %dma_wait3A_1693 = arith.constant 0 : i32
      %dma_wait3A_1694 = arith.constant 0 : i32
      %dma_wait3A_1695 = tpu.memref_slice %arg6[%dma_wait3A_1693, %dma_wait3A_1694] : memref<4096x128xf32, #tpu.memory_space<hbm>> -> memref<4096x128xf32, #tpu.memory_space<hbm>>
      tpu.wait_indirect_dma semaphore(%arg18 : memref<!tpu.dma_semaphore, #tpu.memory_space<semaphore_mem>>) src(%dma_wait3A_1689 : memref<16x128xf32, #tpu.memory_space<vmem>>) dst(%dma_wait3A_1695 : memref<4096x128xf32, #tpu.memory_space<hbm>>)
    } else {
    }
    %dma_wait3A_1680 = arith.constant 0 : i32
    %dma_wait3A_1681 = tpu.memref_slice %arg7[%add3A, %dma_wait3A_1680] : memref<32x16xi32, #tpu.memory_space<hbm>> -> memref<1x16xi32, #tpu.memory_space<hbm>>
    %dma_wait3A_1682 = tpu.memref_squeeze %dma_wait3A_1681 : memref<1x16xi32, #tpu.memory_space<hbm>> -> memref<16xi32, #tpu.memory_space<hbm>>
    %dma_wait3A_1683 = arith.constant 0 : i32
    %dma_wait3A_1684 = tpu.memref_slice %arg7[%add3A, %dma_wait3A_1683] : memref<32x16xi32, #tpu.memory_space<hbm>> -> memref<1x16xi32, #tpu.memory_space<hbm>>
    %dma_wait3A_1685 = tpu.memref_squeeze %dma_wait3A_1684 : memref<1x16xi32, #tpu.memory_space<hbm>> -> memref<16xi32, #tpu.memory_space<hbm>>
    tpu.wait_dma2 semaphore(%arg18 : memref<!tpu.dma_semaphore, #tpu.memory_space<semaphore_mem>>) src(%arg17 : memref<16xi32, #tpu.memory_space<vmem>>) dst(%dma_wait3A_1685 : memref<16xi32, #tpu.memory_space<hbm>>)
    return
  }
}

module attributes {stable_mosaic.version = 14 : i64} {
  func.func @body(%arg0: memref<4096x128xf32, #tpu.memory_space<vmem>>, %arg1: memref<32x16xi32, #tpu.memory_space<vmem>>, %arg2: memref<128x512xbf16, #tpu.memory_space<vmem>>, %arg3: memref<128x512xbf16, #tpu.memory_space<vmem>>, %arg4: memref<1x512xf32, #tpu.memory_space<vmem>>, %arg5: memref<128x64xbf16, #tpu.memory_space<vmem>>, %arg6: memref<1x64xf32, #tpu.memory_space<vmem>>, %arg7: memref<32x64xf32, #tpu.memory_space<vmem>>, %arg8: memref<128x32x512xf32, #tpu.memory_space<vmem>>) attributes {dimension_semantics = [], scalar_prefetch = 0 : i64, scratch_operands = 1 : i64, tpu.core_type = #tpu.core_type<tc>} {
    %get3A = arith.constant 0 : index
    %get3A_0 = arith.constant 0 : index
    %get3A_1 = vector.load %arg1[%get3A, %get3A_0] : memref<32x16xi32, #tpu.memory_space<vmem>>, vector<32x16xi32>
    %slice3A = vector.extract_strided_slice %get3A_1 {offsets = [0, 0], sizes = [32, 1], strides = [1, 1]} : vector<32x16xi32> to vector<32x1xi32>
    %get3A_2 = arith.constant 0 : index
    %get3A_3 = arith.constant 0 : index
    %get3A_4 = vector.load %arg1[%get3A_2, %get3A_3] : memref<32x16xi32, #tpu.memory_space<vmem>>, vector<32x16xi32>
    %reduce_max3A = vector.shape_cast %get3A_4 : vector<32x16xi32> to vector<1x32x16xi32>
    %reduce_max3A_5 = arith.constant dense<-2147483648> : vector<1xi32>
    %reduce_max3A_6 = vector.multi_reduction <maxsi>, %reduce_max3A, %reduce_max3A_5 [1, 2] : vector<1x32x16xi32> to vector<1xi32>
    %reduce_max3A_7 = vector.shape_cast %reduce_max3A_6 : vector<1xi32> to vector<1x1x1xi32>
    %reduce_max3A_8 = vector.extract %reduce_max3A_7[0, 0, 0] : i32 from vector<1x1x1xi32>
    %sub3A = arith.constant 128 : i32
    %sub3A_9 = vector.broadcast %sub3A : i32 to vector<32x1xi32>
    %sub3A_10 = arith.subi %sub3A_9, %slice3A : vector<32x1xi32>
    %get3A_11 = arith.constant 0 : index
    %get3A_12 = arith.constant 0 : index
    %get3A_13 = vector.load %arg2[%get3A_11, %get3A_12] : memref<128x512xbf16, #tpu.memory_space<vmem>>, vector<128x512xbf16>
    %get3A_14 = arith.constant 0 : index
    %get3A_15 = arith.constant 0 : index
    %get3A_16 = vector.load %arg4[%get3A_14, %get3A_15] : memref<1x512xf32, #tpu.memory_space<vmem>>, vector<1x512xf32>
    %sub3A_17 = arith.constant 128 : i32
    %sub3A_18 = arith.subi %sub3A_17, %reduce_max3A_8 : i32
    %lt3A = arith.constant 8 : i32
    %lt3A_19 = arith.cmpi slt, %sub3A_18, %lt3A : i32
    %convert_element_type3A = arith.extui %lt3A_19 : i1 to i32
    %cond3A = arith.constant 0 : i32
    %cond3A_20 = arith.cmpi ne, %convert_element_type3A, %cond3A : i32
    scf.if %cond3A_20 {
      %get3A_153 = arith.constant 0 : index
      %get3A_154 = arith.constant 0 : index
      %get3A_155 = vector.load %arg0[%get3A_153, %get3A_154] : memref<4096x128xf32, #tpu.memory_space<vmem>>, vector<256x128xf32>
      %convert_element_type3A_156 = arith.truncf %get3A_155 : vector<256x128xf32> to vector<256x128xbf16>
      %dot_general3A_157 = arith.constant dense<0.000000e+00> : vector<256x512xf32>
      %dot_general3A_158 = tpu.matmul %convert_element_type3A_156, %get3A_13, %dot_general3A_157 {dimension_numbers = #tpu.dot_dimension_numbers<[1], [0], [0], [1], [0, 0, 1, 1], [], []>, transpose_lhs_hint = false} : vector<256x128xbf16>, vector<128x512xbf16>, vector<256x512xf32> -> vector<256x512xf32>
      %add3A_159 = vector.broadcast %get3A_16 : vector<1x512xf32> to vector<256x512xf32>
      %add3A_160 = arith.addf %dot_general3A_158, %add3A_159 : vector<256x512xf32>
      %reshape3A = vector.shape_cast %add3A_160 : vector<256x512xf32> to vector<8x32x512xf32>
      %swap3A_161 = arith.constant 0 : index
      %swap3A_162 = arith.constant 0 : index
      %swap3A_163 = arith.constant 0 : index
      %swap3A_164 = vector.load %arg8[%swap3A_161, %swap3A_162, %swap3A_163] : memref<128x32x512xf32, #tpu.memory_space<vmem>>, vector<8x32x512xf32>
      tpu.vector_store %arg8[%swap3A_161, %swap3A_162, %swap3A_163], %reshape3A {strides = array<i32>} : memref<128x32x512xf32, #tpu.memory_space<vmem>>, vector<8x32x512xf32>,
    } else {
    }
    %sub3A_21 = arith.constant 128 : i32
    %sub3A_22 = arith.subi %sub3A_21, %reduce_max3A_8 : i32
    %lt3A_23 = arith.constant 16 : i32
    %lt3A_24 = arith.cmpi slt, %sub3A_22, %lt3A_23 : i32
    %convert_element_type3A_25 = arith.extui %lt3A_24 : i1 to i32
    %cond3A_26 = arith.constant 0 : i32
    %cond3A_27 = arith.cmpi ne, %convert_element_type3A_25, %cond3A_26 : i32
    scf.if %cond3A_27 {
      %get3A_153 = arith.constant 256 : index
      %get3A_154 = arith.constant 0 : index
      %get3A_155 = vector.load %arg0[%get3A_153, %get3A_154] : memref<4096x128xf32, #tpu.memory_space<vmem>>, vector<256x128xf32>
      %convert_element_type3A_156 = arith.truncf %get3A_155 : vector<256x128xf32> to vector<256x128xbf16>
      %dot_general3A_157 = arith.constant dense<0.000000e+00> : vector<256x512xf32>
      %dot_general3A_158 = tpu.matmul %convert_element_type3A_156, %get3A_13, %dot_general3A_157 {dimension_numbers = #tpu.dot_dimension_numbers<[1], [0], [0], [1], [0, 0, 1, 1], [], []>, transpose_lhs_hint = false} : vector<256x128xbf16>, vector<128x512xbf16>, vector<256x512xf32> -> vector<256x512xf32>
      %add3A_159 = vector.broadcast %get3A_16 : vector<1x512xf32> to vector<256x512xf32>
      %add3A_160 = arith.addf %dot_general3A_158, %add3A_159 : vector<256x512xf32>
      %reshape3A = vector.shape_cast %add3A_160 : vector<256x512xf32> to vector<8x32x512xf32>
      %swap3A_161 = arith.constant 8 : index
      %swap3A_162 = arith.constant 0 : index
      %swap3A_163 = arith.constant 0 : index
      %swap3A_164 = vector.load %arg8[%swap3A_161, %swap3A_162, %swap3A_163] : memref<128x32x512xf32, #tpu.memory_space<vmem>>, vector<8x32x512xf32>
      tpu.vector_store %arg8[%swap3A_161, %swap3A_162, %swap3A_163], %reshape3A {strides = array<i32>} : memref<128x32x512xf32, #tpu.memory_space<vmem>>, vector<8x32x512xf32>,
    } else {
    }
    %sub3A_28 = arith.constant 128 : i32
    %sub3A_29 = arith.subi %sub3A_28, %reduce_max3A_8 : i32
    %lt3A_30 = arith.constant 24 : i32
    %lt3A_31 = arith.cmpi slt, %sub3A_29, %lt3A_30 : i32
    %convert_element_type3A_32 = arith.extui %lt3A_31 : i1 to i32
    %cond3A_33 = arith.constant 0 : i32
    %cond3A_34 = arith.cmpi ne, %convert_element_type3A_32, %cond3A_33 : i32
    scf.if %cond3A_34 {
      %get3A_153 = arith.constant 512 : index
      %get3A_154 = arith.constant 0 : index
      %get3A_155 = vector.load %arg0[%get3A_153, %get3A_154] : memref<4096x128xf32, #tpu.memory_space<vmem>>, vector<256x128xf32>
      %convert_element_type3A_156 = arith.truncf %get3A_155 : vector<256x128xf32> to vector<256x128xbf16>
      %dot_general3A_157 = arith.constant dense<0.000000e+00> : vector<256x512xf32>
      %dot_general3A_158 = tpu.matmul %convert_element_type3A_156, %get3A_13, %dot_general3A_157 {dimension_numbers = #tpu.dot_dimension_numbers<[1], [0], [0], [1], [0, 0, 1, 1], [], []>, transpose_lhs_hint = false} : vector<256x128xbf16>, vector<128x512xbf16>, vector<256x512xf32> -> vector<256x512xf32>
      %add3A_159 = vector.broadcast %get3A_16 : vector<1x512xf32> to vector<256x512xf32>
      %add3A_160 = arith.addf %dot_general3A_158, %add3A_159 : vector<256x512xf32>
      %reshape3A = vector.shape_cast %add3A_160 : vector<256x512xf32> to vector<8x32x512xf32>
      %swap3A_161 = arith.constant 16 : index
      %swap3A_162 = arith.constant 0 : index
      %swap3A_163 = arith.constant 0 : index
      %swap3A_164 = vector.load %arg8[%swap3A_161, %swap3A_162, %swap3A_163] : memref<128x32x512xf32, #tpu.memory_space<vmem>>, vector<8x32x512xf32>
      tpu.vector_store %arg8[%swap3A_161, %swap3A_162, %swap3A_163], %reshape3A {strides = array<i32>} : memref<128x32x512xf32, #tpu.memory_space<vmem>>, vector<8x32x512xf32>,
    } else {
    }
    %sub3A_35 = arith.constant 128 : i32
    %sub3A_36 = arith.subi %sub3A_35, %reduce_max3A_8 : i32
    %lt3A_37 = arith.constant 32 : i32
    %lt3A_38 = arith.cmpi slt, %sub3A_36, %lt3A_37 : i32
    %convert_element_type3A_39 = arith.extui %lt3A_38 : i1 to i32
    %cond3A_40 = arith.constant 0 : i32
    %cond3A_41 = arith.cmpi ne, %convert_element_type3A_39, %cond3A_40 : i32
    scf.if %cond3A_41 {
      %get3A_153 = arith.constant 768 : index
      %get3A_154 = arith.constant 0 : index
      %get3A_155 = vector.load %arg0[%get3A_153, %get3A_154] : memref<4096x128xf32, #tpu.memory_space<vmem>>, vector<256x128xf32>
      %convert_element_type3A_156 = arith.truncf %get3A_155 : vector<256x128xf32> to vector<256x128xbf16>
      %dot_general3A_157 = arith.constant dense<0.000000e+00> : vector<256x512xf32>
      %dot_general3A_158 = tpu.matmul %convert_element_type3A_156, %get3A_13, %dot_general3A_157 {dimension_numbers = #tpu.dot_dimension_numbers<[1], [0], [0], [1], [0, 0, 1, 1], [], []>, transpose_lhs_hint = false} : vector<256x128xbf16>, vector<128x512xbf16>, vector<256x512xf32> -> vector<256x512xf32>
      %add3A_159 = vector.broadcast %get3A_16 : vector<1x512xf32> to vector<256x512xf32>
      %add3A_160 = arith.addf %dot_general3A_158, %add3A_159 : vector<256x512xf32>
      %reshape3A = vector.shape_cast %add3A_160 : vector<256x512xf32> to vector<8x32x512xf32>
      %swap3A_161 = arith.constant 24 : index
      %swap3A_162 = arith.constant 0 : index
      %swap3A_163 = arith.constant 0 : index
      %swap3A_164 = vector.load %arg8[%swap3A_161, %swap3A_162, %swap3A_163] : memref<128x32x512xf32, #tpu.memory_space<vmem>>, vector<8x32x512xf32>
      tpu.vector_store %arg8[%swap3A_161, %swap3A_162, %swap3A_163], %reshape3A {strides = array<i32>} : memref<128x32x512xf32, #tpu.memory_space<vmem>>, vector<8x32x512xf32>,
    } else {
    }
    %sub3A_42 = arith.constant 128 : i32
    %sub3A_43 = arith.subi %sub3A_42, %reduce_max3A_8 : i32
    %lt3A_44 = arith.constant 40 : i32
    %lt3A_45 = arith.cmpi slt, %sub3A_43, %lt3A_44 : i32
    %convert_element_type3A_46 = arith.extui %lt3A_45 : i1 to i32
    %cond3A_47 = arith.constant 0 : i32
    %cond3A_48 = arith.cmpi ne, %convert_element_type3A_46, %cond3A_47 : i32
    scf.if %cond3A_48 {
      %get3A_153 = arith.constant 1024 : index
      %get3A_154 = arith.constant 0 : index
      %get3A_155 = vector.load %arg0[%get3A_153, %get3A_154] : memref<4096x128xf32, #tpu.memory_space<vmem>>, vector<256x128xf32>
      %convert_element_type3A_156 = arith.truncf %get3A_155 : vector<256x128xf32> to vector<256x128xbf16>
      %dot_general3A_157 = arith.constant dense<0.000000e+00> : vector<256x512xf32>
      %dot_general3A_158 = tpu.matmul %convert_element_type3A_156, %get3A_13, %dot_general3A_157 {dimension_numbers = #tpu.dot_dimension_numbers<[1], [0], [0], [1], [0, 0, 1, 1], [], []>, transpose_lhs_hint = false} : vector<256x128xbf16>, vector<128x512xbf16>, vector<256x512xf32> -> vector<256x512xf32>
      %add3A_159 = vector.broadcast %get3A_16 : vector<1x512xf32> to vector<256x512xf32>
      %add3A_160 = arith.addf %dot_general3A_158, %add3A_159 : vector<256x512xf32>
      %reshape3A = vector.shape_cast %add3A_160 : vector<256x512xf32> to vector<8x32x512xf32>
      %swap3A_161 = arith.constant 32 : index
      %swap3A_162 = arith.constant 0 : index
      %swap3A_163 = arith.constant 0 : index
      %swap3A_164 = vector.load %arg8[%swap3A_161, %swap3A_162, %swap3A_163] : memref<128x32x512xf32, #tpu.memory_space<vmem>>, vector<8x32x512xf32>
      tpu.vector_store %arg8[%swap3A_161, %swap3A_162, %swap3A_163], %reshape3A {strides = array<i32>} : memref<128x32x512xf32, #tpu.memory_space<vmem>>, vector<8x32x512xf32>,
    } else {
    }
    %sub3A_49 = arith.constant 128 : i32
    %sub3A_50 = arith.subi %sub3A_49, %reduce_max3A_8 : i32
    %lt3A_51 = arith.constant 48 : i32
    %lt3A_52 = arith.cmpi slt, %sub3A_50, %lt3A_51 : i32
    %convert_element_type3A_53 = arith.extui %lt3A_52 : i1 to i32
    %cond3A_54 = arith.constant 0 : i32
    %cond3A_55 = arith.cmpi ne, %convert_element_type3A_53, %cond3A_54 : i32
    scf.if %cond3A_55 {
      %get3A_153 = arith.constant 1280 : index
      %get3A_154 = arith.constant 0 : index
      %get3A_155 = vector.load %arg0[%get3A_153, %get3A_154] : memref<4096x128xf32, #tpu.memory_space<vmem>>, vector<256x128xf32>
      %convert_element_type3A_156 = arith.truncf %get3A_155 : vector<256x128xf32> to vector<256x128xbf16>
      %dot_general3A_157 = arith.constant dense<0.000000e+00> : vector<256x512xf32>
      %dot_general3A_158 = tpu.matmul %convert_element_type3A_156, %get3A_13, %dot_general3A_157 {dimension_numbers = #tpu.dot_dimension_numbers<[1], [0], [0], [1], [0, 0, 1, 1], [], []>, transpose_lhs_hint = false} : vector<256x128xbf16>, vector<128x512xbf16>, vector<256x512xf32> -> vector<256x512xf32>
      %add3A_159 = vector.broadcast %get3A_16 : vector<1x512xf32> to vector<256x512xf32>
      %add3A_160 = arith.addf %dot_general3A_158, %add3A_159 : vector<256x512xf32>
      %reshape3A = vector.shape_cast %add3A_160 : vector<256x512xf32> to vector<8x32x512xf32>
      %swap3A_161 = arith.constant 40 : index
      %swap3A_162 = arith.constant 0 : index
      %swap3A_163 = arith.constant 0 : index
      %swap3A_164 = vector.load %arg8[%swap3A_161, %swap3A_162, %swap3A_163] : memref<128x32x512xf32, #tpu.memory_space<vmem>>, vector<8x32x512xf32>
      tpu.vector_store %arg8[%swap3A_161, %swap3A_162, %swap3A_163], %reshape3A {strides = array<i32>} : memref<128x32x512xf32, #tpu.memory_space<vmem>>, vector<8x32x512xf32>,
    } else {
    }
    %sub3A_56 = arith.constant 128 : i32
    %sub3A_57 = arith.subi %sub3A_56, %reduce_max3A_8 : i32
    %lt3A_58 = arith.constant 56 : i32
    %lt3A_59 = arith.cmpi slt, %sub3A_57, %lt3A_58 : i32
    %convert_element_type3A_60 = arith.extui %lt3A_59 : i1 to i32
    %cond3A_61 = arith.constant 0 : i32
    %cond3A_62 = arith.cmpi ne, %convert_element_type3A_60, %cond3A_61 : i32
    scf.if %cond3A_62 {
      %get3A_153 = arith.constant 1536 : index
      %get3A_154 = arith.constant 0 : index
      %get3A_155 = vector.load %arg0[%get3A_153, %get3A_154] : memref<4096x128xf32, #tpu.memory_space<vmem>>, vector<256x128xf32>
      %convert_element_type3A_156 = arith.truncf %get3A_155 : vector<256x128xf32> to vector<256x128xbf16>
      %dot_general3A_157 = arith.constant dense<0.000000e+00> : vector<256x512xf32>
      %dot_general3A_158 = tpu.matmul %convert_element_type3A_156, %get3A_13, %dot_general3A_157 {dimension_numbers = #tpu.dot_dimension_numbers<[1], [0], [0], [1], [0, 0, 1, 1], [], []>, transpose_lhs_hint = false} : vector<256x128xbf16>, vector<128x512xbf16>, vector<256x512xf32> -> vector<256x512xf32>
      %add3A_159 = vector.broadcast %get3A_16 : vector<1x512xf32> to vector<256x512xf32>
      %add3A_160 = arith.addf %dot_general3A_158, %add3A_159 : vector<256x512xf32>
      %reshape3A = vector.shape_cast %add3A_160 : vector<256x512xf32> to vector<8x32x512xf32>
      %swap3A_161 = arith.constant 48 : index
      %swap3A_162 = arith.constant 0 : index
      %swap3A_163 = arith.constant 0 : index
      %swap3A_164 = vector.load %arg8[%swap3A_161, %swap3A_162, %swap3A_163] : memref<128x32x512xf32, #tpu.memory_space<vmem>>, vector<8x32x512xf32>
      tpu.vector_store %arg8[%swap3A_161, %swap3A_162, %swap3A_163], %reshape3A {strides = array<i32>} : memref<128x32x512xf32, #tpu.memory_space<vmem>>, vector<8x32x512xf32>,
    } else {
    }
    %sub3A_63 = arith.constant 128 : i32
    %sub3A_64 = arith.subi %sub3A_63, %reduce_max3A_8 : i32
    %lt3A_65 = arith.constant 64 : i32
    %lt3A_66 = arith.cmpi slt, %sub3A_64, %lt3A_65 : i32
    %convert_element_type3A_67 = arith.extui %lt3A_66 : i1 to i32
    %cond3A_68 = arith.constant 0 : i32
    %cond3A_69 = arith.cmpi ne, %convert_element_type3A_67, %cond3A_68 : i32
    scf.if %cond3A_69 {
      %get3A_153 = arith.constant 1792 : index
      %get3A_154 = arith.constant 0 : index
      %get3A_155 = vector.load %arg0[%get3A_153, %get3A_154] : memref<4096x128xf32, #tpu.memory_space<vmem>>, vector<256x128xf32>
      %convert_element_type3A_156 = arith.truncf %get3A_155 : vector<256x128xf32> to vector<256x128xbf16>
      %dot_general3A_157 = arith.constant dense<0.000000e+00> : vector<256x512xf32>
      %dot_general3A_158 = tpu.matmul %convert_element_type3A_156, %get3A_13, %dot_general3A_157 {dimension_numbers = #tpu.dot_dimension_numbers<[1], [0], [0], [1], [0, 0, 1, 1], [], []>, transpose_lhs_hint = false} : vector<256x128xbf16>, vector<128x512xbf16>, vector<256x512xf32> -> vector<256x512xf32>
      %add3A_159 = vector.broadcast %get3A_16 : vector<1x512xf32> to vector<256x512xf32>
      %add3A_160 = arith.addf %dot_general3A_158, %add3A_159 : vector<256x512xf32>
      %reshape3A = vector.shape_cast %add3A_160 : vector<256x512xf32> to vector<8x32x512xf32>
      %swap3A_161 = arith.constant 56 : index
      %swap3A_162 = arith.constant 0 : index
      %swap3A_163 = arith.constant 0 : index
      %swap3A_164 = vector.load %arg8[%swap3A_161, %swap3A_162, %swap3A_163] : memref<128x32x512xf32, #tpu.memory_space<vmem>>, vector<8x32x512xf32>
      tpu.vector_store %arg8[%swap3A_161, %swap3A_162, %swap3A_163], %reshape3A {strides = array<i32>} : memref<128x32x512xf32, #tpu.memory_space<vmem>>, vector<8x32x512xf32>,
    } else {
    }
    %sub3A_70 = arith.constant 128 : i32
    %sub3A_71 = arith.subi %sub3A_70, %reduce_max3A_8 : i32
    %lt3A_72 = arith.constant 72 : i32
    %lt3A_73 = arith.cmpi slt, %sub3A_71, %lt3A_72 : i32
    %convert_element_type3A_74 = arith.extui %lt3A_73 : i1 to i32
    %cond3A_75 = arith.constant 0 : i32
    %cond3A_76 = arith.cmpi ne, %convert_element_type3A_74, %cond3A_75 : i32
    scf.if %cond3A_76 {
      %get3A_153 = arith.constant 2048 : index
      %get3A_154 = arith.constant 0 : index
      %get3A_155 = vector.load %arg0[%get3A_153, %get3A_154] : memref<4096x128xf32, #tpu.memory_space<vmem>>, vector<256x128xf32>
      %convert_element_type3A_156 = arith.truncf %get3A_155 : vector<256x128xf32> to vector<256x128xbf16>
      %dot_general3A_157 = arith.constant dense<0.000000e+00> : vector<256x512xf32>
      %dot_general3A_158 = tpu.matmul %convert_element_type3A_156, %get3A_13, %dot_general3A_157 {dimension_numbers = #tpu.dot_dimension_numbers<[1], [0], [0], [1], [0, 0, 1, 1], [], []>, transpose_lhs_hint = false} : vector<256x128xbf16>, vector<128x512xbf16>, vector<256x512xf32> -> vector<256x512xf32>
      %add3A_159 = vector.broadcast %get3A_16 : vector<1x512xf32> to vector<256x512xf32>
      %add3A_160 = arith.addf %dot_general3A_158, %add3A_159 : vector<256x512xf32>
      %reshape3A = vector.shape_cast %add3A_160 : vector<256x512xf32> to vector<8x32x512xf32>
      %swap3A_161 = arith.constant 64 : index
      %swap3A_162 = arith.constant 0 : index
      %swap3A_163 = arith.constant 0 : index
      %swap3A_164 = vector.load %arg8[%swap3A_161, %swap3A_162, %swap3A_163] : memref<128x32x512xf32, #tpu.memory_space<vmem>>, vector<8x32x512xf32>
      tpu.vector_store %arg8[%swap3A_161, %swap3A_162, %swap3A_163], %reshape3A {strides = array<i32>} : memref<128x32x512xf32, #tpu.memory_space<vmem>>, vector<8x32x512xf32>,
    } else {
    }
    %sub3A_77 = arith.constant 128 : i32
    %sub3A_78 = arith.subi %sub3A_77, %reduce_max3A_8 : i32
    %lt3A_79 = arith.constant 80 : i32
    %lt3A_80 = arith.cmpi slt, %sub3A_78, %lt3A_79 : i32
    %convert_element_type3A_81 = arith.extui %lt3A_80 : i1 to i32
    %cond3A_82 = arith.constant 0 : i32
    %cond3A_83 = arith.cmpi ne, %convert_element_type3A_81, %cond3A_82 : i32
    scf.if %cond3A_83 {
      %get3A_153 = arith.constant 2304 : index
      %get3A_154 = arith.constant 0 : index
      %get3A_155 = vector.load %arg0[%get3A_153, %get3A_154] : memref<4096x128xf32, #tpu.memory_space<vmem>>, vector<256x128xf32>
      %convert_element_type3A_156 = arith.truncf %get3A_155 : vector<256x128xf32> to vector<256x128xbf16>
      %dot_general3A_157 = arith.constant dense<0.000000e+00> : vector<256x512xf32>
      %dot_general3A_158 = tpu.matmul %convert_element_type3A_156, %get3A_13, %dot_general3A_157 {dimension_numbers = #tpu.dot_dimension_numbers<[1], [0], [0], [1], [0, 0, 1, 1], [], []>, transpose_lhs_hint = false} : vector<256x128xbf16>, vector<128x512xbf16>, vector<256x512xf32> -> vector<256x512xf32>
      %add3A_159 = vector.broadcast %get3A_16 : vector<1x512xf32> to vector<256x512xf32>
      %add3A_160 = arith.addf %dot_general3A_158, %add3A_159 : vector<256x512xf32>
      %reshape3A = vector.shape_cast %add3A_160 : vector<256x512xf32> to vector<8x32x512xf32>
      %swap3A_161 = arith.constant 72 : index
      %swap3A_162 = arith.constant 0 : index
      %swap3A_163 = arith.constant 0 : index
      %swap3A_164 = vector.load %arg8[%swap3A_161, %swap3A_162, %swap3A_163] : memref<128x32x512xf32, #tpu.memory_space<vmem>>, vector<8x32x512xf32>
      tpu.vector_store %arg8[%swap3A_161, %swap3A_162, %swap3A_163], %reshape3A {strides = array<i32>} : memref<128x32x512xf32, #tpu.memory_space<vmem>>, vector<8x32x512xf32>,
    } else {
    }
    %sub3A_84 = arith.constant 128 : i32
    %sub3A_85 = arith.subi %sub3A_84, %reduce_max3A_8 : i32
    %lt3A_86 = arith.constant 88 : i32
    %lt3A_87 = arith.cmpi slt, %sub3A_85, %lt3A_86 : i32
    %convert_element_type3A_88 = arith.extui %lt3A_87 : i1 to i32
    %cond3A_89 = arith.constant 0 : i32
    %cond3A_90 = arith.cmpi ne, %convert_element_type3A_88, %cond3A_89 : i32
    scf.if %cond3A_90 {
      %get3A_153 = arith.constant 2560 : index
      %get3A_154 = arith.constant 0 : index
      %get3A_155 = vector.load %arg0[%get3A_153, %get3A_154] : memref<4096x128xf32, #tpu.memory_space<vmem>>, vector<256x128xf32>
      %convert_element_type3A_156 = arith.truncf %get3A_155 : vector<256x128xf32> to vector<256x128xbf16>
      %dot_general3A_157 = arith.constant dense<0.000000e+00> : vector<256x512xf32>
      %dot_general3A_158 = tpu.matmul %convert_element_type3A_156, %get3A_13, %dot_general3A_157 {dimension_numbers = #tpu.dot_dimension_numbers<[1], [0], [0], [1], [0, 0, 1, 1], [], []>, transpose_lhs_hint = false} : vector<256x128xbf16>, vector<128x512xbf16>, vector<256x512xf32> -> vector<256x512xf32>
      %add3A_159 = vector.broadcast %get3A_16 : vector<1x512xf32> to vector<256x512xf32>
      %add3A_160 = arith.addf %dot_general3A_158, %add3A_159 : vector<256x512xf32>
      %reshape3A = vector.shape_cast %add3A_160 : vector<256x512xf32> to vector<8x32x512xf32>
      %swap3A_161 = arith.constant 80 : index
      %swap3A_162 = arith.constant 0 : index
      %swap3A_163 = arith.constant 0 : index
      %swap3A_164 = vector.load %arg8[%swap3A_161, %swap3A_162, %swap3A_163] : memref<128x32x512xf32, #tpu.memory_space<vmem>>, vector<8x32x512xf32>
      tpu.vector_store %arg8[%swap3A_161, %swap3A_162, %swap3A_163], %reshape3A {strides = array<i32>} : memref<128x32x512xf32, #tpu.memory_space<vmem>>, vector<8x32x512xf32>,
    } else {
    }
    %sub3A_91 = arith.constant 128 : i32
    %sub3A_92 = arith.subi %sub3A_91, %reduce_max3A_8 : i32
    %lt3A_93 = arith.constant 96 : i32
    %lt3A_94 = arith.cmpi slt, %sub3A_92, %lt3A_93 : i32
    %convert_element_type3A_95 = arith.extui %lt3A_94 : i1 to i32
    %cond3A_96 = arith.constant 0 : i32
    %cond3A_97 = arith.cmpi ne, %convert_element_type3A_95, %cond3A_96 : i32
    scf.if %cond3A_97 {
      %get3A_153 = arith.constant 2816 : index
      %get3A_154 = arith.constant 0 : index
      %get3A_155 = vector.load %arg0[%get3A_153, %get3A_154] : memref<4096x128xf32, #tpu.memory_space<vmem>>, vector<256x128xf32>
      %convert_element_type3A_156 = arith.truncf %get3A_155 : vector<256x128xf32> to vector<256x128xbf16>
      %dot_general3A_157 = arith.constant dense<0.000000e+00> : vector<256x512xf32>
      %dot_general3A_158 = tpu.matmul %convert_element_type3A_156, %get3A_13, %dot_general3A_157 {dimension_numbers = #tpu.dot_dimension_numbers<[1], [0], [0], [1], [0, 0, 1, 1], [], []>, transpose_lhs_hint = false} : vector<256x128xbf16>, vector<128x512xbf16>, vector<256x512xf32> -> vector<256x512xf32>
      %add3A_159 = vector.broadcast %get3A_16 : vector<1x512xf32> to vector<256x512xf32>
      %add3A_160 = arith.addf %dot_general3A_158, %add3A_159 : vector<256x512xf32>
      %reshape3A = vector.shape_cast %add3A_160 : vector<256x512xf32> to vector<8x32x512xf32>
      %swap3A_161 = arith.constant 88 : index
      %swap3A_162 = arith.constant 0 : index
      %swap3A_163 = arith.constant 0 : index
      %swap3A_164 = vector.load %arg8[%swap3A_161, %swap3A_162, %swap3A_163] : memref<128x32x512xf32, #tpu.memory_space<vmem>>, vector<8x32x512xf32>
      tpu.vector_store %arg8[%swap3A_161, %swap3A_162, %swap3A_163], %reshape3A {strides = array<i32>} : memref<128x32x512xf32, #tpu.memory_space<vmem>>, vector<8x32x512xf32>,
    } else {
    }
    %sub3A_98 = arith.constant 128 : i32
    %sub3A_99 = arith.subi %sub3A_98, %reduce_max3A_8 : i32
    %lt3A_100 = arith.constant 104 : i32
    %lt3A_101 = arith.cmpi slt, %sub3A_99, %lt3A_100 : i32
    %convert_element_type3A_102 = arith.extui %lt3A_101 : i1 to i32
    %cond3A_103 = arith.constant 0 : i32
    %cond3A_104 = arith.cmpi ne, %convert_element_type3A_102, %cond3A_103 : i32
    scf.if %cond3A_104 {
      %get3A_153 = arith.constant 3072 : index
      %get3A_154 = arith.constant 0 : index
      %get3A_155 = vector.load %arg0[%get3A_153, %get3A_154] : memref<4096x128xf32, #tpu.memory_space<vmem>>, vector<256x128xf32>
      %convert_element_type3A_156 = arith.truncf %get3A_155 : vector<256x128xf32> to vector<256x128xbf16>
      %dot_general3A_157 = arith.constant dense<0.000000e+00> : vector<256x512xf32>
      %dot_general3A_158 = tpu.matmul %convert_element_type3A_156, %get3A_13, %dot_general3A_157 {dimension_numbers = #tpu.dot_dimension_numbers<[1], [0], [0], [1], [0, 0, 1, 1], [], []>, transpose_lhs_hint = false} : vector<256x128xbf16>, vector<128x512xbf16>, vector<256x512xf32> -> vector<256x512xf32>
      %add3A_159 = vector.broadcast %get3A_16 : vector<1x512xf32> to vector<256x512xf32>
      %add3A_160 = arith.addf %dot_general3A_158, %add3A_159 : vector<256x512xf32>
      %reshape3A = vector.shape_cast %add3A_160 : vector<256x512xf32> to vector<8x32x512xf32>
      %swap3A_161 = arith.constant 96 : index
      %swap3A_162 = arith.constant 0 : index
      %swap3A_163 = arith.constant 0 : index
      %swap3A_164 = vector.load %arg8[%swap3A_161, %swap3A_162, %swap3A_163] : memref<128x32x512xf32, #tpu.memory_space<vmem>>, vector<8x32x512xf32>
      tpu.vector_store %arg8[%swap3A_161, %swap3A_162, %swap3A_163], %reshape3A {strides = array<i32>} : memref<128x32x512xf32, #tpu.memory_space<vmem>>, vector<8x32x512xf32>,
    } else {
    }
    %sub3A_105 = arith.constant 128 : i32
    %sub3A_106 = arith.subi %sub3A_105, %reduce_max3A_8 : i32
    %lt3A_107 = arith.constant 112 : i32
    %lt3A_108 = arith.cmpi slt, %sub3A_106, %lt3A_107 : i32
    %convert_element_type3A_109 = arith.extui %lt3A_108 : i1 to i32
    %cond3A_110 = arith.constant 0 : i32
    %cond3A_111 = arith.cmpi ne, %convert_element_type3A_109, %cond3A_110 : i32
    scf.if %cond3A_111 {
      %get3A_153 = arith.constant 3328 : index
      %get3A_154 = arith.constant 0 : index
      %get3A_155 = vector.load %arg0[%get3A_153, %get3A_154] : memref<4096x128xf32, #tpu.memory_space<vmem>>, vector<256x128xf32>
      %convert_element_type3A_156 = arith.truncf %get3A_155 : vector<256x128xf32> to vector<256x128xbf16>
      %dot_general3A_157 = arith.constant dense<0.000000e+00> : vector<256x512xf32>
      %dot_general3A_158 = tpu.matmul %convert_element_type3A_156, %get3A_13, %dot_general3A_157 {dimension_numbers = #tpu.dot_dimension_numbers<[1], [0], [0], [1], [0, 0, 1, 1], [], []>, transpose_lhs_hint = false} : vector<256x128xbf16>, vector<128x512xbf16>, vector<256x512xf32> -> vector<256x512xf32>
      %add3A_159 = vector.broadcast %get3A_16 : vector<1x512xf32> to vector<256x512xf32>
      %add3A_160 = arith.addf %dot_general3A_158, %add3A_159 : vector<256x512xf32>
      %reshape3A = vector.shape_cast %add3A_160 : vector<256x512xf32> to vector<8x32x512xf32>
      %swap3A_161 = arith.constant 104 : index
      %swap3A_162 = arith.constant 0 : index
      %swap3A_163 = arith.constant 0 : index
      %swap3A_164 = vector.load %arg8[%swap3A_161, %swap3A_162, %swap3A_163] : memref<128x32x512xf32, #tpu.memory_space<vmem>>, vector<8x32x512xf32>
      tpu.vector_store %arg8[%swap3A_161, %swap3A_162, %swap3A_163], %reshape3A {strides = array<i32>} : memref<128x32x512xf32, #tpu.memory_space<vmem>>, vector<8x32x512xf32>,
    } else {
    }
    %sub3A_112 = arith.constant 128 : i32
    %sub3A_113 = arith.subi %sub3A_112, %reduce_max3A_8 : i32
    %lt3A_114 = arith.constant 120 : i32
    %lt3A_115 = arith.cmpi slt, %sub3A_113, %lt3A_114 : i32
    %convert_element_type3A_116 = arith.extui %lt3A_115 : i1 to i32
    %cond3A_117 = arith.constant 0 : i32
    %cond3A_118 = arith.cmpi ne, %convert_element_type3A_116, %cond3A_117 : i32
    scf.if %cond3A_118 {
      %get3A_153 = arith.constant 3584 : index
      %get3A_154 = arith.constant 0 : index
      %get3A_155 = vector.load %arg0[%get3A_153, %get3A_154] : memref<4096x128xf32, #tpu.memory_space<vmem>>, vector<256x128xf32>
      %convert_element_type3A_156 = arith.truncf %get3A_155 : vector<256x128xf32> to vector<256x128xbf16>
      %dot_general3A_157 = arith.constant dense<0.000000e+00> : vector<256x512xf32>
      %dot_general3A_158 = tpu.matmul %convert_element_type3A_156, %get3A_13, %dot_general3A_157 {dimension_numbers = #tpu.dot_dimension_numbers<[1], [0], [0], [1], [0, 0, 1, 1], [], []>, transpose_lhs_hint = false} : vector<256x128xbf16>, vector<128x512xbf16>, vector<256x512xf32> -> vector<256x512xf32>
      %add3A_159 = vector.broadcast %get3A_16 : vector<1x512xf32> to vector<256x512xf32>
      %add3A_160 = arith.addf %dot_general3A_158, %add3A_159 : vector<256x512xf32>
      %reshape3A = vector.shape_cast %add3A_160 : vector<256x512xf32> to vector<8x32x512xf32>
      %swap3A_161 = arith.constant 112 : index
      %swap3A_162 = arith.constant 0 : index
      %swap3A_163 = arith.constant 0 : index
      %swap3A_164 = vector.load %arg8[%swap3A_161, %swap3A_162, %swap3A_163] : memref<128x32x512xf32, #tpu.memory_space<vmem>>, vector<8x32x512xf32>
      tpu.vector_store %arg8[%swap3A_161, %swap3A_162, %swap3A_163], %reshape3A {strides = array<i32>} : memref<128x32x512xf32, #tpu.memory_space<vmem>>, vector<8x32x512xf32>,
    } else {
    }
    %sub3A_119 = arith.constant 128 : i32
    %sub3A_120 = arith.subi %sub3A_119, %reduce_max3A_8 : i32
    %lt3A_121 = arith.constant 128 : i32
    %lt3A_122 = arith.cmpi slt, %sub3A_120, %lt3A_121 : i32
    %convert_element_type3A_123 = arith.extui %lt3A_122 : i1 to i32
    %cond3A_124 = arith.constant 0 : i32
    %cond3A_125 = arith.cmpi ne, %convert_element_type3A_123, %cond3A_124 : i32
    scf.if %cond3A_125 {
      %get3A_153 = arith.constant 3840 : index
      %get3A_154 = arith.constant 0 : index
      %get3A_155 = vector.load %arg0[%get3A_153, %get3A_154] : memref<4096x128xf32, #tpu.memory_space<vmem>>, vector<256x128xf32>
      %convert_element_type3A_156 = arith.truncf %get3A_155 : vector<256x128xf32> to vector<256x128xbf16>
      %dot_general3A_157 = arith.constant dense<0.000000e+00> : vector<256x512xf32>
      %dot_general3A_158 = tpu.matmul %convert_element_type3A_156, %get3A_13, %dot_general3A_157 {dimension_numbers = #tpu.dot_dimension_numbers<[1], [0], [0], [1], [0, 0, 1, 1], [], []>, transpose_lhs_hint = false} : vector<256x128xbf16>, vector<128x512xbf16>, vector<256x512xf32> -> vector<256x512xf32>
      %add3A_159 = vector.broadcast %get3A_16 : vector<1x512xf32> to vector<256x512xf32>
      %add3A_160 = arith.addf %dot_general3A_158, %add3A_159 : vector<256x512xf32>
      %reshape3A = vector.shape_cast %add3A_160 : vector<256x512xf32> to vector<8x32x512xf32>
      %swap3A_161 = arith.constant 120 : index
      %swap3A_162 = arith.constant 0 : index
      %swap3A_163 = arith.constant 0 : index
      %swap3A_164 = vector.load %arg8[%swap3A_161, %swap3A_162, %swap3A_163] : memref<128x32x512xf32, #tpu.memory_space<vmem>>, vector<8x32x512xf32>
      tpu.vector_store %arg8[%swap3A_161, %swap3A_162, %swap3A_163], %reshape3A {strides = array<i32>} : memref<128x32x512xf32, #tpu.memory_space<vmem>>, vector<8x32x512xf32>,
    } else {
    }
    %get3A_126 = arith.constant 0 : index
    %get3A_127 = arith.constant 0 : index
    %get3A_128 = vector.load %arg3[%get3A_126, %get3A_127] : memref<128x512xbf16, #tpu.memory_space<vmem>>, vector<128x512xbf16>
    %broadcast_in_dim3A = arith.constant 0.000000e+00 : f32
    %broadcast_in_dim3A_129 = vector.broadcast %broadcast_in_dim3A : f32 to vector<32x128xf32>
    %sub3A_130 = arith.constant 128 : i32
    %sub3A_131 = arith.subi %sub3A_130, %reduce_max3A_8 : i32
    %while3A = arith.constant 128 : i32
    %while3A_132 = arith.subi %while3A, %sub3A_131 : i32
    %while3A_133 = arith.addi %sub3A_131, %while3A_132 : i32
    %while3A_134 = arith.constant 1 : i32
    %while3A_135 = arith.divsi %while3A_132, %while3A_134 : i32
    %while3A_136 = arith.muli %while3A_135, %while3A_134 : i32
    %while3A_137 = arith.addi %sub3A_131, %while3A_136 : i32
    %while3A_138 = arith.constant 1 : i32
    %while3A_139:2 = scf.for %while3A_153 = %sub3A_131 to %while3A_137 step %while3A_138 iter_args(%while3A_154 = %broadcast_in_dim3A_129, %while3A_155 = %broadcast_in_dim3A_129) -> (vector<32x128xf32>, vector<32x128xf32>)  : i32 {
      %get3A_156 = arith.index_cast %while3A_153 : i32 to index
      %get3A_157 = arith.constant 0 : index
      %get3A_158 = arith.constant 0 : index
      %get3A_159 = vector.load %arg8[%get3A_156, %get3A_157, %get3A_158] : memref<128x32x512xf32, #tpu.memory_space<vmem>>, vector<1x32x512xf32>
      %get3A_160 = vector.shape_cast %get3A_159 : vector<1x32x512xf32> to vector<32x512xf32>
      %convert_element_type3A_161 = arith.truncf %while3A_154 : vector<32x128xf32> to vector<32x128xbf16>
      %dot_general3A_162 = arith.constant dense<0.000000e+00> : vector<32x512xf32>
      %dot_general3A_163 = tpu.matmul %convert_element_type3A_161, %get3A_128, %dot_general3A_162 {dimension_numbers = #tpu.dot_dimension_numbers<[1], [0], [0], [1], [0, 0, 1, 1], [], []>, transpose_lhs_hint = false} : vector<32x128xbf16>, vector<128x512xbf16>, vector<32x512xf32> -> vector<32x512xf32>
      %add3A_164 = arith.addf %get3A_160, %dot_general3A_163 : vector<32x512xf32>
      %slice3A_165 = vector.extract_strided_slice %add3A_164 {offsets = [0, 0], sizes = [32, 128], strides = [1, 1]} : vector<32x512xf32> to vector<32x128xf32>
      %logistic3A = arith.negf %slice3A_165 : vector<32x128xf32>
      %logistic3A_166 = math.exp %logistic3A : vector<32x128xf32>
      %logistic3A_167 = arith.constant 1.000000e+00 : f32
      %logistic3A_168 = vector.broadcast %logistic3A_167 : f32 to vector<32x128xf32>
      %logistic3A_169 = arith.addf %logistic3A_168, %logistic3A_166 : vector<32x128xf32>
      %logistic3A_170 = arith.divf %logistic3A_168, %logistic3A_169 : vector<32x128xf32>
      %slice3A_171 = vector.extract_strided_slice %add3A_164 {offsets = [0, 128], sizes = [32, 128], strides = [1, 1]} : vector<32x512xf32> to vector<32x128xf32>
      %logistic3A_172 = arith.negf %slice3A_171 : vector<32x128xf32>
      %logistic3A_173 = math.exp %logistic3A_172 : vector<32x128xf32>
      %logistic3A_174 = arith.constant 1.000000e+00 : f32
      %logistic3A_175 = vector.broadcast %logistic3A_174 : f32 to vector<32x128xf32>
      %logistic3A_176 = arith.addf %logistic3A_175, %logistic3A_173 : vector<32x128xf32>
      %logistic3A_177 = arith.divf %logistic3A_175, %logistic3A_176 : vector<32x128xf32>
      %slice3A_178 = vector.extract_strided_slice %add3A_164 {offsets = [0, 256], sizes = [32, 128], strides = [1, 1]} : vector<32x512xf32> to vector<32x128xf32>
      %tanh3A = math.tanh %slice3A_178 : vector<32x128xf32>
      %slice3A_179 = vector.extract_strided_slice %add3A_164 {offsets = [0, 384], sizes = [32, 128], strides = [1, 1]} : vector<32x512xf32> to vector<32x128xf32>
      %logistic3A_180 = arith.negf %slice3A_179 : vector<32x128xf32>
      %logistic3A_181 = math.exp %logistic3A_180 : vector<32x128xf32>
      %logistic3A_182 = arith.constant 1.000000e+00 : f32
      %logistic3A_183 = vector.broadcast %logistic3A_182 : f32 to vector<32x128xf32>
      %logistic3A_184 = arith.addf %logistic3A_183, %logistic3A_181 : vector<32x128xf32>
      %logistic3A_185 = arith.divf %logistic3A_183, %logistic3A_184 : vector<32x128xf32>
      %mul3A = arith.mulf %logistic3A_177, %while3A_155 : vector<32x128xf32>
      %mul3A_186 = arith.mulf %logistic3A_170, %tanh3A : vector<32x128xf32>
      %add3A_187 = arith.addf %mul3A, %mul3A_186 : vector<32x128xf32>
      %tanh3A_188 = math.tanh %add3A_187 : vector<32x128xf32>
      %mul3A_189 = arith.mulf %logistic3A_185, %tanh3A_188 : vector<32x128xf32>
      %ge3A = vector.broadcast %while3A_153 : i32 to vector<32x1xi32>
      %ge3A_190 = arith.cmpi sge, %ge3A, %sub3A_10 : vector<32x1xi32>
      %jit3A = arith.constant 0.000000e+00 : f32
      %broadcast_in_dim3A_191 = vector.shape_cast %ge3A_190 : vector<32x1xi1> to vector<32x1xi1>
      %broadcast_in_dim3A_192 = vector.broadcast %broadcast_in_dim3A_191 : vector<32x1xi1> to vector<32x128xi1>
      %broadcast_in_dim3A_193 = vector.broadcast %jit3A : f32 to vector<32x128xf32>
      %select_n3A = arith.select %broadcast_in_dim3A_192, %mul3A_189, %broadcast_in_dim3A_193 : vector<32x128xi1>, vector<32x128xf32>
      %jit3A_194 = arith.constant 0.000000e+00 : f32
      %broadcast_in_dim3A_195 = vector.shape_cast %ge3A_190 : vector<32x1xi1> to vector<32x1xi1>
      %broadcast_in_dim3A_196 = vector.broadcast %broadcast_in_dim3A_195 : vector<32x1xi1> to vector<32x128xi1>
      %broadcast_in_dim3A_197 = vector.broadcast %jit3A_194 : f32 to vector<32x128xf32>
      %select_n3A_198 = arith.select %broadcast_in_dim3A_196, %add3A_187, %broadcast_in_dim3A_197 : vector<32x128xi1>, vector<32x128xf32>
      scf.yield %select_n3A, %select_n3A_198 : vector<32x128xf32>, vector<32x128xf32>
    }
    %while3A_140 = arith.constant 1 : i32
    %while3A_141:2 = scf.for %while3A_153 = %while3A_137 to %while3A_133 step %while3A_140 iter_args(%while3A_154 = %while3A_139#0, %while3A_155 = %while3A_139#1) -> (vector<32x128xf32>, vector<32x128xf32>)  : i32 {
      %get3A_156 = arith.index_cast %while3A_153 : i32 to index
      %get3A_157 = arith.constant 0 : index
      %get3A_158 = arith.constant 0 : index
      %get3A_159 = vector.load %arg8[%get3A_156, %get3A_157, %get3A_158] : memref<128x32x512xf32, #tpu.memory_space<vmem>>, vector<1x32x512xf32>
      %get3A_160 = vector.shape_cast %get3A_159 : vector<1x32x512xf32> to vector<32x512xf32>
      %convert_element_type3A_161 = arith.truncf %while3A_154 : vector<32x128xf32> to vector<32x128xbf16>
      %dot_general3A_162 = arith.constant dense<0.000000e+00> : vector<32x512xf32>
      %dot_general3A_163 = tpu.matmul %convert_element_type3A_161, %get3A_128, %dot_general3A_162 {dimension_numbers = #tpu.dot_dimension_numbers<[1], [0], [0], [1], [0, 0, 1, 1], [], []>, transpose_lhs_hint = false} : vector<32x128xbf16>, vector<128x512xbf16>, vector<32x512xf32> -> vector<32x512xf32>
      %add3A_164 = arith.addf %get3A_160, %dot_general3A_163 : vector<32x512xf32>
      %slice3A_165 = vector.extract_strided_slice %add3A_164 {offsets = [0, 0], sizes = [32, 128], strides = [1, 1]} : vector<32x512xf32> to vector<32x128xf32>
      %logistic3A = arith.negf %slice3A_165 : vector<32x128xf32>
      %logistic3A_166 = math.exp %logistic3A : vector<32x128xf32>
      %logistic3A_167 = arith.constant 1.000000e+00 : f32
      %logistic3A_168 = vector.broadcast %logistic3A_167 : f32 to vector<32x128xf32>
      %logistic3A_169 = arith.addf %logistic3A_168, %logistic3A_166 : vector<32x128xf32>
      %logistic3A_170 = arith.divf %logistic3A_168, %logistic3A_169 : vector<32x128xf32>
      %slice3A_171 = vector.extract_strided_slice %add3A_164 {offsets = [0, 128], sizes = [32, 128], strides = [1, 1]} : vector<32x512xf32> to vector<32x128xf32>
      %logistic3A_172 = arith.negf %slice3A_171 : vector<32x128xf32>
      %logistic3A_173 = math.exp %logistic3A_172 : vector<32x128xf32>
      %logistic3A_174 = arith.constant 1.000000e+00 : f32
      %logistic3A_175 = vector.broadcast %logistic3A_174 : f32 to vector<32x128xf32>
      %logistic3A_176 = arith.addf %logistic3A_175, %logistic3A_173 : vector<32x128xf32>
      %logistic3A_177 = arith.divf %logistic3A_175, %logistic3A_176 : vector<32x128xf32>
      %slice3A_178 = vector.extract_strided_slice %add3A_164 {offsets = [0, 256], sizes = [32, 128], strides = [1, 1]} : vector<32x512xf32> to vector<32x128xf32>
      %tanh3A = math.tanh %slice3A_178 : vector<32x128xf32>
      %slice3A_179 = vector.extract_strided_slice %add3A_164 {offsets = [0, 384], sizes = [32, 128], strides = [1, 1]} : vector<32x512xf32> to vector<32x128xf32>
      %logistic3A_180 = arith.negf %slice3A_179 : vector<32x128xf32>
      %logistic3A_181 = math.exp %logistic3A_180 : vector<32x128xf32>
      %logistic3A_182 = arith.constant 1.000000e+00 : f32
      %logistic3A_183 = vector.broadcast %logistic3A_182 : f32 to vector<32x128xf32>
      %logistic3A_184 = arith.addf %logistic3A_183, %logistic3A_181 : vector<32x128xf32>
      %logistic3A_185 = arith.divf %logistic3A_183, %logistic3A_184 : vector<32x128xf32>
      %mul3A = arith.mulf %logistic3A_177, %while3A_155 : vector<32x128xf32>
      %mul3A_186 = arith.mulf %logistic3A_170, %tanh3A : vector<32x128xf32>
      %add3A_187 = arith.addf %mul3A, %mul3A_186 : vector<32x128xf32>
      %tanh3A_188 = math.tanh %add3A_187 : vector<32x128xf32>
      %mul3A_189 = arith.mulf %logistic3A_185, %tanh3A_188 : vector<32x128xf32>
      %ge3A = vector.broadcast %while3A_153 : i32 to vector<32x1xi32>
      %ge3A_190 = arith.cmpi sge, %ge3A, %sub3A_10 : vector<32x1xi32>
      %jit3A = arith.constant 0.000000e+00 : f32
      %broadcast_in_dim3A_191 = vector.shape_cast %ge3A_190 : vector<32x1xi1> to vector<32x1xi1>
      %broadcast_in_dim3A_192 = vector.broadcast %broadcast_in_dim3A_191 : vector<32x1xi1> to vector<32x128xi1>
      %broadcast_in_dim3A_193 = vector.broadcast %jit3A : f32 to vector<32x128xf32>
      %select_n3A = arith.select %broadcast_in_dim3A_192, %mul3A_189, %broadcast_in_dim3A_193 : vector<32x128xi1>, vector<32x128xf32>
      %jit3A_194 = arith.constant 0.000000e+00 : f32
      %broadcast_in_dim3A_195 = vector.shape_cast %ge3A_190 : vector<32x1xi1> to vector<32x1xi1>
      %broadcast_in_dim3A_196 = vector.broadcast %broadcast_in_dim3A_195 : vector<32x1xi1> to vector<32x128xi1>
      %broadcast_in_dim3A_197 = vector.broadcast %jit3A_194 : f32 to vector<32x128xf32>
      %select_n3A_198 = arith.select %broadcast_in_dim3A_196, %add3A_187, %broadcast_in_dim3A_197 : vector<32x128xi1>, vector<32x128xf32>
      scf.yield %select_n3A, %select_n3A_198 : vector<32x128xf32>, vector<32x128xf32>
    }
    %convert_element_type3A_142 = arith.truncf %while3A_141#0 : vector<32x128xf32> to vector<32x128xbf16>
    %get3A_143 = arith.constant 0 : index
    %get3A_144 = arith.constant 0 : index
    %get3A_145 = vector.load %arg5[%get3A_143, %get3A_144] : memref<128x64xbf16, #tpu.memory_space<vmem>>, vector<128x64xbf16>
    %dot_general3A = arith.constant dense<0.000000e+00> : vector<32x64xf32>
    %dot_general3A_146 = tpu.matmul %convert_element_type3A_142, %get3A_145, %dot_general3A {dimension_numbers = #tpu.dot_dimension_numbers<[1], [0], [0], [1], [0, 0, 1, 1], [], []>, transpose_lhs_hint = false} : vector<32x128xbf16>, vector<128x64xbf16>, vector<32x64xf32> -> vector<32x64xf32>
    %get3A_147 = arith.constant 0 : index
    %get3A_148 = arith.constant 0 : index
    %get3A_149 = vector.load %arg6[%get3A_147, %get3A_148] : memref<1x64xf32, #tpu.memory_space<vmem>>, vector<1x64xf32>
    %add3A = vector.broadcast %get3A_149 : vector<1x64xf32> to vector<32x64xf32>
    %add3A_150 = arith.addf %dot_general3A_146, %add3A : vector<32x64xf32>
    %swap3A = arith.constant 0 : index
    %swap3A_151 = arith.constant 0 : index
    %swap3A_152 = vector.load %arg7[%swap3A, %swap3A_151] : memref<32x64xf32, #tpu.memory_space<vmem>>, vector<32x64xf32>
    tpu.vector_store %arg7[%swap3A, %swap3A_151], %add3A_150 {strides = array<i32>} : memref<32x64xf32, #tpu.memory_space<vmem>>, vector<32x64xf32>,
    return
  }
}

</mosaic_0001>

<sc_bundles>
// kernel: kernel.4.cloned.1.call-start
scs
__scs_entry_jumppad:
0x0: {  	(pc) =	sbr.rel $0x88, $3  }
0x1: {  	(tag) =	ssettag $0x0;
	lr =	simm.s32 $0x1  }
0x2: {  	[smem:$0x3F97] =	sst lr;
	_ =	strace $0xD0000000  }
0x3: {  	_ = 	snop  }
0x4: {  	_ = 	snop  }
0x5: {  	_ = 	snop  }
0x6: {  	_ = 	snop  }
0x7: {  	_ = 	snop  }
__scs_overlays_trampoline_lowered:
0x8: {  	[smem:$0x3FA6] =	sst s0  }
0x9: {  	[smem:$0x3FA7] =	sst s1  }
0xa: {  	[smem:$0x3FA8] =	sst s2  }
0xb: {  	[smem:$0x3FA9] =	sst s3  }
0xc: {  	[smem:$0x3FAA] =	sst s4  }
0xd: {  	[smem:$0x3FAB] =	sst s5  }
0xe: {  	[smem:$0x3FAC] =	sst s6  }
0xf: {  	[smem:$0x3FAD] =	sst s7  }
0x10: {  	[smem:$0x3FAE] =	sst s8  }
0x11: {  	[smem:$0x3FAF] =	sst s9;
	s0 =	simm.s32 @!p0 $0x0  }
0x12: {  	s1 =	sld [smem:$0x3F95];
	s0 =	simm.s32 @p0 $0x1  }
0x13: {  	[smem:$0x3FB0] =	sst s0;
	s0 =	simm.s32 @!p1 $0x0  }
0x14: {  	s2 =	sld [smem:$0x3F94];
	s0 =	simm.s32 @p1 $0x1  }
0x15: {  	[smem:$0x3FB1] =	sst s0;
	s0 =	simm.s32 @!p2 $0x0  }
0x16: {  	s3 =	sld [smem:$0x3FDB];
	s0 =	simm.s32 @p2 $0x1  }
0x17: {  	s4 =	simm.s32 $0x1BF5;
	[smem:$0x3FB3] =	sst s0  }
0x18: {  	s0 =	sld [smem:$0x3F96];
	_ =	swait.ge [sflag:s4], $0x0  }
0x19: {  	s7 =	sld [smem:$0x3F97]  }
0x1a: {  	s8 =	sadd.s32 $0xFFFFE003, lr  }
0x1b: {  	s9 =	sadd.s32 $0xFFFFFEF7, lr;
	s5 =	simm.s32 $0xFFFFFFFF;
	p2 =	slt.u32 s8, $0xFFFFF086  }
0x1c: {  	p1 =	slt.u32 s9, $0xF7A;
	s5 =	simm.s32 @!p2 $0x0  }
0x1d: {  	s5 =	simm.s32 @p1 $0x1;
	p0 =	seq.s32 s7, s2  }
0x1e: {  	s7 =	smul.u32 @!p0 $0xF7A, s2;
	p2 =	seq.s32 @!p0 s5, $0x0  }
0x1f: {  	s9 =	smul.u32 $0xF7A, s1;
	s8 =	simm.s32 @!p0 $0x1BF5;
	p2 =	por !p2, p0  }
0x20: {  	[sflag:s8] =	ssyncset.s32 @!p0 $0xFFFFF086;
	s6 =	sadd.s32 @!p0 s3, s7;
	s7 =	simm.s32 @!p0 $0x108  }
0x21: {  	s3 =	sadd.s32 s3, s9;
	s6 =	sadd.s32 @!p0 $0x88, s6;
	s7 =	simm.s32 @p2 $0x1082  }
0x22: {  	[simem:s7], [sflag:s8] =	dma.local @!p0 [hbm:s6], $0xF7A  }
0x23: {  	s9 =	sor.u32 $0xD0000000, s2;
	s6 =	simm.s32 $0x108;
	_ =	swait.ge @!p0 [sflag:s8], $0x0  }
0x24: {  	s3 =	sadd.s32 $0x88, s3;
	s6 =	simm.s32 @!p1 $0x1082;
	[sflag:s4] =	ssyncset.s32 $0xFFFFF086  }
0x25: {  	[simem:s6], [sflag:s4] =	dma.local [hbm:s3], $0xF7A  }
0x26: {  	[smem:$0x3F97] =	sst s1;
	(tag) =	ssettag s2;
	_ =	strace s9  }
0x27: {  	s1 =	sld [smem:$0x3FA7]  }
0x28: {  	s2 =	sld [smem:$0x3FA8]  }
0x29: {  	s4 =	sld [smem:$0x3FAA]  }
0x2a: {  	p0 =	seq.s32 s5, $0x0;
	s5 =	sld [smem:$0x3FAB]  }
0x2b: {  	s6 =	sld [smem:$0x3FAC]  }
0x2c: {  	s7 =	sld [smem:$0x3FAD]  }
0x2d: {  	s3 =	simm.s32 $0x108;
	s8 =	sld [smem:$0x3FAE]  }
0x2e: {  	s3 =	simm.s32 @!p0 $0x1082;
	s9 =	sld [smem:$0x3FAF]  }
0x2f: {  	lr =	sadd.s32 s0, s3;
	s0 =	sld [smem:$0x3FA6]  }
0x30: {  	s3 =	sld [smem:$0x3FA9]  }
0x31: {  	[smem:$0x3FB2] =	sst s10  }
0x32: {  	s10 =	sld [smem:$0x3FB0];
	_ =	sdelay $0x3  }
0x33: {  	p0 =	seq.s32 s10, $0x1;
	s10 =	sld [smem:$0x3FB2];
	_ =	sdelay $0x3  }
0x34: {  	[smem:$0x3FB2] =	sst s10  }
0x35: {  	s10 =	sld [smem:$0x3FB1];
	_ =	sdelay $0x3  }
0x36: {  	p1 =	seq.s32 s10, $0x1;
	s10 =	sld [smem:$0x3FB2];
	_ =	sdelay $0x3  }
0x37: {  	[smem:$0x3FB2] =	sst s10  }
0x38: {  	s10 =	sld [smem:$0x3FB3]  }
0x39: {  	_ = 	snop;
	(pc) =	sbr.ind lr, $3  }
0x3a: {  	_ = 	snop  }
0x3b: {  	_ = 	snop  }
0x3c: {  	p2 =	seq.s32 s10, $0x1;
	s10 =	sld [smem:$0x3FB2]  }
0x3d: {  	_ =	shalt  }
0x3e: {  	_ =	shalt  }
0x3f: {  	_ =	shalt  }
0x40: {  	_ =	shalt  }
0x41: {  	_ =	shalt  }
0x42: {  	_ =	shalt  }
0x43: {  	_ =	shalt  }
0x44: {  	_ =	shalt  }
0x45: {  	_ =	shalt  }
0x46: {  	_ =	shalt  }
0x47: {  	_ =	shalt  }
0x48: {  	_ =	shalt  }
0x49: {  	_ =	shalt  }
0x4a: {  	_ =	shalt  }
0x4b: {  	_ =	shalt  }
0x4c: {  	_ =	shalt  }
0x4d: {  	_ =	shalt  }
0x4e: {  	_ =	shalt  }
0x4f: {  	_ =	shalt  }
0x50: {  	_ =	shalt  }
0x51: {  	_ =	shalt  }
0x52: {  	_ =	shalt  }
0x53: {  	_ =	shalt  }
0x54: {  	_ =	shalt  }
0x55: {  	_ =	shalt  }
0x56: {  	_ =	shalt  }
0x57: {  	_ =	shalt  }
0x58: {  	_ =	shalt  }
0x59: {  	_ =	shalt  }
0x5a: {  	_ =	shalt  }
0x5b: {  	_ =	shalt  }
0x5c: {  	_ =	shalt  }
0x5d: {  	_ =	shalt  }
0x5e: {  	_ =	shalt  }
0x5f: {  	_ =	shalt  }
0x60: {  	_ =	shalt  }
0x61: {  	_ =	shalt  }
0x62: {  	_ =	shalt  }
0x63: {  	_ =	shalt  }
0x64: {  	_ =	shalt  }
0x65: {  	_ =	shalt  }
0x66: {  	_ =	shalt  }
0x67: {  	_ =	shalt  }
0x68: {  	_ =	shalt  }
0x69: {  	_ =	shalt  }
0x6a: {  	_ =	shalt  }
0x6b: {  	_ =	shalt  }
0x6c: {  	_ =	shalt  }
0x6d: {  	_ =	shalt  }
0x6e: {  	_ =	shalt  }
0x6f: {  	_ =	shalt  }
0x70: {  	_ =	shalt  }
0x71: {  	_ =	shalt  }
0x72: {  	_ =	shalt  }
0x73: {  	_ =	shalt  }
0x74: {  	_ =	shalt  }
0x75: {  	_ =	shalt  }
0x76: {  	_ =	shalt  }
0x77: {  	_ =	shalt  }
0x78: {  	_ =	shalt  }
0x79: {  	_ =	shalt  }
0x7a: {  	_ =	shalt  }
0x7b: {  	_ =	shalt  }
0x7c: {  	_ =	shalt  }
0x7d: {  	_ =	shalt  }
0x7e: {  	_ =	shalt  }
0x7f: {  	_ =	shalt  }
0x80: {  	_ =	shalt  }
0x81: {  	_ =	shalt  }
0x82: {  	_ =	shalt  }
0x83: {  	_ =	shalt  }
0x84: {  	_ =	shalt  }
0x85: {  	_ =	shalt  }
0x86: {  	_ =	shalt  }
0x87: {  	_ =	shalt  }
.Lfunc_end0:
.L_simem_size_0:
called_computation_lowered:
.L_overlay_start_0:
0x88: {  	s2 =	sld [smem:$0x3FD9]  }
0x89: {  	s3 =	sld [smem:$0x3FFE];
	_ =	sdelay $0x1  }
0x8a: {  	s1 =	srdreg.scid  }
0x8b: {  	s0 =	sand.u32 $0x1, s1  }
0x8c: {  	s17 =	sshll.u32 s0, $0xA;
	s2 =	sadd.s32 s3, s2  }
0x8d: {  	s2 =	sadd.s32 s2, s17  }
0x8e: {  	[smem:$0x3FBE] =	sst s2  }
0x8f: {  	_ = 	snop  }
0x90: {  	s2 =	sld [smem:$0x3FC9]  }
0x91: {  	s18 =	sld [smem:$0x3FC2]  }
0x92: {  	s4 =	sld [smem:$0x3FC0]  }
0x93: {  	s5 =	sld [smem:$0x3FD0];
	(tm) =	ssettm $0x1  }
0x94: {  	s6 =	sld [smem:$0x3FFB];
	_ =	sdelay $0x3  }
0x95: {  	_ =	strace s6  }
0x96: {  	s6 =	sld [smem:$0x3FFC];
	_ =	sdelay $0x3  }
0x97: {  	_ =	strace s6  }
0x98: {  	s6 =	sld [smem:$0x3FFD];
	_ =	sdelay $0x3  }
0x99: {  	_ =	strace s6  }
0x9a: {  	_ =	strace $0x8FFFFFFF  }
0x9b: {  	s19 =	sld [smem:$0x3FDB];
	_ =	sdelay $0x1  }
0x9c: {  	s7 =	simm.s32 $_scs_section_size  }
0x9d: {  	s8 =	simm.s32 $_size__tile_overlayer_lowered;
	s9 =	simm.s32 $_tile_overlayer_lowered  }
0x9e: {  	s22 =	simm.s32 $0x1BFF;
	s21 =	sshll.u32 s9, $0x1;
	s6 =	sadd.s32 s7, s19  }
0x9f: {  	s10 =	simm.s32 $0x0;
	s20 =	sshll.u32 s8, $0x1;
	s8 =	sadd.s32 s21, s6  }
0xa0: {  	[timem:s10], [sflag:s22] =	dma.local [hbm:s8], s20  }
0xa1: {  	_ =	swait.ge [sflag:s22], s20  }
0xa2: {  	s7 =	ssub.s32 $0x0, s20;
	[sflag:s22] =	ssyncset.done $0x0  }
0xa3: {  	[sflag:s22] =	ssyncadd.s32 s7;
	_ =	sdelay $0x1  }
0xa4: {  	s23 =	simm.s32 $0x1B8B  }
0xa5: {  	_ =	swait.ge [sflag:s23], $0x1  }
0xa6: {  	[sflag:s23] =	ssyncset.done $0x0  }
0xa7: {  	s25 =	simm.s32 $0x1B8E;
	s24 =	sld [smem:$0x3FFE];
	[sflag:s23] =	ssyncadd.s32 $0xFFFFFFFF  }
0xa8: {  	s26 =	simm.s32 $execute0_lowered;
	[smem:$0x3FD2] =	sst s25  }
0xa9: {  	s8 =	sshll.u32 s26, $0x1;
	_ =	strace $0x80000046;
	[dreg:$0x1] =	wrdreg $0xFFFFFFFF  }
0xaa: {  	s28 =	simm.s32 $_size_execute0_lowered;
	s6 =	sadd.s32 s6, s8;
	[dreg:$0x0] =	wrdreg $0x0  }
0xab: {  	s8 =	sshll.u32 s28, $0x1;
	[dreg:$0x2] =	wrdreg s6  }
0xac: {  	[dreg:$0x3] =	wrdreg s8  }
0xad: {  	[dreg:$0x4] =	wrdreg $0xC0  }
0xae: {  	_ =	task [dreg:s10], $0x5FFFF  }
0xaf: {  	[dreg:$0x1] =	wrdreg $0xFFFFFFFF  }
0xb0: {  	[dreg:$0x0] =	wrdreg $0x60  }
0xb1: {  	[dreg:$0x2] =	wrdreg s18  }
0xb2: {  	[dreg:$0x3] =	wrdreg s4  }
0xb3: {  	[dreg:$0x4] =	wrdreg s24  }
0xb4: {  	[dreg:$0x5] =	wrdreg s2  }
0xb5: {  	[dreg:$0x6] =	wrdreg s5  }
0xb6: {  	[dreg:$0x7] =	wrdreg $0x9  }
0xb7: {  	_ =	task.clear_ibuf [dreg:s10], $0x8FFFF;
	_ =	strace $0x90000046  }
0xb8: {  	s29 =	simm.s32 $0x9;
	_ =	strace $0x80000048  }
0xb9: {  	_ =	swait.ge [sflag:s29], $0x1  }
0xba: {  	[sflag:s29] =	ssyncadd.s32 $0xFFFFFFFF  }
0xbb: {  	_ =	strace $0x90000048  }
0xbc: {  	_ =	sfence  }
0xbd: {  	s30 =	sld [smem:$0x0];
	_ =	sdelay $0x2  }
0xbe: {  	s31 =	sshll.u32 s1, $0xD;
	s1 =	sshrl.u32 s1, $0x2  }
0xbf: {  	s3 =	sand.u32 $0x4000, s31;
	s1 =	sadd.s32 s1, s30  }
0xc0: {  	s0 =	sor.u32 s3, s0;
	s1 =	sshll.u32 s1, $0x11  }
0xc1: {  	s0 =	sor.u32 s1, s0  }
0xc2: {  	s0 =	sadd.s32 $0x8F2B, s0  }
0xc3: {  	[sflag:s0] =	ssyncadd.remote.s32 $0x1  }
0xc4: {  	_ =	sfence.sel $0xFFFF  }
0xc5: {  	[dreg:$0x0] =	wrdreg $0xFFFFFFFF;
	(pc) =	sbr.abs _section_cstart, $3  }
0xc6: {  	[dreg:$0x1] =	wrdreg $0xFFFFFFFF  }
0xc7: {  	_ =	task.clear_ibuf [dreg:s10], $0x2FFFF;
	_ =	strace $0x9FFFFFFF  }
0xc8: {  	(tm) =	ssettm $0x7FFFFFFF  }
0xc9: {  	_ =	shalt  }
tec
execute0_lowered:
.L_overlay_start_1:
0x0: {  	(tag) =	ssettag $0x1  }
0x1: {  	s0 =	rddreg [dreg:$0x0]  }
0x2: {  	s2 =	rddreg [dreg:$0x1];
	v8 =	vlaneseq.u32  }
0x3: {  	s5 =	rddreg [dreg:$0x2];
	vm0 =	vcmask $0xB08;
	vm1 =	vcmask $0x300;
	vm2 =	vcmask $0x1710  }
0x4: {  	s3 =	srdreg.scid;
	s6 =	stileid.u32;
	vm3 =	vcmask $0x700;
	vm4 =	vcmask $0x2F20;
	vm5 =	vcmask $0xF00  }
0x5: {  	s1 =	rddreg [dreg:$0x3];
	s4 =	sand.u32 $0x1, s3;
	s6 =	sshll.u32 s6, $0x1;
	v6 =	vmul.u32 $0x20, v8;
	vm0 =	vmor vm1, vm0;
	vm1 =	vcmask $0x1310  }
0x6: {  	s9 =	rddreg [dreg:$0x4];
	s13 =	simm.s32 $0x1;
	v8 =	vmul.u32 $0xFFFFFFFF, v8;
	s12 =	sor.u32 s4, s6;
	vm0 =	vmor vm0, vm1;
	vm1 =	vcmask $0x1B18  }
0x7: {  	s14 =	simm.s32 $0x180;
	s15 =	simm.s32 $0x200;
	s16 =	simm.s32 $0x4780;
	v0 =	vor.u32 s12, v6;
	v1 =	vor.u32 $0x200, v6;
	v2 =	vor.u32 $0x400, v6  }
0x8: {  	s17 =	simm.s32 $0x10;
	s19 =	simm.s32 $0x780;
	s21 =	simm.s32 $0xF80;
	v3 =	vor.u32 $0x600, v6;
	v4 =	vor.u32 $0x800, v6;
	v5 =	vor.u32 $0xA00, v6  }
0x9: {  	s23 =	simm.s32 $0x1780;
	s25 =	simm.s32 $0x1F80;
	s28 =	simm.s32 $0x2780;
	v7 =	vor.u32 $0xC00, v6;
	vm0 =	vmor vm0, vm1;
	vm1 =	vcmask $0x2320  }
0xa: {  	s29 =	simm.s32 $0x350;
	s30 =	simm.s32 $0x2F80;
	s31 =	simm.s32 $0x360;
	v9 =	vor.u32 $0xE00, v6;
	v8 =	vadd.s32 $0xF, v8;
	v1 =	vor.u32 s12, v1  }
0xb: {  	s18 =	simm.s32 $0x3F80;
	s20 =	simm.s32 $0x600;
	s3 =	simm.s32 $0x0;
	v2 =	vor.u32 s12, v2;
	v3 =	vor.u32 s12, v3;
	v4 =	vor.u32 s12, v4  }
0xc: {  	s22 =	simm.s32 $0x680;
	s24 =	simm.s32 $0x700;
	[smem:$0x7FF] =	sst s3;
	v5 =	vor.u32 s12, v5;
	vm0 =	vmor vm0, vm1;
	vm1 =	vcmask $0x2B28  }
0xd: {  	s26 =	ssub.s32 $0x2, s4;
	s4 =	sadd.s32 $0x1800, s5;
	s5 =	sadd.s32 $0x1A00, s5;
	v6 =	vor.u32 s12, v7;
	vm0 =	vmor vm0, vm1;
	vm1 =	vcmask $0x3330  }
0xe: {  	_ =	strace $0x80000047;
	s7 =	sshrl.u32 s26, $0x1;
	s11 =	sshll.u32 s12, $0x4;
	v7 =	vor.u32 s12, v9;
	v9 =	vimm.s32 $0x0;
	vm0 =	vmor vm0, vm1  }
0xf: {  	s8 =	sshll.u32 s12, $0x1;
	s10 =	ssub.s32 s26, s7;
	s6 =	sadd.s32 s2, s11;
	vm1 =	vmor vm3, vm2;
	vm2 =	vcmask $0x2720;
	vm3 =	vcmask $0x3B38  }
0x10: {  	s7 =	sadd.s32 s0, s11;
	s9 =	sadd.s32 s9, s11;
	s11 =	simm.s32 $0x80;
	vm1 =	vmor vm1, vm2;
	vm2 =	vcmask $0x3730;
	vm0 =	vmor vm0, vm3  }
0x11: {  	s2 =	simm.s32 $0x3780;
	s0 =	simm.s32 $0x370;
	s10 =	smax.u32 s10, $0x1;
	vm3 =	vmmov $0xff;
	vm1 =	vmor vm1, vm2;
	vm2 =	vmor vm5, vm4  }
.LBB2_1:
0x12: {  	[tilespmem:s3], [sflag:$0x1] =	stream.linear.gather [hbm4b:s6+s3], $0x80, $0x38;
	[tilespmem:$0x4800] =	vst v63  }
0x13: {  	_ = 	snop  }
0x14: {  	[tilespmem:s11], [sflag:$0x1] =	stream.linear.gather [hbm4b:s7+s3], $0x80, $0x38;
	[tilespmem:$0x4800] =	vst v63  }
0x15: {  	s12 =	simm.s32 $0x100  }
0x16: {  	[tilespmem:s12], [sflag:$0x1] =	stream.linear.gather [hbm4b:s4+s3], $0x40, $0x38;
	[tilespmem:$0x4800] =	vst v63  }
0x17: {  	_ =	swait.ge [sflag:s13], $0x80  }
0x18: {  	[sflag:s13] =	ssyncset.done $0x0  }
0x19: {  	[sflag:s13] =	ssyncadd.s32 $0xFFFFFF80  }
0x1a: {  	_ =	swait.ge [sflag:s13], $0x80  }
0x1b: {  	[sflag:s13] =	ssyncset.done $0x0  }
0x1c: {  	[sflag:s13] =	ssyncadd.s32 $0xFFFFFF80  }
0x1d: {  	_ =	swait.ge [sflag:s13], $0x40  }
0x1e: {  	[sflag:s13] =	ssyncset.done $0x0  }
0x1f: {  	[sflag:s13] =	ssyncadd.s32 $0xFFFFFFC0  }
0x20: {  	v10 =	vld [tilespmem:s8+$0x101];
	_ =	sdelay $0x4  }
0x21: {  	(v2sf) =	vpush v10, $0x0;
	_ =	sdelay $0xe  }
0x22: {  	s26 =	spop (v2sf)  }
0x23: {  	s12 =	sadd.s32 $0xFFFFFFFF, s26  }
0x24: {  	v10 =	vmov s12  }
0x25: {  	[tilespmem:$0x280] =	vst v10  }
0x26: {  	[tilespmem:$0x290] =	vst v10  }
0x27: {  	[tilespmem:$0x2A0] =	vst v10  }
0x28: {  	[tilespmem:$0x2B0] =	vst v10  }
0x29: {  	[tilespmem:$0x2C0] =	vst v10  }
0x2a: {  	[tilespmem:$0x2D0] =	vst v10  }
0x2b: {  	[tilespmem:$0x2E0] =	vst v10  }
0x2c: {  	[tilespmem:$0x2F0] =	vst v10  }
0x2d: {  	v11 =	vld.idx.msk [tilespmem:v10+s3+$0x0], $0xffff;
	_ =	sdelay $0x4  }
0x2e: {  	v11 =	vsel vm0, s12, v11  }
0x2f: {  	[tilespmem:$0x280] =	vst v11  }
0x30: {  	v11 =	vld.idx.msk [tilespmem:v10+s3+$0x0], $0xffff;
	_ =	sdelay $0x4  }
0x31: {  	v11 =	vsel vm0, s12, v11  }
0x32: {  	[tilespmem:$0x290] =	vst v11  }
0x33: {  	v11 =	vld.idx.msk [tilespmem:v10+s3+$0x0], $0xffff;
	_ =	sdelay $0x4  }
0x34: {  	v11 =	vsel vm0, s12, v11  }
0x35: {  	[tilespmem:$0x2A0] =	vst v11  }
0x36: {  	v11 =	vld.idx.msk [tilespmem:v10+s3+$0x0], $0xffff;
	_ =	sdelay $0x4  }
0x37: {  	v11 =	vsel vm0, s12, v11  }
0x38: {  	[tilespmem:$0x2B0] =	vst v11  }
0x39: {  	v11 =	vld.idx.msk [tilespmem:v10+s3+$0x0], $0xffff;
	_ =	sdelay $0x4  }
0x3a: {  	v11 =	vsel vm0, s12, v11  }
0x3b: {  	[tilespmem:$0x2C0] =	vst v11  }
0x3c: {  	v11 =	vld.idx.msk [tilespmem:v10+s3+$0x0], $0xffff;
	_ =	sdelay $0x4  }
0x3d: {  	v11 =	vsel vm0, s12, v11  }
0x3e: {  	[tilespmem:$0x2D0] =	vst v11  }
0x3f: {  	v11 =	vld.idx.msk [tilespmem:v10+s3+$0x0], $0xffff;
	_ =	sdelay $0x4  }
0x40: {  	v11 =	vsel vm0, s12, v11  }
0x41: {  	[tilespmem:$0x2E0] =	vst v11;
	v11 =	vld [tilespmem:$0x0]  }
0x42: {  	v10 =	vld.idx.msk [tilespmem:v10+s3+$0x0], $0xffff;
	_ =	sdelay $0x4  }
0x43: {  	v12 =	vld [tilespmem:$0x10];
	v10 =	vsel vm0, s12, v10  }
0x44: {  	[tilespmem:$0x2F0] =	vst v10  }
0x45: {  	v10 =	vld.idx.msk [tilespmem:v11+s3+$0x0], $0xffff;
	_ =	sdelay $0x3  }
0x46: {  	v11 =	vld [tilespmem:$0x20]  }
0x47: {  	[tilespmem:$0x180] =	vst v10  }
0x48: {  	v10 =	vld.idx.msk [tilespmem:v12+s3+$0x0], $0xffff;
	_ =	sdelay $0x3  }
0x49: {  	v50 =	vld [tilespmem:$0x30]  }
0x4a: {  	[tilespmem:$0x190] =	vst v10  }
0x4b: {  	v10 =	vld.idx.msk [tilespmem:v11+s3+$0x0], $0xffff;
	_ =	sdelay $0x3  }
0x4c: {  	v11 =	vld [tilespmem:$0x40]  }
0x4d: {  	[tilespmem:$0x1A0] =	vst v10  }
0x4e: {  	v10 =	vld.idx.msk [tilespmem:v50+s3+$0x0], $0xffff;
	_ =	sdelay $0x3  }
0x4f: {  	v51 =	vld [tilespmem:$0x50]  }
0x50: {  	[tilespmem:$0x1B0] =	vst v10  }
0x51: {  	v10 =	vld.idx.msk [tilespmem:v11+s3+$0x0], $0xffff;
	_ =	sdelay $0x3  }
0x52: {  	v11 =	vld [tilespmem:$0x60]  }
0x53: {  	[tilespmem:$0x1C0] =	vst v10  }
0x54: {  	v10 =	vld.idx.msk [tilespmem:v51+s3+$0x0], $0xffff;
	_ =	sdelay $0x3  }
0x55: {  	v52 =	vld [tilespmem:$0x70]  }
0x56: {  	[tilespmem:$0x1D0] =	vst v10  }
0x57: {  	v10 =	vld.idx.msk [tilespmem:v11+s3+$0x0], $0xffff;
	_ =	sdelay $0x3  }
0x58: {  	v11 =	vld [tilespmem:$0x280]  }
0x59: {  	[tilespmem:$0x1E0] =	vst v10  }
0x5a: {  	v10 =	vld.idx.msk [tilespmem:v52+s3+$0x0], $0xffff;
	_ =	sdelay $0x4  }
0x5b: {  	[tilespmem:$0x1F0] =	vst v10;
	v10 =	vld [tilespmem:$0x290]  }
0x5c: {  	v53 =	vld.idx.msk [tilespmem:v11+s14+$0x0], $0xffff;
	_ =	sdelay $0x4  }
0x5d: {  	v11 =	vsel vm1, v11, v53  }
0x5e: {  	[tilespmem:$0x280] =	vst v11;
	v11 =	vld [tilespmem:$0x2A0]  }
0x5f: {  	v54 =	vld.idx.msk [tilespmem:v10+s14+$0x0], $0xffff;
	_ =	sdelay $0x4  }
0x60: {  	v10 =	vsel vm1, v10, v54  }
0x61: {  	[tilespmem:$0x290] =	vst v10;
	v10 =	vld [tilespmem:$0x2B0]  }
0x62: {  	v55 =	vld.idx.msk [tilespmem:v11+s14+$0x0], $0xffff;
	_ =	sdelay $0x4  }
0x63: {  	v11 =	vsel vm1, v11, v55  }
0x64: {  	[tilespmem:$0x2A0] =	vst v11;
	v11 =	vld [tilespmem:$0x2C0]  }
0x65: {  	v56 =	vld.idx.msk [tilespmem:v10+s14+$0x0], $0xffff;
	_ =	sdelay $0x4  }
0x66: {  	v10 =	vsel vm1, v10, v56  }
0x67: {  	[tilespmem:$0x2B0] =	vst v10;
	v10 =	vld [tilespmem:$0x2D0]  }
0x68: {  	v57 =	vld.idx.msk [tilespmem:v11+s14+$0x0], $0xffff;
	_ =	sdelay $0x4  }
0x69: {  	v11 =	vsel vm1, v11, v57  }
0x6a: {  	[tilespmem:$0x2C0] =	vst v11;
	v11 =	vld [tilespmem:$0x2E0]  }
0x6b: {  	v58 =	vld.idx.msk [tilespmem:v10+s14+$0x0], $0xffff;
	_ =	sdelay $0x4  }
0x6c: {  	v10 =	vsel vm1, v10, v58  }
0x6d: {  	[tilespmem:$0x2D0] =	vst v10;
	v10 =	vld [tilespmem:$0x2F0]  }
0x6e: {  	v59 =	vld.idx.msk [tilespmem:v11+s14+$0x0], $0xffff;
	_ =	sdelay $0x4  }
0x6f: {  	v11 =	vsel vm1, v11, v59  }
0x70: {  	[tilespmem:$0x2E0] =	vst v11;
	v11 =	vld [tilespmem:$0x180]  }
0x71: {  	v60 =	vld.idx.msk [tilespmem:v10+s14+$0x0], $0xffff;
	_ =	sdelay $0x4  }
0x72: {  	v61 =	vld [tilespmem:$0x190];
	v10 =	vsel vm1, v10, v60  }
0x73: {  	[tilespmem:$0x2F0] =	vst v10  }
0x74: {  	v10 =	vld.idx.msk [tilespmem:v11+s14+$0x0], $0xffff;
	_ =	sdelay $0x3  }
0x75: {  	v11 =	vld [tilespmem:$0x1A0]  }
0x76: {  	[tilespmem:$0x200] =	vst v10  }
0x77: {  	v10 =	vld.idx.msk [tilespmem:v61+s14+$0x0], $0xffff;
	_ =	sdelay $0x3  }
0x78: {  	v62 =	vld [tilespmem:$0x1B0]  }
0x79: {  	[tilespmem:$0x210] =	vst v10  }
0x7a: {  	v10 =	vld.idx.msk [tilespmem:v11+s14+$0x0], $0xffff;
	_ =	sdelay $0x3  }
0x7b: {  	v11 =	vld [tilespmem:$0x1C0]  }
0x7c: {  	[tilespmem:$0x220] =	vst v10  }
0x7d: {  	v10 =	vld.idx.msk [tilespmem:v62+s14+$0x0], $0xffff;
	_ =	sdelay $0x3  }
0x7e: {  	v63 =	vld [tilespmem:$0x1D0]  }
0x7f: {  	[tilespmem:$0x230] =	vst v10  }
0x80: {  	v10 =	vld.idx.msk [tilespmem:v11+s14+$0x0], $0xffff;
	_ =	sdelay $0x3  }
0x81: {  	v11 =	vld [tilespmem:$0x1E0]  }
0x82: {  	[tilespmem:$0x240] =	vst v10  }
0x83: {  	v10 =	vld.idx.msk [tilespmem:v63+s14+$0x0], $0xffff;
	_ =	sdelay $0x3  }
0x84: {  	v16 =	vld [tilespmem:$0x1F0]  }
0x85: {  	[tilespmem:$0x250] =	vst v10  }
0x86: {  	v10 =	vld.idx.msk [tilespmem:v11+s14+$0x0], $0xffff;
	_ =	sdelay $0x3  }
0x87: {  	v11 =	vld [tilespmem:$0x280]  }
0x88: {  	[tilespmem:$0x260] =	vst v10  }
0x89: {  	v10 =	vld.idx.msk [tilespmem:v16+s14+$0x0], $0xffff;
	_ =	sdelay $0x4  }
0x8a: {  	[tilespmem:$0x270] =	vst v10;
	v10 =	vld [tilespmem:$0x290]  }
0x8b: {  	v17 =	vld.idx.msk [tilespmem:v11+s15+$0x0], $0xffff;
	_ =	sdelay $0x4  }
0x8c: {  	v11 =	vsel vm2, v11, v17  }
0x8d: {  	[tilespmem:$0x280] =	vst v11;
	v11 =	vld [tilespmem:$0x2A0]  }
0x8e: {  	v18 =	vld.idx.msk [tilespmem:v10+s15+$0x0], $0xffff;
	_ =	sdelay $0x4  }
0x8f: {  	v10 =	vsel vm2, v10, v18  }
0x90: {  	[tilespmem:$0x290] =	vst v10;
	v10 =	vld [tilespmem:$0x2B0]  }
0x91: {  	v19 =	vld.idx.msk [tilespmem:v11+s15+$0x0], $0xffff;
	_ =	sdelay $0x4  }
0x92: {  	v11 =	vsel vm2, v11, v19  }
0x93: {  	[tilespmem:$0x2A0] =	vst v11;
	v11 =	vld [tilespmem:$0x2C0]  }
0x94: {  	v20 =	vld.idx.msk [tilespmem:v10+s15+$0x0], $0xffff;
	_ =	sdelay $0x4  }
0x95: {  	v10 =	vsel vm2, v10, v20  }
0x96: {  	[tilespmem:$0x2B0] =	vst v10;
	v10 =	vld [tilespmem:$0x2D0]  }
0x97: {  	v21 =	vld.idx.msk [tilespmem:v11+s15+$0x0], $0xffff;
	_ =	sdelay $0x4  }
0x98: {  	v11 =	vsel vm2, v11, v21  }
0x99: {  	[tilespmem:$0x2C0] =	vst v11;
	v11 =	vld [tilespmem:$0x2E0]  }
0x9a: {  	v22 =	vld.idx.msk [tilespmem:v10+s15+$0x0], $0xffff;
	_ =	sdelay $0x4  }
0x9b: {  	v10 =	vsel vm2, v10, v22  }
0x9c: {  	[tilespmem:$0x2D0] =	vst v10;
	v10 =	vld [tilespmem:$0x2F0]  }
0x9d: {  	v23 =	vld.idx.msk [tilespmem:v11+s15+$0x0], $0xffff;
	_ =	sdelay $0x4  }
0x9e: {  	v11 =	vsel vm2, v11, v23  }
0x9f: {  	[tilespmem:$0x2E0] =	vst v11;
	v11 =	vld [tilespmem:$0x200]  }
0xa0: {  	v24 =	vld.idx.msk [tilespmem:v10+s15+$0x0], $0xffff;
	_ =	sdelay $0x4  }
0xa1: {  	v25 =	vld [tilespmem:$0x210];
	v10 =	vsel vm2, v10, v24  }
0xa2: {  	[tilespmem:$0x2F0] =	vst v10  }
0xa3: {  	v10 =	vld.idx.msk [tilespmem:v11+s15+$0x0], $0xffff;
	_ =	sdelay $0x3  }
0xa4: {  	v11 =	vld [tilespmem:$0x220]  }
0xa5: {  	[tilespmem:$0x180] =	vst v10  }
0xa6: {  	v10 =	vld.idx.msk [tilespmem:v25+s15+$0x0], $0xffff;
	_ =	sdelay $0x3  }
0xa7: {  	v26 =	vld [tilespmem:$0x230]  }
0xa8: {  	[tilespmem:$0x190] =	vst v10  }
0xa9: {  	v10 =	vld.idx.msk [tilespmem:v11+s15+$0x0], $0xffff;
	_ =	sdelay $0x3  }
0xaa: {  	v11 =	vld [tilespmem:$0x240]  }
0xab: {  	[tilespmem:$0x1A0] =	vst v10  }
0xac: {  	v10 =	vld.idx.msk [tilespmem:v26+s15+$0x0], $0xffff;
	_ =	sdelay $0x3  }
0xad: {  	v27 =	vld [tilespmem:$0x250]  }
0xae: {  	[tilespmem:$0x1B0] =	vst v10  }
0xaf: {  	v10 =	vld.idx.msk [tilespmem:v11+s15+$0x0], $0xffff;
	_ =	sdelay $0x3  }
0xb0: {  	v11 =	vld [tilespmem:$0x260]  }
0xb1: {  	[tilespmem:$0x1C0] =	vst v10  }
0xb2: {  	v10 =	vld.idx.msk [tilespmem:v27+s15+$0x0], $0xffff;
	_ =	sdelay $0x3  }
0xb3: {  	v28 =	vld [tilespmem:$0x270]  }
0xb4: {  	[tilespmem:$0x1D0] =	vst v10  }
0xb5: {  	v10 =	vld.idx.msk [tilespmem:v11+s15+$0x0], $0xffff;
	_ =	sdelay $0x3  }
0xb6: {  	v11 =	vld [tilespmem:$0x280]  }
0xb7: {  	[tilespmem:$0x1E0] =	vst v10  }
0xb8: {  	v10 =	vld.idx.msk [tilespmem:v28+s15+$0x0], $0xffff;
	_ =	sdelay $0x4  }
0xb9: {  	[tilespmem:$0x1F0] =	vst v10;
	v10 =	vld [tilespmem:$0x290]  }
0xba: {  	v29 =	vld.idx.msk [tilespmem:v11+s14+$0x0], $0xffff;
	_ =	sdelay $0x4  }
0xbb: {  	v11 =	vsel vm3, v11, v29  }
0xbc: {  	[tilespmem:$0x280] =	vst v11;
	v11 =	vld [tilespmem:$0x2A0]  }
0xbd: {  	v30 =	vld.idx.msk [tilespmem:v10+s14+$0x0], $0xffff;
	_ =	sdelay $0x4  }
0xbe: {  	v10 =	vsel vm3, v10, v30  }
0xbf: {  	[tilespmem:$0x290] =	vst v10;
	v10 =	vld [tilespmem:$0x2B0]  }
0xc0: {  	v31 =	vld.idx.msk [tilespmem:v11+s14+$0x0], $0xffff;
	_ =	sdelay $0x4  }
0xc1: {  	v11 =	vsel vm3, v11, v31  }
0xc2: {  	[tilespmem:$0x2A0] =	vst v11;
	v11 =	vld [tilespmem:$0x2C0]  }
0xc3: {  	v32 =	vld.idx.msk [tilespmem:v10+s14+$0x0], $0xffff;
	_ =	sdelay $0x4  }
0xc4: {  	v10 =	vsel vm3, v10, v32  }
0xc5: {  	[tilespmem:$0x2B0] =	vst v10;
	v10 =	vld [tilespmem:$0x2D0]  }
0xc6: {  	v33 =	vld.idx.msk [tilespmem:v11+s14+$0x0], $0xffff;
	_ =	sdelay $0x4  }
0xc7: {  	v11 =	vsel vm3, v11, v33  }
0xc8: {  	[tilespmem:$0x2C0] =	vst v11;
	v11 =	vld [tilespmem:$0x2E0]  }
0xc9: {  	v34 =	vld.idx.msk [tilespmem:v10+s14+$0x0], $0xffff;
	_ =	sdelay $0x4  }
0xca: {  	v10 =	vsel vm3, v10, v34  }
0xcb: {  	[tilespmem:$0x2D0] =	vst v10;
	v10 =	vld [tilespmem:$0x2F0]  }
0xcc: {  	v35 =	vld.idx.msk [tilespmem:v11+s14+$0x0], $0xffff;
	_ =	sdelay $0x4  }
0xcd: {  	v11 =	vsel vm3, v11, v35  }
0xce: {  	[tilespmem:$0x2E0] =	vst v11;
	v11 =	vld [tilespmem:$0x180]  }
0xcf: {  	v36 =	vld.idx.msk [tilespmem:v10+s14+$0x0], $0xffff;
	_ =	sdelay $0x4  }
0xd0: {  	v37 =	vld [tilespmem:$0x190];
	v10 =	vsel vm3, v10, v36  }
0xd1: {  	[tilespmem:$0x2F0] =	vst v10  }
0xd2: {  	v10 =	vld.idx.msk [tilespmem:v11+s14+$0x0], $0xffff;
	_ =	sdelay $0x3  }
0xd3: {  	v11 =	vld [tilespmem:$0x1A0]  }
0xd4: {  	[tilespmem:$0x200] =	vst v10  }
0xd5: {  	v10 =	vld.idx.msk [tilespmem:v37+s14+$0x0], $0xffff;
	_ =	sdelay $0x3  }
0xd6: {  	v38 =	vld [tilespmem:$0x1B0]  }
0xd7: {  	[tilespmem:$0x210] =	vst v10  }
0xd8: {  	v10 =	vld.idx.msk [tilespmem:v11+s14+$0x0], $0xffff;
	_ =	sdelay $0x3  }
0xd9: {  	v11 =	vld [tilespmem:$0x1C0]  }
0xda: {  	[tilespmem:$0x220] =	vst v10  }
0xdb: {  	v10 =	vld.idx.msk [tilespmem:v38+s14+$0x0], $0xffff;
	_ =	sdelay $0x3  }
0xdc: {  	v39 =	vld [tilespmem:$0x1D0]  }
0xdd: {  	[tilespmem:$0x230] =	vst v10  }
0xde: {  	v10 =	vld.idx.msk [tilespmem:v11+s14+$0x0], $0xffff;
	_ =	sdelay $0x3  }
0xdf: {  	v11 =	vld [tilespmem:$0x1E0]  }
0xe0: {  	[tilespmem:$0x240] =	vst v10  }
0xe1: {  	v10 =	vld.idx.msk [tilespmem:v39+s14+$0x0], $0xffff;
	_ =	sdelay $0x3  }
0xe2: {  	v40 =	vld [tilespmem:$0x1F0]  }
0xe3: {  	[tilespmem:$0x250] =	vst v10  }
0xe4: {  	v10 =	vld.idx.msk [tilespmem:v11+s14+$0x0], $0xffff;
	_ =	sdelay $0x3  }
0xe5: {  	v11 =	vld [tilespmem:$0x290]  }
0xe6: {  	[tilespmem:$0x260] =	vst v10  }
0xe7: {  	v10 =	vld.idx.msk [tilespmem:v40+s14+$0x0], $0xffff;
	_ =	sdelay $0x3  }
0xe8: {  	v41 =	vld [tilespmem:$0x2B0]  }
0xe9: {  	[tilespmem:$0x270] =	vst v10  }
0xea: {  	v10 =	vld.idx.msk [tilespmem:v11+s15+$0x0], $0xffff;
	_ =	sdelay $0x3  }
0xeb: {  	v11 =	vld [tilespmem:$0x2D0]  }
0xec: {  	[tilespmem:$0x290] =	vst v10  }
0xed: {  	v10 =	vld.idx.msk [tilespmem:v41+s15+$0x0], $0xffff;
	_ =	sdelay $0x3  }
0xee: {  	v42 =	vld [tilespmem:$0x2F0]  }
0xef: {  	[tilespmem:$0x2B0] =	vst v10  }
0xf0: {  	v10 =	vld.idx.msk [tilespmem:v11+s15+$0x0], $0xffff;
	_ =	sdelay $0x3  }
0xf1: {  	v11 =	vld [tilespmem:$0x200]  }
0xf2: {  	[tilespmem:$0x2D0] =	vst v10  }
0xf3: {  	v10 =	vld.idx.msk [tilespmem:v42+s15+$0x0], $0xffff;
	_ =	sdelay $0x3  }
0xf4: {  	v43 =	vld [tilespmem:$0x210]  }
0xf5: {  	[tilespmem:$0x2F0] =	vst v10  }
0xf6: {  	v10 =	vld.idx.msk [tilespmem:v11+s15+$0x0], $0xffff;
	_ =	sdelay $0x3  }
0xf7: {  	v11 =	vld [tilespmem:$0x220]  }
0xf8: {  	[tilespmem:$0x180] =	vst v10  }
0xf9: {  	v10 =	vld.idx.msk [tilespmem:v43+s15+$0x0], $0xffff;
	_ =	sdelay $0x3  }
0xfa: {  	v44 =	vld [tilespmem:$0x230]  }
0xfb: {  	[tilespmem:$0x190] =	vst v10  }
0xfc: {  	v10 =	vld.idx.msk [tilespmem:v11+s15+$0x0], $0xffff;
	_ =	sdelay $0x3  }
0xfd: {  	v11 =	vld [tilespmem:$0x240]  }
0xfe: {  	[tilespmem:$0x1A0] =	vst v10  }
0xff: {  	v10 =	vld.idx.msk [tilespmem:v44+s15+$0x0], $0xffff;
	_ =	sdelay $0x3  }
0x100: {  	v45 =	vld [tilespmem:$0x250]  }
0x101: {  	[tilespmem:$0x1B0] =	vst v10  }
0x102: {  	v10 =	vld.idx.msk [tilespmem:v11+s15+$0x0], $0xffff;
	_ =	sdelay $0x3  }
0x103: {  	v11 =	vld [tilespmem:$0x260]  }
0x104: {  	[tilespmem:$0x1C0] =	vst v10  }
0x105: {  	v10 =	vld.idx.msk [tilespmem:v45+s15+$0x0], $0xffff;
	_ =	sdelay $0x3  }
0x106: {  	v46 =	vld [tilespmem:$0x270]  }
0x107: {  	[tilespmem:$0x1D0] =	vst v10  }
0x108: {  	v10 =	vld.idx.msk [tilespmem:v11+s15+$0x0], $0xffff;
	_ =	sdelay $0x3  }
0x109: {  	v11 =	vld [tilespmem:$0x2A0]  }
0x10a: {  	[tilespmem:$0x1E0] =	vst v10  }
0x10b: {  	v10 =	vld.idx.msk [tilespmem:v46+s15+$0x0], $0xffff;
	_ =	sdelay $0x3  }
0x10c: {  	v47 =	vld [tilespmem:$0x2B0]  }
0x10d: {  	[tilespmem:$0x1F0] =	vst v10  }
0x10e: {  	v10 =	vld.idx.msk [tilespmem:v11+s14+$0x0], $0xffff;
	_ =	sdelay $0x3  }
0x10f: {  	v11 =	vld [tilespmem:$0x2E0]  }
0x110: {  	[tilespmem:$0x2A0] =	vst v10  }
0x111: {  	v10 =	vld.idx.msk [tilespmem:v47+s14+$0x0], $0xffff;
	_ =	sdelay $0x3  }
0x112: {  	v48 =	vld [tilespmem:$0x2F0]  }
0x113: {  	[tilespmem:$0x2B0] =	vst v10  }
0x114: {  	v10 =	vld.idx.msk [tilespmem:v11+s14+$0x0], $0xffff;
	_ =	sdelay $0x3  }
0x115: {  	v11 =	vld [tilespmem:$0x180]  }
0x116: {  	[tilespmem:$0x2E0] =	vst v10  }
0x117: {  	v10 =	vld.idx.msk [tilespmem:v48+s14+$0x0], $0xffff;
	_ =	sdelay $0x3  }
0x118: {  	v49 =	vld [tilespmem:$0x190]  }
0x119: {  	[tilespmem:$0x2F0] =	vst v10  }
0x11a: {  	v10 =	vld.idx.msk [tilespmem:v11+s14+$0x0], $0xffff;
	_ =	sdelay $0x3  }
0x11b: {  	v11 =	vld [tilespmem:$0x1A0]  }
0x11c: {  	[tilespmem:$0x200] =	vst v10  }
0x11d: {  	v10 =	vld.idx.msk [tilespmem:v49+s14+$0x0], $0xffff;
	_ =	sdelay $0x3  }
0x11e: {  	v50 =	vld [tilespmem:$0x1B0]  }
0x11f: {  	[tilespmem:$0x210] =	vst v10  }
0x120: {  	v10 =	vld.idx.msk [tilespmem:v11+s14+$0x0], $0xffff;
	_ =	sdelay $0x3  }
0x121: {  	v11 =	vld [tilespmem:$0x1C0]  }
0x122: {  	[tilespmem:$0x220] =	vst v10  }
0x123: {  	v10 =	vld.idx.msk [tilespmem:v50+s14+$0x0], $0xffff;
	_ =	sdelay $0x3  }
0x124: {  	v51 =	vld [tilespmem:$0x1D0]  }
0x125: {  	[tilespmem:$0x230] =	vst v10  }
0x126: {  	v10 =	vld.idx.msk [tilespmem:v11+s14+$0x0], $0xffff;
	_ =	sdelay $0x3  }
0x127: {  	v11 =	vld [tilespmem:$0x1E0]  }
0x128: {  	[tilespmem:$0x240] =	vst v10  }
0x129: {  	v10 =	vld.idx.msk [tilespmem:v51+s14+$0x0], $0xffff;
	_ =	sdelay $0x3  }
0x12a: {  	v52 =	vld [tilespmem:$0x1F0]  }
0x12b: {  	[tilespmem:$0x250] =	vst v10  }
0x12c: {  	v10 =	vld.idx.msk [tilespmem:v11+s14+$0x0], $0xffff;
	_ =	sdelay $0x3  }
0x12d: {  	v11 =	vld [tilespmem:$0x2C0]  }
0x12e: {  	[tilespmem:$0x260] =	vst v10  }
0x12f: {  	v10 =	vld.idx.msk [tilespmem:v52+s14+$0x0], $0xffff;
	_ =	sdelay $0x3  }
0x130: {  	v53 =	vld [tilespmem:$0x2D0]  }
0x131: {  	[tilespmem:$0x270] =	vst v10  }
0x132: {  	v10 =	vld.idx.msk [tilespmem:v11+s15+$0x0], $0xffff;
	_ =	sdelay $0x3  }
0x133: {  	v11 =	vld [tilespmem:$0x2E0]  }
0x134: {  	[tilespmem:$0x2C0] =	vst v10  }
0x135: {  	v10 =	vld.idx.msk [tilespmem:v53+s15+$0x0], $0xffff;
	_ =	sdelay $0x3  }
0x136: {  	v54 =	vld [tilespmem:$0x2F0]  }
0x137: {  	[tilespmem:$0x2D0] =	vst v10  }
0x138: {  	v10 =	vld.idx.msk [tilespmem:v11+s15+$0x0], $0xffff;
	_ =	sdelay $0x3  }
0x139: {  	v11 =	vld [tilespmem:$0x280]  }
0x13a: {  	[tilespmem:$0x2E0] =	vst v10  }
0x13b: {  	v10 =	vld.idx.msk [tilespmem:v54+s15+$0x0], $0xffff;
	_ =	sdelay $0x4  }
0x13c: {  	v55 =	vld [tilespmem:$0x290];
	[tilespmem:$0x2F0] =	vst v10  }
0x13d: {  	v10 =	vld.idx.msk [tilespmem:v11+s11+$0x0], $0xffff;
	_ =	sdelay $0x4  }
0x13e: {  	v10 =	vperm.xlane v10, v8;
	_ =	sdelay $0x1  }
0x13f: {  	v13 =	vld [tilespmem:$0x2A0];
	[tilespmem:$0x370] =	vst v10  }
0x140: {  	v10 =	vld.idx.msk [tilespmem:v55+s11+$0x0], $0xffff;
	_ =	sdelay $0x4  }
0x141: {  	v10 =	vperm.xlane v10, v8;
	_ =	sdelay $0x1  }
0x142: {  	v14 =	vld [tilespmem:$0x2B0];
	[tilespmem:$0x360] =	vst v10  }
0x143: {  	v10 =	vld.idx.msk [tilespmem:v13+s11+$0x0], $0xffff;
	_ =	sdelay $0x4  }
0x144: {  	v10 =	vperm.xlane v10, v8;
	_ =	sdelay $0x1  }
0x145: {  	v15 =	vld [tilespmem:$0x2C0];
	[tilespmem:$0x350] =	vst v10  }
0x146: {  	v10 =	vld.idx.msk [tilespmem:v14+s11+$0x0], $0xffff;
	_ =	sdelay $0x4  }
0x147: {  	v10 =	vperm.xlane v10, v8;
	_ =	sdelay $0x1  }
0x148: {  	[tilespmem:$0x340] =	vst v10  }
0x149: {  	v10 =	vld.idx.msk [tilespmem:v15+s11+$0x0], $0xffff;
	_ =	sdelay $0x4  }
0x14a: {  	v16 =	vld [tilespmem:$0x2D0];
	v10 =	vperm.xlane v10, v8  }
0x14b: {  	vm5 =	vgt.s32 v55, $0x0;
	vm4 =	vgt.s32 v11, $0x0;
	v11 =	vld [tilespmem:$0x2E0]  }
0x14c: {  	v17 =	vsel vm5, $0x1, v9;
	v56 =	vsel vm4, $0x1, v9;
	vm4 =	vgt.s32 v13, $0x0;
	[tilespmem:$0x330] =	vst v10;
	v10 =	vld [tilespmem:$0x2F0]  }
0x14d: {  	v12 =	vadd.s32 v56, v17;
	v13 =	vsel vm4, $0x1, v9;
	vm4 =	vgt.s32 v14, $0x0  }
0x14e: {  	v12 =	vadd.s32 v13, v12;
	v58 =	vsel vm4, $0x1, v9;
	vm4 =	vgt.s32 v15, $0x0  }
0x14f: {  	v12 =	vadd.s32 v58, v12;
	v59 =	vsel vm4, $0x1, v9;
	vm4 =	vgt.s32 v16, $0x0  }
0x150: {  	v12 =	vadd.s32 v59, v12;
	v60 =	vsel vm4, $0x1, v9;
	vm4 =	vgt.s32 v11, $0x0  }
0x151: {  	v12 =	vadd.s32 v60, v12;
	v61 =	vsel vm4, $0x1, v9;
	vm4 =	vgt.s32 v10, $0x0  }
0x152: {  	v12 =	vadd.s32 v61, v12;
	v63 =	vsel vm4, $0x1, v9  }
0x153: {  	v12 =	vadd.s32 v63, v12  }
0x154: {  	(xrf0) =	vadd.scan.msk.s32 $0xffff, v12;
	_ =	sdelay $0x2  }
0x155: {  	v57 =	vld.idx.msk [tilespmem:v16+s11+$0x0], $0xffff;
	_ =	sdelay $0x2  }
0x156: {  	v12, _, _ =	vpop (xrf0)  }
0x157: {  	(v2sf) =	vpush v12, $0xF  }
0x158: {  	v62 =	vperm.xlane v57, v8;
	_ =	sdelay $0x1  }
0x159: {  	[tilespmem:$0x320] =	vst v62  }
0x15a: {  	v11 =	vld.idx.msk [tilespmem:v11+s11+$0x0], $0xffff;
	_ =	sdelay $0x4  }
0x15b: {  	v11 =	vperm.xlane v11, v8;
	_ =	sdelay $0x1  }
0x15c: {  	[tilespmem:$0x310] =	vst v11  }
0x15d: {  	v10 =	vld.idx.msk [tilespmem:v10+s11+$0x0], $0xffff;
	[tilespmem:$0x380] =	vst v0  }
0x15e: {  	[tilespmem:$0x400] =	vst v1  }
0x15f: {  	[tilespmem:$0x480] =	vst v2  }
0x160: {  	[tilespmem:$0x500] =	vst v3;
	s12 =	spop (v2sf)  }
0x161: {  	[tilespmem:$0x580] =	vst v4;
	s26 =	sadd.s32 $0x1, s12;
	s12 =	ssub.s32 $0x7F, s12  }
0x162: {  	[tilespmem:$0x600] =	vst v5;
	p0 =	sgt.s32 s12, $0xF  }
.Ltmp0:
0x163: {  	[tilespmem:$0x680] =	vst v6;
	v10 =	vperm.xlane v10, v8;
	(pc) =	sbr.rel @p0 .LBB2_3-.Ltmp0, $4  }
0x164: {  	[tilespmem:$0x700] =	vst v7  }
0x165: {  	[tilespmem:$0x300] =	vst v10;
	v10 =	vmov s26  }
0x166: {  	[tilespmem:$0x4780] =	vst v10  }
0x167: {  	[hbm4b:s9+s3] =	stream.linear.scatter [tilespmem:s16], [sflag:$0x1], $0x80, $0x38;
	[tilespmem:$0x4800] =	vst v63  }
.Ltmp1:
0x168: {  	(pc) =	sbr.rel .LBB2_4-.Ltmp1, $3  }
0x169: {  	_ =	sdelay $0x1  }
0x16a: {  	s12 =	simm.s32 $0x300  }
0x16b: {  	[tilespmem:s19], [sflag:$0x1] =	stream.indirect.gather [hbm4b:s1+s17], $0x80, s12, s17, $0xb8;
	[tilespmem:$0x4800] =	vst v63  }
.LBB2_3:
0x16c: {  	p1 =	sgt.u32 s12, $0x1F  }
.Ltmp2:
0x16d: {  	_ = 	snop;
	(pc) =	sbr.rel @p1 .LBB2_5-.Ltmp2, $1  }
0x16e: {  	_ =	sdelay $0x3  }
.LBB2_4:
0x16f: {  	s12 =	simm.s32 $0x310;
	p2 =	por $0x1, $0x1  }
0x170: {  	[tilespmem:s21], [sflag:$0x1] =	stream.indirect.gather [hbm4b:s1+s17], $0x80, s12, s17, $0xb8;
	[tilespmem:$0x4800] =	vst v63  }
.LBB2_6:
0x171: {  	s12 =	simm.s32 $0x320;
	p1 =	por $0x1, $0x1  }
0x172: {  	[tilespmem:s23], [sflag:$0x1] =	stream.indirect.gather [hbm4b:s1+s17], $0x80, s12, s17, $0xb8;
	[tilespmem:$0x4800] =	vst v63  }
.LBB2_8:
0x173: {  	s12 =	simm.s32 $0x330;
	p3 =	por $0x1, $0x1  }
0x174: {  	[tilespmem:s25], [sflag:$0x1] =	stream.indirect.gather [hbm4b:s1+s17], $0x80, s12, s17, $0xb8;
	[tilespmem:$0x4800] =	vst v63  }
.LBB2_9:
0x175: {  	s12 =	simm.s32 $0x340  }
0x176: {  	[tilespmem:s28], [sflag:$0x1] =	stream.indirect.gather [hbm4b:s1+s17], $0x80, s12, s17, $0xb8;
	[tilespmem:$0x4800] =	vst v63  }
0x177: {  	_ = 	snop  }
0x178: {  	[tilespmem:s30], [sflag:$0x1] =	stream.indirect.gather [hbm4b:s1+s17], $0x80, s29, s17, $0xb8;
	[tilespmem:$0x4800] =	vst v63  }
.Ltmp3:
0x179: {  	_ = 	snop;
	(pc) =	sbr.rel @p0 .LBB2_18-.Ltmp3, $4  }
0x17a: {  	_ = 	snop  }
0x17b: {  	[tilespmem:s2], [sflag:$0x1] =	stream.indirect.gather [hbm4b:s1+s17], $0x80, s31, s17, $0xb8;
	[tilespmem:$0x4800] =	vst v63  }
0x17c: {  	_ = 	snop  }
0x17d: {  	[tilespmem:s18], [sflag:$0x1] =	stream.indirect.gather [hbm4b:s1+s17], $0x80, s0, s17, $0xb8;
	[tilespmem:$0x4800] =	vst v63  }
.Ltmp4:
0x17e: {  	(pc) =	sbr.rel @p2 .LBB2_19-.Ltmp4, $4  }
0x17f: {  	_ = 	snop  }
0x180: {  	_ =	swait.ge [sflag:s13], $0x800  }
0x181: {  	[sflag:s13] =	ssyncset.done $0x0  }
0x182: {  	[sflag:s13] =	ssyncadd.s32 $0xFFFFF800  }
.LBB2_11:
.Ltmp5:
0x183: {  	(pc) =	sbr.rel @!p1 .LBB2_12-.Ltmp5, $2  }
0x184: {  	_ =	sdelay $0x2  }
0x185: {  	p2 =	por $0x0, $0x0  }
.LBB2_20:
.Ltmp6:
0x186: {  	(pc) =	sbr.rel @!p3 .LBB2_22-.Ltmp6, $4  }
.Ltmp7:
0x187: {  	(pc) =	sbr.rel @p3 .LBB2_21-.Ltmp7, $4  }
0x188: {  	_ =	swait.ge [sflag:s13], $0x800  }
0x189: {  	[sflag:s13] =	ssyncset.done $0x0  }
0x18a: {  	p1 =	por $0x0, $0x0;
	p4 =	por $0x1, $0x1;
	[sflag:s13] =	ssyncadd.s32 $0xFFFFF800  }
0x18b: {  	_ = 	snop  }
.LBB2_18:
.Ltmp8:
0x18c: {  	(pc) =	sbr.rel @!p2 .LBB2_11-.Ltmp8, $1  }
0x18d: {  	_ =	sdelay $0x3  }
.LBB2_19:
.Ltmp9:
0x18e: {  	(pc) =	sbr.rel @p1 .LBB2_20-.Ltmp9, $4  }
0x18f: {  	_ = 	snop  }
0x190: {  	_ =	swait.ge [sflag:s13], $0x800  }
0x191: {  	[sflag:s13] =	ssyncset.done $0x0  }
0x192: {  	p2 =	por $0x1, $0x1;
	[sflag:s13] =	ssyncadd.s32 $0xFFFFF800  }
.LBB2_12:
.Ltmp10:
0x193: {  	(pc) =	sbr.rel @!p3 .LBB2_22-.Ltmp10, $2  }
0x194: {  	_ =	sdelay $0x2  }
0x195: {  	p4 =	por $0x0, $0x0;
	p1 =	por $0x0, $0x0  }
.LBB2_21:
0x196: {  	_ =	swait.ge [sflag:s13], $0x800  }
0x197: {  	[sflag:s13] =	ssyncset.done $0x0  }
0x198: {  	p1 =	por $0x1, $0x1;
	[sflag:s13] =	ssyncadd.s32 $0xFFFFF800  }
.LBB2_22:
0x199: {  	_ =	swait.ge [sflag:s13], $0x800  }
0x19a: {  	[sflag:s13] =	ssyncset.done $0x0  }
0x19b: {  	p3 =	por $0x1, $0x1;
	[sflag:s13] =	ssyncadd.s32 $0xFFFFF800  }
.LBB2_23:
0x19c: {  	_ =	swait.ge [sflag:s13], $0x800  }
0x19d: {  	[sflag:s13] =	ssyncset.done $0x0  }
0x19e: {  	[sflag:s13] =	ssyncadd.s32 $0xFFFFF800  }
0x19f: {  	_ =	swait.ge [sflag:s13], $0x800  }
.Ltmp11:
0x1a0: {  	[sflag:s13] =	ssyncset.done $0x0;
	(pc) =	sbr.rel @p0 .LBB2_28-.Ltmp11, $4  }
0x1a1: {  	[sflag:s13] =	ssyncadd.s32 $0xFFFFF800  }
0x1a2: {  	_ =	swait.ge [sflag:s13], $0x800  }
0x1a3: {  	[sflag:s13] =	ssyncset.done $0x0  }
0x1a4: {  	[sflag:s13] =	ssyncadd.s32 $0xFFFFF800  }
.Ltmp12:
0x1a5: {  	(pc) =	sbr.rel @p2 .LBB2_29-.Ltmp12, $3  }
0x1a6: {  	_ =	sdelay $0x1  }
0x1a7: {  	s12 =	simm.s32 $0x380  }
0x1a8: {  	[hbm4b:s5+s17] =	stream.indirect.scatter [tilespmem:s19], [sflag:$0x1], $0x80, s12, s17, $0xb8;
	[tilespmem:$0x4800] =	vst v63  }
.LBB2_25:
.Ltmp13:
0x1a9: {  	(pc) =	sbr.rel @!p4 .LBB2_26-.Ltmp13, $2  }
0x1aa: {  	_ =	sdelay $0x2  }
0x1ab: {  	p2 =	por $0x0, $0x0  }
.LBB2_30:
.Ltmp14:
0x1ac: {  	(pc) =	sbr.rel @p1 .LBB2_31-.Ltmp14, $3  }
0x1ad: {  	_ =	sdelay $0x1  }
0x1ae: {  	s12 =	simm.s32 $0x480;
	p4 =	por $0x1, $0x1  }
0x1af: {  	[hbm4b:s5+s17] =	stream.indirect.scatter [tilespmem:s23], [sflag:$0x1], $0x80, s12, s17, $0xb8;
	[tilespmem:$0x4800] =	vst v63  }
.LBB2_27:
.Ltmp15:
0x1b0: {  	(pc) =	sbr.rel @!p3 .LBB2_33-.Ltmp15, $2  }
0x1b1: {  	_ =	sdelay $0x2  }
0x1b2: {  	p5 =	por $0x0, $0x0;
	p1 =	por $0x0, $0x0  }
.LBB2_32:
0x1b3: {  	s12 =	simm.s32 $0x580;
	p1 =	por $0x1, $0x1  }
0x1b4: {  	[hbm4b:s5+s17] =	stream.indirect.scatter [tilespmem:s28], [sflag:$0x1], $0x80, s12, s17, $0xb8;
	[tilespmem:$0x4800] =	vst v63  }
.LBB2_33:
0x1b5: {  	[hbm4b:s5+s17] =	stream.indirect.scatter [tilespmem:s30], [sflag:$0x1], $0x80, s20, s17, $0xb8;
	[tilespmem:$0x4800] =	vst v63  }
.Ltmp16:
0x1b6: {  	_ = 	snop;
	(pc) =	sbr.rel @p0 .LBB2_38-.Ltmp16, $4  }
0x1b7: {  	_ = 	snop  }
0x1b8: {  	[hbm4b:s5+s17] =	stream.indirect.scatter [tilespmem:s2], [sflag:$0x1], $0x80, s22, s17, $0xb8;
	[tilespmem:$0x4800] =	vst v63  }
0x1b9: {  	_ = 	snop  }
0x1ba: {  	[hbm4b:s5+s17] =	stream.indirect.scatter [tilespmem:s18], [sflag:$0x1], $0x80, s24, s17, $0xb8;
	[tilespmem:$0x4800] =	vst v63  }
.Ltmp17:
0x1bb: {  	(pc) =	sbr.rel @p2 .LBB2_39-.Ltmp17, $4  }
0x1bc: {  	_ = 	snop  }
0x1bd: {  	_ =	swait.ge [sflag:s13], $0x800  }
0x1be: {  	[sflag:s13] =	ssyncset.done $0x0  }
0x1bf: {  	[sflag:s13] =	ssyncadd.s32 $0xFFFFF800  }
.LBB2_35:
.Ltmp18:
0x1c0: {  	(pc) =	sbr.rel @!p4 .LBB2_36-.Ltmp18, $1  }
0x1c1: {  	_ =	sdelay $0x3  }
.LBB2_40:
.Ltmp19:
0x1c2: {  	(pc) =	sbr.rel @p5 .LBB2_41-.Ltmp19, $4  }
0x1c3: {  	_ = 	snop  }
0x1c4: {  	_ =	swait.ge [sflag:s13], $0x800  }
0x1c5: {  	[sflag:s13] =	ssyncset.done $0x0  }
0x1c6: {  	[sflag:s13] =	ssyncadd.s32 $0xFFFFF800  }
.LBB2_37:
.Ltmp20:
0x1c7: {  	(pc) =	sbr.rel @!p1 .LBB2_43-.Ltmp20, $1  }
0x1c8: {  	_ =	sdelay $0x3  }
.LBB2_42:
0x1c9: {  	_ =	swait.ge [sflag:s13], $0x800  }
0x1ca: {  	[sflag:s13] =	ssyncset.done $0x0  }
0x1cb: {  	[sflag:s13] =	ssyncadd.s32 $0xFFFFF800  }
.LBB2_43:
0x1cc: {  	_ =	swait.ge [sflag:s13], $0x800  }
0x1cd: {  	[sflag:s13] =	ssyncset.done $0x0  }
0x1ce: {  	[sflag:s13] =	ssyncadd.s32 $0xFFFFF800  }
.LBB2_45:
0x1cf: {  	_ =	swait.ge [sflag:s13], $0x800  }
0x1d0: {  	[sflag:s13] =	ssyncset.done $0x0  }
0x1d1: {  	[sflag:s13] =	ssyncadd.s32 $0xFFFFF800  }
.LBB2_46:
0x1d2: {  	_ =	swait.ge [sflag:s13], $0x800  }
0x1d3: {  	[sflag:s13] =	ssyncset.done $0x0  }
0x1d4: {  	[sflag:s13] =	ssyncadd.s32 $0xFFFFF800  }
.LBB2_47:
0x1d5: {  	s10 =	sadd.s32 $0xFFFFFFFF, s10  }
0x1d6: {  	p0 =	sne.s32 s10, $0x0  }
.Ltmp21:
0x1d7: {  	_ = 	snop;
	(pc) =	sbr.rel @p0 .LBB2_1-.Ltmp21, $4  }
.Ltmp22:
0x1d8: {  	_ = 	snop;
	(pc) =	sbr.rel @!p0 .LBB2_48-.Ltmp22, $4  }
0x1d9: {  	_ =	swait.ge [sflag:s13], $0x80  }
0x1da: {  	[sflag:s13] =	ssyncset.done $0x0  }
0x1db: {  	[sflag:s13] =	ssyncadd.s32 $0xFFFFFF80  }
0x1dc: {  	_ = 	snop  }
.LBB2_28:
.Ltmp23:
0x1dd: {  	(pc) =	sbr.rel @!p2 .LBB2_25-.Ltmp23, $1  }
0x1de: {  	_ =	sdelay $0x3  }
.LBB2_29:
.Ltmp24:
0x1df: {  	(pc) =	sbr.rel @p4 .LBB2_30-.Ltmp24, $3  }
0x1e0: {  	_ =	sdelay $0x1  }
0x1e1: {  	s12 =	simm.s32 $0x400;
	p2 =	por $0x1, $0x1  }
0x1e2: {  	[hbm4b:s5+s17] =	stream.indirect.scatter [tilespmem:s21], [sflag:$0x1], $0x80, s12, s17, $0xb8;
	[tilespmem:$0x4800] =	vst v63  }
.LBB2_26:
.Ltmp25:
0x1e3: {  	(pc) =	sbr.rel @!p1 .LBB2_27-.Ltmp25, $2  }
0x1e4: {  	_ =	sdelay $0x2  }
0x1e5: {  	p4 =	por $0x0, $0x0  }
.LBB2_31:
.Ltmp26:
0x1e6: {  	(pc) =	sbr.rel @!p3 .LBB2_33-.Ltmp26, $4  }
.Ltmp27:
0x1e7: {  	(pc) =	sbr.rel @p3 .LBB2_32-.Ltmp27, $4  }
0x1e8: {  	_ = 	snop  }
0x1e9: {  	s12 =	simm.s32 $0x500;
	p1 =	por $0x0, $0x0;
	p5 =	por $0x1, $0x1  }
0x1ea: {  	[hbm4b:s5+s17] =	stream.indirect.scatter [tilespmem:s25], [sflag:$0x1], $0x80, s12, s17, $0xb8;
	[tilespmem:$0x4800] =	vst v63  }
0x1eb: {  	_ = 	snop  }
.LBB2_38:
.Ltmp28:
0x1ec: {  	(pc) =	sbr.rel @!p2 .LBB2_35-.Ltmp28, $1  }
0x1ed: {  	_ =	sdelay $0x3  }
.LBB2_39:
.Ltmp29:
0x1ee: {  	(pc) =	sbr.rel @p4 .LBB2_40-.Ltmp29, $4  }
0x1ef: {  	_ = 	snop  }
0x1f0: {  	_ =	swait.ge [sflag:s13], $0x800  }
0x1f1: {  	[sflag:s13] =	ssyncset.done $0x0  }
0x1f2: {  	[sflag:s13] =	ssyncadd.s32 $0xFFFFF800  }
.LBB2_36:
.Ltmp30:
0x1f3: {  	(pc) =	sbr.rel @!p5 .LBB2_37-.Ltmp30, $1  }
0x1f4: {  	_ =	sdelay $0x3  }
.LBB2_41:
.Ltmp31:
0x1f5: {  	(pc) =	sbr.rel @!p1 .LBB2_43-.Ltmp31, $4  }
.Ltmp32:
0x1f6: {  	(pc) =	sbr.rel @p1 .LBB2_42-.Ltmp32, $4  }
0x1f7: {  	_ =	swait.ge [sflag:s13], $0x800  }
0x1f8: {  	[sflag:s13] =	ssyncset.done $0x0  }
0x1f9: {  	[sflag:s13] =	ssyncadd.s32 $0xFFFFF800  }
0x1fa: {  	_ = 	snop  }
.LBB2_5:
0x1fb: {  	p1 =	sgt.u32 s12, $0x2F  }
.Ltmp33:
0x1fc: {  	_ = 	snop;
	(pc) =	sbr.rel @!p1 .LBB2_6-.Ltmp33, $2  }
0x1fd: {  	_ =	sdelay $0x2  }
0x1fe: {  	p2 =	por $0x0, $0x0  }
0x1ff: {  	p3 =	sgt.u32 s12, $0x3F  }
.Ltmp34:
0x200: {  	_ = 	snop;
	(pc) =	sbr.rel @!p3 .LBB2_8-.Ltmp34, $2  }
0x201: {  	_ =	sdelay $0x2  }
0x202: {  	p2 =	por $0x0, $0x0;
	p1 =	por $0x0, $0x0  }
0x203: {  	p4 =	slt.u32 s12, $0x50  }
.Ltmp35:
0x204: {  	_ = 	snop;
	(pc) =	sbr.rel @p4 .LBB2_9-.Ltmp35, $2  }
0x205: {  	_ =	sdelay $0x2  }
0x206: {  	p1 =	por $0x0, $0x0;
	p2 =	por $0x0, $0x0;
	p3 =	por $0x0, $0x0  }
0x207: {  	p1 =	slt.u32 s12, $0x60  }
.Ltmp36:
0x208: {  	_ = 	snop;
	(pc) =	sbr.rel @!p1 .LBB2_15-.Ltmp36, $1  }
0x209: {  	_ =	sdelay $0x3  }
0x20a: {  	[tilespmem:s30], [sflag:$0x1] =	stream.indirect.gather [hbm4b:s1+s17], $0x80, s29, s17, $0xb8;
	[tilespmem:$0x4800] =	vst v63  }
.Ltmp37:
0x20b: {  	_ = 	snop;
	(pc) =	sbr.rel .LBB2_23-.Ltmp37, $4  }
0x20c: {  	p1 =	por $0x0, $0x0  }
0x20d: {  	[tilespmem:s2], [sflag:$0x1] =	stream.indirect.gather [hbm4b:s1+s17], $0x80, s31, s17, $0xb8;
	[tilespmem:$0x4800] =	vst v63  }
0x20e: {  	p2 =	por $0x0, $0x0;
	p4 =	por $0x0, $0x0;
	p3 =	por $0x0, $0x0  }
0x20f: {  	[tilespmem:s18], [sflag:$0x1] =	stream.indirect.gather [hbm4b:s1+s17], $0x80, s0, s17, $0xb8;
	[tilespmem:$0x4800] =	vst v63  }
.LBB2_15:
0x210: {  	p0 =	slt.u32 s12, $0x70  }
.Ltmp38:
0x211: {  	_ = 	snop;
	(pc) =	sbr.rel @!p0 .LBB2_16-.Ltmp38, $1  }
0x212: {  	_ =	sdelay $0x3  }
0x213: {  	[tilespmem:s2], [sflag:$0x1] =	stream.indirect.gather [hbm4b:s1+s17], $0x80, s31, s17, $0xb8;
	[tilespmem:$0x4800] =	vst v63  }
0x214: {  	_ = 	snop  }
0x215: {  	[tilespmem:s18], [sflag:$0x1] =	stream.indirect.gather [hbm4b:s1+s17], $0x80, s0, s17, $0xb8;
	[tilespmem:$0x4800] =	vst v63  }
0x216: {  	_ =	swait.ge [sflag:s13], $0x800  }
0x217: {  	[sflag:s13] =	ssyncset.done $0x0  }
0x218: {  	[sflag:s13] =	ssyncadd.s32 $0xFFFFF800  }
0x219: {  	_ =	swait.ge [sflag:s13], $0x800  }
.Ltmp39:
0x21a: {  	[sflag:s13] =	ssyncset.done $0x0;
	(pc) =	sbr.rel .LBB2_45-.Ltmp39, $4  }
0x21b: {  	[sflag:s13] =	ssyncadd.s32 $0xFFFFF800  }
0x21c: {  	[hbm4b:s5+s17] =	stream.indirect.scatter [tilespmem:s2], [sflag:$0x1], $0x80, s22, s17, $0xb8;
	[tilespmem:$0x4800] =	vst v63  }
0x21d: {  	_ = 	snop  }
0x21e: {  	[hbm4b:s5+s17] =	stream.indirect.scatter [tilespmem:s18], [sflag:$0x1], $0x80, s24, s17, $0xb8;
	[tilespmem:$0x4800] =	vst v63  }
.LBB2_16:
0x21f: {  	p0 =	slt.u32 s12, $0x80  }
.Ltmp40:
0x220: {  	_ = 	snop;
	(pc) =	sbr.rel @!p0 .LBB2_47-.Ltmp40, $1  }
0x221: {  	_ =	sdelay $0x3  }
0x222: {  	[tilespmem:s18], [sflag:$0x1] =	stream.indirect.gather [hbm4b:s1+s17], $0x80, s0, s17, $0xb8;
	[tilespmem:$0x4800] =	vst v63  }
.Ltmp41:
0x223: {  	_ = 	snop;
	(pc) =	sbr.rel .LBB2_46-.Ltmp41, $4  }
0x224: {  	_ =	swait.ge [sflag:s13], $0x800  }
0x225: {  	[sflag:s13] =	ssyncset.done $0x0  }
0x226: {  	[sflag:s13] =	ssyncadd.s32 $0xFFFFF800  }
0x227: {  	[hbm4b:s5+s17] =	stream.indirect.scatter [tilespmem:s18], [sflag:$0x1], $0x80, s24, s17, $0xb8;
	[tilespmem:$0x4800] =	vst v63  }
.LBB2_48:
0x228: {  	_ =	sfence.sel $0x180000  }
0x229: {  	[bflag:$0x0] =	sbarrier.arrive $0xFFFF  }
0x22a: {  	_ =	strace $0x90000047  }
0x22b: {  	s0 =	stileid.u32;
	[bflag:$0x2] =	sbarrier.arrive $0xFFFF  }
0x22c: {  	p0 =	sne.s32 s0, $0x0;
	s0 =	rddreg [dreg:$0x5]  }
0x22d: {  	s0 =	sadd.s32 @!p0 $0x100000, s0  }
0x22e: {  	[sflag:s0] =	ssyncadd.tile.s32 @!p0 $0x1;
	_ =	shalt  }
.Lfunc_end2:
_tile_overlayer_lowered:
.L_overlay_start_2:
0x22f: {  	(tag) =	ssettag $0x2  }
0x230: {  	s0 =	rddreg [dreg:$0x0];
	s2 =	stileid.u32  }
0x231: {  	s1 =	rddreg [dreg:$0x1];
	p0 =	sne.s32 s2, $0x0  }
0x232: {  	s3 =	rddreg [dreg:$0x2];
	[bflag:$0x3] =	sbarrier.arrive $0xFFFF;
	s2 =	simm.s32 @!p0 $0x1C02  }
0x233: {  	[timem:s3], [sflag:s2] =	dma.local @!p0 [hbm:s0], s1  }
0x234: {  	s0 =	simm.s32 @!p0 $0x2  }
0x235: {  	_ =	swait.ge @!p0 [sflag:s0], s1  }
0x236: {  	s1 =	ssub.s32 @!p0 $0x0, s1;
	[sflag:s0] =	ssyncset.done @!p0 $0x0  }
0x237: {  	[sflag:s0] =	ssyncadd.s32 @!p0 s1  }
0x238: {  	[bflag:$0x3] =	sbarrier.arrive $0xFFFF  }
0x239: {  	_ =	shalt  }

</sc_bundles>
